<compile_context>
chip_gen: v7x
topology: tpu7x:2x2x1
jax: 0.10.2.dev20260603
libtpu: 0.0.44.dev20260713+nightly
codegen_flags: <defaults>
</compile_context>

<pallas_src>
import functools

import jax
import jax.numpy as jnp
from jax import lax
from jax.experimental import pallas as pl
from jax.experimental.pallas import tpu as pltpu
from jax.experimental.pallas import tpu_sc as plsc

N = 10000
E = 320000
N_PAD = 10240
NTILES = 32
ZR = N_PAD // 16
CHUNK = 128
NBUF = 8
CPW = NBUF * (-(-E // (NTILES * CHUNK * NBUF)))
E_PAD = NTILES * CHUNK * CPW
NCH = E_PAD // CHUNK
CPW0 = 144
CPW1 = 16
_SLABC = 72

_f32 = jnp.float32
_i32 = jnp.int32



def _sc_mesh():
    return plsc.VectorSubcoreMesh(core_axis_name="c", subcore_axis_name="s")


@functools.partial(jax.jit, static_argnames=("d",))
def _sc_propagate(g, zeros, src, dst, *, d):

    @functools.partial(
        pl.kernel,
        out_type=jax.ShapeDtypeStruct((2, N_PAD, d), _f32),
        mesh=_sc_mesh(),
        scratch_types=(
            [pltpu.VMEM((_SLABC, CHUNK), _i32),
             pltpu.VMEM((_SLABC, CHUNK), _i32),
             pltpu.VMEM((NBUF, CHUNK, d), _f32),
             pltpu.VMEM_SHARED((N_PAD, d), _f32)]
            + [pltpu.SemaphoreType.DMA] * NBUF
        ),
        compiler_params=pltpu.CompilerParams(use_tc_tiling_on_sc=False),
    )
    def prop(g_hbm, z_hbm, src_hbm, dst_hbm, out_hbm,
             src_v, dst_v, rows, acc, *sems):
        cid = lax.axis_index("c")
        sid = lax.axis_index("s")
        pltpu.sync_copy(z_hbm, acc.at[pl.ds(sid * ZR, ZR)])
        plsc.subcore_barrier()

        def part(base, cpw):
            pltpu.sync_copy(src_hbm.at[pl.ds(base, cpw)],
                            src_v.at[pl.ds(0, cpw)])
            pltpu.sync_copy(dst_hbm.at[pl.ds(base, cpw)],
                            dst_v.at[pl.ds(0, cpw)])
            for b in range(NBUF):
                pltpu.async_copy(g_hbm.at[src_v.at[b]], rows.at[b], sems[b])

            @pl.loop(0, cpw // NBUF)
            def _group(k):
                c0 = k * NBUF
                for b in range(NBUF):
                    c = c0 + b
                    pltpu.make_async_copy(
                        g_hbm.at[src_v.at[c]], rows.at[b], sems[b]).wait()
                    pltpu.sync_copy(rows.at[b], acc.at[dst_v.at[c]], add=True)

                    @pl.when(c + NBUF < cpw)
                    def _refill():
                        pltpu.async_copy(
                            g_hbm.at[src_v.at[c + NBUF]], rows.at[b], sems[b])

        @pl.when(cid == 0)
        def _core0():
            for h in range(CPW0 // _SLABC):
                part(sid * CPW0 + h * _SLABC, _SLABC)

        @pl.when(cid == 1)
        def _core1():
            part(16 * CPW0 + sid * CPW1, CPW1)

        plsc.subcore_barrier()
        pltpu.sync_copy(acc.at[pl.ds(sid * ZR, ZR)],
                        out_hbm.at[cid, pl.ds(sid * ZR, ZR)])

    return prop(g, zeros, src, dst)


_SLAB = NBUF * CHUNK


@jax.jit
def _sc_edge_gather(h, src, dst):

    @functools.partial(
        pl.kernel,
        out_type=jax.ShapeDtypeStruct((2, E_PAD, 16), _f32),
        mesh=_sc_mesh(),
        scratch_types=(
            [pltpu.VMEM((CPW0, CHUNK), _i32),
             pltpu.VMEM((CPW0, CHUNK), _i32),
             pltpu.VMEM((2, _SLAB, 16), _f32),
             pltpu.VMEM((2, _SLAB, 16), _f32)]
            + [pltpu.SemaphoreType.DMA] * 8
        ),
        compiler_params=pltpu.CompilerParams(use_tc_tiling_on_sc=False),
    )
    def egather(h_hbm, src_hbm, dst_hbm, out_hbm,
                src_v, dst_v, slab_s, slab_d,
                sgs0, sgs1, sgd0, sgd1, sws0, sws1, swd0, swd1):
        sgs, sgd = (sgs0, sgs1), (sgd0, sgd1)
        sws, swd = (sws0, sws1), (swd0, swd1)
        cid = lax.axis_index("c")
        sid = lax.axis_index("s")

        def run(base_chunk, cnt):
            pltpu.sync_copy(src_hbm.at[pl.ds(base_chunk, cnt)],
                            src_v.at[pl.ds(0, cnt)])
            pltpu.sync_copy(dst_hbm.at[pl.ds(base_chunk, cnt)],
                            dst_v.at[pl.ds(0, cnt)])
            ng = cnt // NBUF
            base = base_chunk * CHUNK

            def fire_gathers(g, p):
                for b in range(NBUF):
                    c = g * NBUF + b
                    pltpu.async_copy(h_hbm.at[src_v.at[c]],
                                     slab_s.at[p, pl.ds(b * CHUNK, CHUNK)],
                                     sgs[p])
                    pltpu.async_copy(h_hbm.at[dst_v.at[c]],
                                     slab_d.at[p, pl.ds(b * CHUNK, CHUNK)],
                                     sgd[p])

            def drain_gathers(g, p):
                for b in range(NBUF):
                    c = g * NBUF + b
                    pltpu.make_async_copy(
                        h_hbm.at[src_v.at[c]],
                        slab_s.at[p, pl.ds(b * CHUNK, CHUNK)], sgs[p]).wait()
                    pltpu.make_async_copy(
                        h_hbm.at[dst_v.at[c]],
                        slab_d.at[p, pl.ds(b * CHUNK, CHUNK)], sgd[p]).wait()

            def fire_writes(g, p):
                eb = base + g * _SLAB
                pltpu.async_copy(slab_s.at[p],
                                 out_hbm.at[0, pl.ds(eb, _SLAB)], sws[p])
                pltpu.async_copy(slab_d.at[p],
                                 out_hbm.at[1, pl.ds(eb, _SLAB)], swd[p])

            def drain_writes(g, p):
                eb = base + g * _SLAB
                pltpu.make_async_copy(
                    slab_s.at[p], out_hbm.at[0, pl.ds(eb, _SLAB)], sws[p]).wait()
                pltpu.make_async_copy(
                    slab_d.at[p], out_hbm.at[1, pl.ds(eb, _SLAB)], swd[p]).wait()

            fire_gathers(0, 0)

            @pl.loop(0, ng, step=2)
            def _pair(k):
                @pl.when(k >= 2)
                def _():
                    drain_writes(k - 1, 1)
                fire_gathers(k + 1, 1)
                drain_gathers(k, 0)
                fire_writes(k, 0)

                @pl.when(k + 2 < ng)
                def _():
                    drain_writes(k, 0)
                    fire_gathers(k + 2, 0)
                drain_gathers(k + 1, 1)
                fire_writes(k + 1, 1)

            drain_writes(ng - 2, 0)
            drain_writes(ng - 1, 1)

        @pl.when(cid == 0)
        def _core0():
            run(sid * CPW0, CPW0)

        @pl.when(cid == 1)
        def _core1():
            run(16 * CPW0 + sid * CPW1, CPW1)

    return egather(h, src, dst)



_BN = 1024
_GN = N_PAD // _BN


def _tc_head(degp, x, W1):

    def body(p_ref, x_ref, w_ref, dinv_ref, g_ref):
        deg = p_ref[0][:, 0:1] + p_ref[1][:, 0:1] + 1.0
        dv = lax.rsqrt(deg)
        dinv_ref[...] = dv
        g_ref[...] = (x_ref[...] @ w_ref[...]) * dv

    return pl.pallas_call(
        body,
        grid=(_GN,),
        in_specs=[
            pl.BlockSpec((2, _BN, 16), lambda i: (0, i, 0)),
            pl.BlockSpec((_BN, 128), lambda i: (i, 0)),
            pl.BlockSpec((128, 64), lambda i: (0, 0)),
        ],
        out_specs=[
            pl.BlockSpec((_BN, 1), lambda i: (i, 0)),
            pl.BlockSpec((_BN, 64), lambda i: (i, 0)),
        ],
        out_shape=[
            jax.ShapeDtypeStruct((N_PAD, 1), _f32),
            jax.ShapeDtypeStruct((N_PAD, 64), _f32),
        ],
    )(degp, x, W1)


def _tc_combine_transform(p, g, dinv, b, W):
    d_in = g.shape[1]
    d_out = W.shape[1]

    def body(p_ref, g_ref, dv_ref, b_ref, w_ref, o_ref):
        dv = dv_ref[...]
        z = (p_ref[0] + p_ref[1] + g_ref[...]) * dv + b_ref[...]
        o_ref[...] = (jnp.tanh(z) @ w_ref[...]) * dv

    return pl.pallas_call(
        body,
        grid=(_GN,),
        in_specs=[
            pl.BlockSpec((2, _BN, d_in), lambda i: (0, i, 0)),
            pl.BlockSpec((_BN, d_in), lambda i: (i, 0)),
            pl.BlockSpec((_BN, 1), lambda i: (i, 0)),
            pl.BlockSpec((1, d_in), lambda i: (0, 0)),
            pl.BlockSpec((d_in, d_out), lambda i: (0, 0)),
        ],
        out_specs=pl.BlockSpec((_BN, d_out), lambda i: (i, 0)),
        out_shape=jax.ShapeDtypeStruct((N_PAD, d_out), _f32),
    )(p, g, dinv, b, W)


def _tc_combine_only(p, g, dinv, b):
    d_in = g.shape[1]

    def body(p_ref, g_ref, dv_ref, b_ref, o_ref):
        dv = dv_ref[...]
        z = (p_ref[0] + p_ref[1] + g_ref[...]) * dv + b_ref[...]
        o_ref[...] = jnp.tanh(z) * dv

    return pl.pallas_call(
        body,
        grid=(_GN,),
        in_specs=[
            pl.BlockSpec((2, _BN, d_in), lambda i: (0, i, 0)),
            pl.BlockSpec((_BN, d_in), lambda i: (i, 0)),
            pl.BlockSpec((_BN, 1), lambda i: (i, 0)),
            pl.BlockSpec((1, d_in), lambda i: (0, 0)),
        ],
        out_specs=pl.BlockSpec((_BN, d_in), lambda i: (i, 0)),
        out_shape=jax.ShapeDtypeStruct((N_PAD, d_in), _f32),
    )(p, g, dinv, b)


def _tc_tail(p, g5, dinv, W5, b5, lW1p, lb1p, lW2p, lb2p, lW3p, lb3p):

    def body(p_ref, g_ref, dv_ref, w5_ref, b5_ref,
             w1_ref, c1_ref, w2_ref, c2_ref, w3_ref, c3_ref, o_ref):
        q = (p_ref[0] + p_ref[1] + g_ref[...]) * dv_ref[...]
        h5 = jnp.tanh(q @ w5_ref[...] + b5_ref[...])
        t1 = jnp.tanh(h5 @ w1_ref[...] + c1_ref[...])
        t2 = jnp.tanh(t1 @ w2_ref[...] + c2_ref[...])
        o_ref[...] = jnp.tanh(t2 @ w3_ref[...] + c3_ref[...])

    return pl.pallas_call(
        body,
        grid=(_GN,),
        in_specs=[
            pl.BlockSpec((2, _BN, 32), lambda i: (0, i, 0)),
            pl.BlockSpec((_BN, 32), lambda i: (i, 0)),
            pl.BlockSpec((_BN, 1), lambda i: (i, 0)),
            pl.BlockSpec((32, 256), lambda i: (0, 0)),
            pl.BlockSpec((1, 256), lambda i: (0, 0)),
            pl.BlockSpec((256, 32), lambda i: (0, 0)),
            pl.BlockSpec((1, 32), lambda i: (0, 0)),
            pl.BlockSpec((32, 32), lambda i: (0, 0)),
            pl.BlockSpec((1, 32), lambda i: (0, 0)),
            pl.BlockSpec((32, 16), lambda i: (0, 0)),
            pl.BlockSpec((1, 16), lambda i: (0, 0)),
        ],
        out_specs=pl.BlockSpec((_BN, 16), lambda i: (i, 0)),
        out_shape=jax.ShapeDtypeStruct((N_PAD, 16), _f32),
    )(p, g5, dinv, W5, b5, lW1p, lb1p, lW2p, lb2p, lW3p, lb3p)


_BE = 3200
_GE = E // _BE


def _tc_edge(he, Wout, Se, cbt):

    def body(hs_ref, hd_ref, wo_ref, se_ref, cb_ref, out_ref, e_ref):
        hsd = jnp.concatenate([hs_ref[0], hd_ref[0]], axis=1)
        dn = (((1,), (1,)), ((), ()))
        out_ref[...] = lax.dot_general(wo_ref[...], hsd, dn) + cb_ref[...]
        e_ref[...] = lax.dot_general(se_ref[...], hsd, dn)

    return pl.pallas_call(
        body,
        grid=(_GE,),
        in_specs=[
            pl.BlockSpec((1, _BE, 16), lambda i: (0, i, 0)),
            pl.BlockSpec((1, _BE, 16), lambda i: (1, i, 0)),
            pl.BlockSpec((40, 32), lambda i: (0, 0)),
            pl.BlockSpec((24, 32), lambda i: (0, 0)),
            pl.BlockSpec((40, 1), lambda i: (0, 0)),
        ],
        out_specs=[
            pl.BlockSpec((40, _BE), lambda i: (0, i)),
            pl.BlockSpec((24, _BE), lambda i: (0, i)),
        ],
        out_shape=[
            jax.ShapeDtypeStruct((40, E), _f32),
            jax.ShapeDtypeStruct((24, E), _f32),
        ],
    )(he, he, Wout, Se, cbt)



def kernel(x, edge_index, batch, W1, b1, W2, b2, W3, b3, W4, b4, W5, b5,
           lW1, lb1, lW2, lb2, lW3, lb3, cW, cb):
    pad_e = E_PAD - E
    src = jnp.concatenate(
        [edge_index[0], jnp.full((pad_e,), N_PAD - 1, _i32)]).reshape(NCH, CHUNK)
    dst = jnp.concatenate(
        [edge_index[1], jnp.full((pad_e,), N_PAD - 1, _i32)]).reshape(NCH, CHUNK)
    x_p = jnp.pad(x, ((0, N_PAD - N), (0, 0)))

    z16 = jnp.zeros((ZR, 16), _f32)
    z32 = jnp.zeros((ZR, 32), _f32)
    z64 = jnp.zeros((ZR, 64), _f32)
    e1 = jnp.zeros((N_PAD, 16), _f32).at[:, 0].set(1.0)

    lW1p = jnp.pad(lW1, ((0, 0), (0, 8)))
    lb1p = jnp.pad(lb1, (0, 8)).reshape(1, 32)
    lW2p = jnp.pad(lW2, ((0, 8), (0, 14)))
    lb2p = jnp.pad(lb2, (0, 14)).reshape(1, 32)
    lW3p = jnp.pad(lW3, ((0, 14), (0, 4)))
    lb3p = jnp.pad(lb3, (0, 4)).reshape(1, 16)

    cWa = jnp.pad(cW[:12], ((0, 4), (0, 0)))
    cWb = jnp.pad(cW[12:], ((0, 4), (0, 0)))
    Wout = jnp.concatenate([cWa.T, cWb.T], axis=1)
    ii = jnp.arange(12)
    Se = (jnp.zeros((24, 32), _f32)
          .at[ii, ii].set(1.0)
          .at[12 + ii, 16 + ii].set(1.0))
    cbt = cb.reshape(40, 1)

    degp = _sc_propagate(e1, z16, src, dst, d=16)

    dinv, g1 = _tc_head(degp, x_p, W1)
    p = _sc_propagate(g1, z64, src, dst, d=64)

    g2 = _tc_combine_transform(p, g1, dinv, b1.reshape(1, 64), W2)
    p = _sc_propagate(g2, z64, src, dst, d=64)
    g3 = _tc_combine_transform(p, g2, dinv, b2.reshape(1, 64), W3)
    p = _sc_propagate(g3, z32, src, dst, d=32)
    g4 = _tc_combine_transform(p, g3, dinv, b3.reshape(1, 32), W4)
    p = _sc_propagate(g4, z32, src, dst, d=32)

    g5 = _tc_combine_only(p, g4, dinv, b4.reshape(1, 32))
    p = _sc_propagate(g5, z32, src, dst, d=32)
    hf = _tc_tail(p, g5, dinv, W5, b5.reshape(1, 256),
                  lW1p, lb1p, lW2p, lb2p, lW3p, lb3p)

    he = _sc_edge_gather(hf, src, dst)
    out_t, e_t = _tc_edge(he, Wout, Se, cbt)
    return (out_t.T, e_t.T)

# --- scband reference (transcript-rebuilt; emitter-appended) ---
"""Pipeline reference for scband-deep-gcn-31602369364483 (READ-ONLY COPY).

The authoritative reference and input builder live on the scoring server;
editing this copy changes nothing except your own understanding.
"""

import jax, jax.numpy as jnp
import numpy as np

N = 10000
E = 320000
F_IN = 128
HC = 64
HC2 = 32
F_OUT5 = 2 * F_IN  # 256
NCLS = 40


def _glorot(k, shape):
    fan_in = shape[0]
    bound = 1.0 / np.sqrt(fan_in)
    return jax.random.uniform(k, shape, minval=-bound, maxval=bound, dtype=jnp.float32)


def setup_inputs(seed: int = 0) -> dict:
    key = jax.random.key(seed)
    ks = jax.random.split(key, 24)
    x = jax.random.normal(ks[0], (N, F_IN), dtype=jnp.float32)
    edge_index = jax.random.randint(ks[1], (2, E), 0, N, dtype=jnp.int32)
    batch = jnp.zeros((N,), dtype=jnp.int32)
    inp = {
        "x": x,
        "edge_index": edge_index,
        "batch": batch,
        "W1": _glorot(ks[2], (F_IN, HC)), "b1": jnp.zeros((HC,), jnp.float32),
        "W2": _glorot(ks[3], (HC, HC)), "b2": jnp.zeros((HC,), jnp.float32),
        "W3": _glorot(ks[4], (HC, HC2)), "b3": jnp.zeros((HC2,), jnp.float32),
        "W4": _glorot(ks[5], (HC2, HC2)), "b4": jnp.zeros((HC2,), jnp.float32),
        "W5": _glorot(ks[6], (HC2, F_OUT5)), "b5": jnp.zeros((F_OUT5,), jnp.float32),
        "lW1": _glorot(ks[7], (F_OUT5, 24)), "lb1": _glorot(ks[8], (24,)),
        "lW2": _glorot(ks[9], (24, 18)), "lb2": _glorot(ks[10], (18,)),
        "lW3": _glorot(ks[11], (18, 12)), "lb3": _glorot(ks[12], (12,)),
        "cW": _glorot(ks[13], (24, NCLS)), "cb": _glorot(ks[14], (NCLS,)),
    }
    return inp


def _gcn_conv(x, edge_index, W, b):
    # PyG GCNConv: add self-loops, symmetric normalization, x @ W then propagate, + bias
    n = x.shape[0]
    loop = jnp.arange(n, dtype=edge_index.dtype)
    src = jnp.concatenate([edge_index[0], loop])
    dst = jnp.concatenate([edge_index[1], loop])
    deg = jnp.zeros((n,), x.dtype).at[dst].add(1.0)
    dinv = jnp.where(deg > 0, jax.lax.rsqrt(deg), 0.0)
    norm = dinv[src] * dinv[dst]
    xw = x @ W
    msg = xw[src] * norm[:, None]
    out = jnp.zeros((n, W.shape[1]), x.dtype).at[dst].add(msg)
    return out + b


def reference(x, edge_index, batch, W1, b1, W2, b2, W3, b3, W4, b4, W5, b5,
              lW1, lb1, lW2, lb2, lW3, lb3, cW, cb):
    h = jnp.tanh(_gcn_conv(x, edge_index, W1, b1))
    h = jnp.tanh(_gcn_conv(h, edge_index, W2, b2))
    h = jnp.tanh(_gcn_conv(h, edge_index, W3, b3))
    h = jnp.tanh(_gcn_conv(h, edge_index, W4, b4))
    h = jnp.tanh(_gcn_conv(h, edge_index, W5, b5))
    h = jnp.tanh(h @ lW1 + lb1)
    h = jnp.tanh(h @ lW2 + lb2)
    h = jnp.tanh(h @ lW3 + lb3)
    e = jnp.concatenate([h[edge_index[0]], h[edge_index[1]]], axis=1)
    out = e @ cW + cb
    return (out, e)

if __name__ == "__main__":
    import jax
    _d = setup_inputs()
    print(jax.jit(kernel)(*tuple(_d.values())))

</pallas_src>

<mosaic_0001>
#map = affine_map<(d0, d1) -> (0, 0)>
#map1 = affine_map<(d0, d1) -> (0, 0, 0)>
module attributes {stable_mosaic.version = 14 : i64} {
  func.func @prop(%arg0: i32, %arg1: i32, %arg2: memref<10240x16xf32, #tpu.memory_space<hbm>>, %arg3: memref<640x16xf32, #tpu.memory_space<hbm>>, %arg4: memref<2560x128xi32, #tpu.memory_space<hbm>>, %arg5: memref<2560x128xi32, #tpu.memory_space<hbm>>, %arg6: memref<2x10240x16xf32, #tpu.memory_space<hbm>>, %arg7: memref<72x128xi32, #tpu.memory_space<vmem>>, %arg8: memref<72x128xi32, #tpu.memory_space<vmem>>, %arg9: memref<8x128x16xf32, #tpu.memory_space<vmem>>, %arg10: memref<10240x16xf32, #tpu.memory_space<vmem_shared>>, %arg11: memref<!tpu.dma_semaphore, #tpu.memory_space<semaphore_mem>>, %arg12: memref<!tpu.dma_semaphore, #tpu.memory_space<semaphore_mem>>, %arg13: memref<!tpu.dma_semaphore, #tpu.memory_space<semaphore_mem>>, %arg14: memref<!tpu.dma_semaphore, #tpu.memory_space<semaphore_mem>>, %arg15: memref<!tpu.dma_semaphore, #tpu.memory_space<semaphore_mem>>, %arg16: memref<!tpu.dma_semaphore, #tpu.memory_space<semaphore_mem>>, %arg17: memref<!tpu.dma_semaphore, #tpu.memory_space<semaphore_mem>>, %arg18: memref<!tpu.dma_semaphore, #tpu.memory_space<semaphore_mem>>) attributes {dimension_semantics = [#tpu.dimension_semantics<core_parallel>, #tpu.dimension_semantics<subcore_parallel>], iteration_bounds = array<i64: 2, 16>, scalar_prefetch = 0 : i64, scratch_operands = 12 : i64, tpu.core_type = #tpu.core_type<sc_vector_subcore>, window_params = [{transform_indices = #map}, {transform_indices = #map}, {transform_indices = #map}, {transform_indices = #map}, {transform_indices = #map1}]} {
    %mul3A = arith.constant 640 : i32
    %mul3A_0 = arith.muli %arg1, %mul3A : i32
    "tpu.region"() ({
      %run_scoped3A = tpu.sem_alloc : memref<!tpu.dma_semaphore, #tpu.memory_space<semaphore_mem>>
      %dma_start3A = arith.constant 0 : i32
      %dma_start3A_13 = tpu.memref_slice %arg10[%mul3A_0, %dma_start3A] : memref<10240x16xf32, #tpu.memory_space<vmem_shared>> -> memref<640x16xf32, #tpu.memory_space<vmem_shared>>
      tpu.enqueue_dma source(%arg3 : memref<640x16xf32, #tpu.memory_space<hbm>>) target(%dma_start3A_13 : memref<640x16xf32, #tpu.memory_space<vmem_shared>>) target_semaphore(%run_scoped3A : memref<!tpu.dma_semaphore, #tpu.memory_space<semaphore_mem>>)
      %dma_wait3A = arith.constant 0 : i32
      %dma_wait3A_14 = tpu.memref_slice %arg10[%mul3A_0, %dma_wait3A] : memref<10240x16xf32, #tpu.memory_space<vmem_shared>> -> memref<640x16xf32, #tpu.memory_space<vmem_shared>>
      tpu.wait_dma2 semaphore(%run_scoped3A : memref<!tpu.dma_semaphore, #tpu.memory_space<semaphore_mem>>) src(%arg3 : memref<640x16xf32, #tpu.memory_space<hbm>>) dst(%dma_wait3A_14 : memref<640x16xf32, #tpu.memory_space<vmem_shared>>)
      tpu.yield
    }) : () -> ()
    %barrier3A = arith.constant 0 : index
    tpu.barrier barrier_id(%barrier3A)
    %eq3A = arith.constant 0 : i32
    %eq3A_1 = arith.cmpi eq, %arg0, %eq3A : i32
    %convert_element_type3A = arith.extui %eq3A_1 : i1 to i32
    %cond3A = arith.constant 0 : i32
    %cond3A_2 = arith.cmpi ne, %convert_element_type3A, %cond3A : i32
    scf.if %cond3A_2 {
      %mul3A_13 = arith.constant 144 : i32
      %mul3A_14 = arith.muli %arg1, %mul3A_13 : i32
      %add3A = arith.constant 0 : i32
      %add3A_15 = arith.addi %mul3A_14, %add3A : i32
      "tpu.region"() ({
        %run_scoped3A = tpu.sem_alloc : memref<!tpu.dma_semaphore, #tpu.memory_space<semaphore_mem>>
        %dma_start3A_220 = arith.constant 0 : i32
        %dma_start3A_221 = arith.constant 0 : i32
        %dma_start3A_222 = tpu.memref_slice %arg7[%dma_start3A_220, %dma_start3A_221] : memref<72x128xi32, #tpu.memory_space<vmem>> -> memref<72x128xi32, #tpu.memory_space<vmem>>
        %dma_start3A_223 = arith.constant 0 : i32
        %dma_start3A_224 = tpu.memref_slice %arg4[%add3A_15, %dma_start3A_223] : memref<2560x128xi32, #tpu.memory_space<hbm>> -> memref<72x128xi32, #tpu.memory_space<hbm>>
        %dma_start3A_225 = arith.constant 0 : i32
        %dma_start3A_226 = arith.constant 0 : i32
        %dma_start3A_227 = tpu.memref_slice %arg7[%dma_start3A_225, %dma_start3A_226] : memref<72x128xi32, #tpu.memory_space<vmem>> -> memref<72x128xi32, #tpu.memory_space<vmem>>
        %dma_start3A_228 = arith.constant 0 : i32
        %dma_start3A_229 = tpu.memref_slice %arg4[%add3A_15, %dma_start3A_228] : memref<2560x128xi32, #tpu.memory_space<hbm>> -> memref<72x128xi32, #tpu.memory_space<hbm>>
        tpu.enqueue_dma source(%dma_start3A_229 : memref<72x128xi32, #tpu.memory_space<hbm>>) target(%dma_start3A_227 : memref<72x128xi32, #tpu.memory_space<vmem>>) target_semaphore(%run_scoped3A : memref<!tpu.dma_semaphore, #tpu.memory_space<semaphore_mem>>)
        %dma_wait3A = arith.constant 0 : i32
        %dma_wait3A_230 = arith.constant 0 : i32
        %dma_wait3A_231 = tpu.memref_slice %arg7[%dma_wait3A, %dma_wait3A_230] : memref<72x128xi32, #tpu.memory_space<vmem>> -> memref<72x128xi32, #tpu.memory_space<vmem>>
        %dma_wait3A_232 = arith.constant 0 : i32
        %dma_wait3A_233 = tpu.memref_slice %arg4[%add3A_15, %dma_wait3A_232] : memref<2560x128xi32, #tpu.memory_space<hbm>> -> memref<72x128xi32, #tpu.memory_space<hbm>>
        %dma_wait3A_234 = arith.constant 0 : i32
        %dma_wait3A_235 = arith.constant 0 : i32
        %dma_wait3A_236 = tpu.memref_slice %arg7[%dma_wait3A_234, %dma_wait3A_235] : memref<72x128xi32, #tpu.memory_space<vmem>> -> memref<72x128xi32, #tpu.memory_space<vmem>>
        %dma_wait3A_237 = arith.constant 0 : i32
        %dma_wait3A_238 = tpu.memref_slice %arg4[%add3A_15, %dma_wait3A_237] : memref<2560x128xi32, #tpu.memory_space<hbm>> -> memref<72x128xi32, #tpu.memory_space<hbm>>
        tpu.wait_dma2 semaphore(%run_scoped3A : memref<!tpu.dma_semaphore, #tpu.memory_space<semaphore_mem>>) src(%dma_wait3A_238 : memref<72x128xi32, #tpu.memory_space<hbm>>) dst(%dma_wait3A_236 : memref<72x128xi32, #tpu.memory_space<vmem>>)
        tpu.yield
      }) : () -> ()
      "tpu.region"() ({
        %run_scoped3A = tpu.sem_alloc : memref<!tpu.dma_semaphore, #tpu.memory_space<semaphore_mem>>
        %dma_start3A_220 = arith.constant 0 : i32
        %dma_start3A_221 = arith.constant 0 : i32
        %dma_start3A_222 = tpu.memref_slice %arg8[%dma_start3A_220, %dma_start3A_221] : memref<72x128xi32, #tpu.memory_space<vmem>> -> memref<72x128xi32, #tpu.memory_space<vmem>>
        %dma_start3A_223 = arith.constant 0 : i32
        %dma_start3A_224 = tpu.memref_slice %arg5[%add3A_15, %dma_start3A_223] : memref<2560x128xi32, #tpu.memory_space<hbm>> -> memref<72x128xi32, #tpu.memory_space<hbm>>
        %dma_start3A_225 = arith.constant 0 : i32
        %dma_start3A_226 = arith.constant 0 : i32
        %dma_start3A_227 = tpu.memref_slice %arg8[%dma_start3A_225, %dma_start3A_226] : memref<72x128xi32, #tpu.memory_space<vmem>> -> memref<72x128xi32, #tpu.memory_space<vmem>>
        %dma_start3A_228 = arith.constant 0 : i32
        %dma_start3A_229 = tpu.memref_slice %arg5[%add3A_15, %dma_start3A_228] : memref<2560x128xi32, #tpu.memory_space<hbm>> -> memref<72x128xi32, #tpu.memory_space<hbm>>
        tpu.enqueue_dma source(%dma_start3A_229 : memref<72x128xi32, #tpu.memory_space<hbm>>) target(%dma_start3A_227 : memref<72x128xi32, #tpu.memory_space<vmem>>) target_semaphore(%run_scoped3A : memref<!tpu.dma_semaphore, #tpu.memory_space<semaphore_mem>>)
        %dma_wait3A = arith.constant 0 : i32
        %dma_wait3A_230 = arith.constant 0 : i32
        %dma_wait3A_231 = tpu.memref_slice %arg8[%dma_wait3A, %dma_wait3A_230] : memref<72x128xi32, #tpu.memory_space<vmem>> -> memref<72x128xi32, #tpu.memory_space<vmem>>
        %dma_wait3A_232 = arith.constant 0 : i32
        %dma_wait3A_233 = tpu.memref_slice %arg5[%add3A_15, %dma_wait3A_232] : memref<2560x128xi32, #tpu.memory_space<hbm>> -> memref<72x128xi32, #tpu.memory_space<hbm>>
        %dma_wait3A_234 = arith.constant 0 : i32
        %dma_wait3A_235 = arith.constant 0 : i32
        %dma_wait3A_236 = tpu.memref_slice %arg8[%dma_wait3A_234, %dma_wait3A_235] : memref<72x128xi32, #tpu.memory_space<vmem>> -> memref<72x128xi32, #tpu.memory_space<vmem>>
        %dma_wait3A_237 = arith.constant 0 : i32
        %dma_wait3A_238 = tpu.memref_slice %arg5[%add3A_15, %dma_wait3A_237] : memref<2560x128xi32, #tpu.memory_space<hbm>> -> memref<72x128xi32, #tpu.memory_space<hbm>>
        tpu.wait_dma2 semaphore(%run_scoped3A : memref<!tpu.dma_semaphore, #tpu.memory_space<semaphore_mem>>) src(%dma_wait3A_238 : memref<72x128xi32, #tpu.memory_space<hbm>>) dst(%dma_wait3A_236 : memref<72x128xi32, #tpu.memory_space<vmem>>)
        tpu.yield
      }) : () -> ()
      %dma_start3A = arith.constant 0 : i32
      %dma_start3A_16 = arith.constant 0 : i32
      %dma_start3A_17 = arith.constant 0 : i32
      %dma_start3A_18 = arith.constant 0 : i32
      %dma_start3A_19 = tpu.memref_slice %arg9[%dma_start3A_16, %dma_start3A_17, %dma_start3A_18] : memref<8x128x16xf32, #tpu.memory_space<vmem>> -> memref<1x128x16xf32, #tpu.memory_space<vmem>>
      %dma_start3A_20 = tpu.memref_squeeze %dma_start3A_19 : memref<1x128x16xf32, #tpu.memory_space<vmem>> -> memref<128x16xf32, #tpu.memory_space<vmem>>
      %dma_start3A_21 = arith.constant 0 : i32
      %dma_start3A_22 = tpu.memref_slice %arg7[%dma_start3A, %dma_start3A_21] : memref<72x128xi32, #tpu.memory_space<vmem>> -> memref<1x128xi32, #tpu.memory_space<vmem>>
      %dma_start3A_23 = tpu.memref_squeeze %dma_start3A_22 : memref<1x128xi32, #tpu.memory_space<vmem>> -> memref<128xi32, #tpu.memory_space<vmem>>
      %dma_start3A_24 = arith.constant 0 : i32
      %dma_start3A_25 = arith.constant 0 : i32
      %dma_start3A_26 = tpu.memref_slice %arg2[%dma_start3A_24, %dma_start3A_25] : memref<10240x16xf32, #tpu.memory_space<hbm>> -> memref<10240x16xf32, #tpu.memory_space<hbm>>
      tpu.enqueue_indirect_dma source(%dma_start3A_26 : memref<10240x16xf32, #tpu.memory_space<hbm>>) target(%dma_start3A_20 : memref<128x16xf32, #tpu.memory_space<vmem>>) offsets(%dma_start3A_23 : memref<128xi32, #tpu.memory_space<vmem>>) semaphore(%arg11 : memref<!tpu.dma_semaphore, #tpu.memory_space<semaphore_mem>>)
      %dma_start3A_27 = arith.constant 1 : i32
      %dma_start3A_28 = arith.constant 1 : i32
      %dma_start3A_29 = arith.constant 0 : i32
      %dma_start3A_30 = arith.constant 0 : i32
      %dma_start3A_31 = tpu.memref_slice %arg9[%dma_start3A_28, %dma_start3A_29, %dma_start3A_30] : memref<8x128x16xf32, #tpu.memory_space<vmem>> -> memref<1x128x16xf32, #tpu.memory_space<vmem>>
      %dma_start3A_32 = tpu.memref_squeeze %dma_start3A_31 : memref<1x128x16xf32, #tpu.memory_space<vmem>> -> memref<128x16xf32, #tpu.memory_space<vmem>>
      %dma_start3A_33 = arith.constant 0 : i32
      %dma_start3A_34 = tpu.memref_slice %arg7[%dma_start3A_27, %dma_start3A_33] : memref<72x128xi32, #tpu.memory_space<vmem>> -> memref<1x128xi32, #tpu.memory_space<vmem>>
      %dma_start3A_35 = tpu.memref_squeeze %dma_start3A_34 : memref<1x128xi32, #tpu.memory_space<vmem>> -> memref<128xi32, #tpu.memory_space<vmem>>
      %dma_start3A_36 = arith.constant 0 : i32
      %dma_start3A_37 = arith.constant 0 : i32
      %dma_start3A_38 = tpu.memref_slice %arg2[%dma_start3A_36, %dma_start3A_37] : memref<10240x16xf32, #tpu.memory_space<hbm>> -> memref<10240x16xf32, #tpu.memory_space<hbm>>
      tpu.enqueue_indirect_dma source(%dma_start3A_38 : memref<10240x16xf32, #tpu.memory_space<hbm>>) target(%dma_start3A_32 : memref<128x16xf32, #tpu.memory_space<vmem>>) offsets(%dma_start3A_35 : memref<128xi32, #tpu.memory_space<vmem>>) semaphore(%arg12 : memref<!tpu.dma_semaphore, #tpu.memory_space<semaphore_mem>>)
      %dma_start3A_39 = arith.constant 2 : i32
      %dma_start3A_40 = arith.constant 2 : i32
      %dma_start3A_41 = arith.constant 0 : i32
      %dma_start3A_42 = arith.constant 0 : i32
      %dma_start3A_43 = tpu.memref_slice %arg9[%dma_start3A_40, %dma_start3A_41, %dma_start3A_42] : memref<8x128x16xf32, #tpu.memory_space<vmem>> -> memref<1x128x16xf32, #tpu.memory_space<vmem>>
      %dma_start3A_44 = tpu.memref_squeeze %dma_start3A_43 : memref<1x128x16xf32, #tpu.memory_space<vmem>> -> memref<128x16xf32, #tpu.memory_space<vmem>>
      %dma_start3A_45 = arith.constant 0 : i32
      %dma_start3A_46 = tpu.memref_slice %arg7[%dma_start3A_39, %dma_start3A_45] : memref<72x128xi32, #tpu.memory_space<vmem>> -> memref<1x128xi32, #tpu.memory_space<vmem>>
      %dma_start3A_47 = tpu.memref_squeeze %dma_start3A_46 : memref<1x128xi32, #tpu.memory_space<vmem>> -> memref<128xi32, #tpu.memory_space<vmem>>
      %dma_start3A_48 = arith.constant 0 : i32
      %dma_start3A_49 = arith.constant 0 : i32
      %dma_start3A_50 = tpu.memref_slice %arg2[%dma_start3A_48, %dma_start3A_49] : memref<10240x16xf32, #tpu.memory_space<hbm>> -> memref<10240x16xf32, #tpu.memory_space<hbm>>
      tpu.enqueue_indirect_dma source(%dma_start3A_50 : memref<10240x16xf32, #tpu.memory_space<hbm>>) target(%dma_start3A_44 : memref<128x16xf32, #tpu.memory_space<vmem>>) offsets(%dma_start3A_47 : memref<128xi32, #tpu.memory_space<vmem>>) semaphore(%arg13 : memref<!tpu.dma_semaphore, #tpu.memory_space<semaphore_mem>>)
      %dma_start3A_51 = arith.constant 3 : i32
      %dma_start3A_52 = arith.constant 3 : i32
      %dma_start3A_53 = arith.constant 0 : i32
      %dma_start3A_54 = arith.constant 0 : i32
      %dma_start3A_55 = tpu.memref_slice %arg9[%dma_start3A_52, %dma_start3A_53, %dma_start3A_54] : memref<8x128x16xf32, #tpu.memory_space<vmem>> -> memref<1x128x16xf32, #tpu.memory_space<vmem>>
      %dma_start3A_56 = tpu.memref_squeeze %dma_start3A_55 : memref<1x128x16xf32, #tpu.memory_space<vmem>> -> memref<128x16xf32, #tpu.memory_space<vmem>>
      %dma_start3A_57 = arith.constant 0 : i32
      %dma_start3A_58 = tpu.memref_slice %arg7[%dma_start3A_51, %dma_start3A_57] : memref<72x128xi32, #tpu.memory_space<vmem>> -> memref<1x128xi32, #tpu.memory_space<vmem>>
      %dma_start3A_59 = tpu.memref_squeeze %dma_start3A_58 : memref<1x128xi32, #tpu.memory_space<vmem>> -> memref<128xi32, #tpu.memory_space<vmem>>
      %dma_start3A_60 = arith.constant 0 : i32
      %dma_start3A_61 = arith.constant 0 : i32
      %dma_start3A_62 = tpu.memref_slice %arg2[%dma_start3A_60, %dma_start3A_61] : memref<10240x16xf32, #tpu.memory_space<hbm>> -> memref<10240x16xf32, #tpu.memory_space<hbm>>
      tpu.enqueue_indirect_dma source(%dma_start3A_62 : memref<10240x16xf32, #tpu.memory_space<hbm>>) target(%dma_start3A_56 : memref<128x16xf32, #tpu.memory_space<vmem>>) offsets(%dma_start3A_59 : memref<128xi32, #tpu.memory_space<vmem>>) semaphore(%arg14 : memref<!tpu.dma_semaphore, #tpu.memory_space<semaphore_mem>>)
      %dma_start3A_63 = arith.constant 4 : i32
      %dma_start3A_64 = arith.constant 4 : i32
      %dma_start3A_65 = arith.constant 0 : i32
      %dma_start3A_66 = arith.constant 0 : i32
      %dma_start3A_67 = tpu.memref_slice %arg9[%dma_start3A_64, %dma_start3A_65, %dma_start3A_66] : memref<8x128x16xf32, #tpu.memory_space<vmem>> -> memref<1x128x16xf32, #tpu.memory_space<vmem>>
      %dma_start3A_68 = tpu.memref_squeeze %dma_start3A_67 : memref<1x128x16xf32, #tpu.memory_space<vmem>> -> memref<128x16xf32, #tpu.memory_space<vmem>>
      %dma_start3A_69 = arith.constant 0 : i32
      %dma_start3A_70 = tpu.memref_slice %arg7[%dma_start3A_63, %dma_start3A_69] : memref<72x128xi32, #tpu.memory_space<vmem>> -> memref<1x128xi32, #tpu.memory_space<vmem>>
      %dma_start3A_71 = tpu.memref_squeeze %dma_start3A_70 : memref<1x128xi32, #tpu.memory_space<vmem>> -> memref<128xi32, #tpu.memory_space<vmem>>
      %dma_start3A_72 = arith.constant 0 : i32
      %dma_start3A_73 = arith.constant 0 : i32
      %dma_start3A_74 = tpu.memref_slice %arg2[%dma_start3A_72, %dma_start3A_73] : memref<10240x16xf32, #tpu.memory_space<hbm>> -> memref<10240x16xf32, #tpu.memory_space<hbm>>
      tpu.enqueue_indirect_dma source(%dma_start3A_74 : memref<10240x16xf32, #tpu.memory_space<hbm>>) target(%dma_start3A_68 : memref<128x16xf32, #tpu.memory_space<vmem>>) offsets(%dma_start3A_71 : memref<128xi32, #tpu.memory_space<vmem>>) semaphore(%arg15 : memref<!tpu.dma_semaphore, #tpu.memory_space<semaphore_mem>>)
      %dma_start3A_75 = arith.constant 5 : i32
      %dma_start3A_76 = arith.constant 5 : i32
      %dma_start3A_77 = arith.constant 0 : i32
      %dma_start3A_78 = arith.constant 0 : i32
      %dma_start3A_79 = tpu.memref_slice %arg9[%dma_start3A_76, %dma_start3A_77, %dma_start3A_78] : memref<8x128x16xf32, #tpu.memory_space<vmem>> -> memref<1x128x16xf32, #tpu.memory_space<vmem>>
      %dma_start3A_80 = tpu.memref_squeeze %dma_start3A_79 : memref<1x128x16xf32, #tpu.memory_space<vmem>> -> memref<128x16xf32, #tpu.memory_space<vmem>>
      %dma_start3A_81 = arith.constant 0 : i32
      %dma_start3A_82 = tpu.memref_slice %arg7[%dma_start3A_75, %dma_start3A_81] : memref<72x128xi32, #tpu.memory_space<vmem>> -> memref<1x128xi32, #tpu.memory_space<vmem>>
      %dma_start3A_83 = tpu.memref_squeeze %dma_start3A_82 : memref<1x128xi32, #tpu.memory_space<vmem>> -> memref<128xi32, #tpu.memory_space<vmem>>
      %dma_start3A_84 = arith.constant 0 : i32
      %dma_start3A_85 = arith.constant 0 : i32
      %dma_start3A_86 = tpu.memref_slice %arg2[%dma_start3A_84, %dma_start3A_85] : memref<10240x16xf32, #tpu.memory_space<hbm>> -> memref<10240x16xf32, #tpu.memory_space<hbm>>
      tpu.enqueue_indirect_dma source(%dma_start3A_86 : memref<10240x16xf32, #tpu.memory_space<hbm>>) target(%dma_start3A_80 : memref<128x16xf32, #tpu.memory_space<vmem>>) offsets(%dma_start3A_83 : memref<128xi32, #tpu.memory_space<vmem>>) semaphore(%arg16 : memref<!tpu.dma_semaphore, #tpu.memory_space<semaphore_mem>>)
      %dma_start3A_87 = arith.constant 6 : i32
      %dma_start3A_88 = arith.constant 6 : i32
      %dma_start3A_89 = arith.constant 0 : i32
      %dma_start3A_90 = arith.constant 0 : i32
      %dma_start3A_91 = tpu.memref_slice %arg9[%dma_start3A_88, %dma_start3A_89, %dma_start3A_90] : memref<8x128x16xf32, #tpu.memory_space<vmem>> -> memref<1x128x16xf32, #tpu.memory_space<vmem>>
      %dma_start3A_92 = tpu.memref_squeeze %dma_start3A_91 : memref<1x128x16xf32, #tpu.memory_space<vmem>> -> memref<128x16xf32, #tpu.memory_space<vmem>>
      %dma_start3A_93 = arith.constant 0 : i32
      %dma_start3A_94 = tpu.memref_slice %arg7[%dma_start3A_87, %dma_start3A_93] : memref<72x128xi32, #tpu.memory_space<vmem>> -> memref<1x128xi32, #tpu.memory_space<vmem>>
      %dma_start3A_95 = tpu.memref_squeeze %dma_start3A_94 : memref<1x128xi32, #tpu.memory_space<vmem>> -> memref<128xi32, #tpu.memory_space<vmem>>
      %dma_start3A_96 = arith.constant 0 : i32
      %dma_start3A_97 = arith.constant 0 : i32
      %dma_start3A_98 = tpu.memref_slice %arg2[%dma_start3A_96, %dma_start3A_97] : memref<10240x16xf32, #tpu.memory_space<hbm>> -> memref<10240x16xf32, #tpu.memory_space<hbm>>
      tpu.enqueue_indirect_dma source(%dma_start3A_98 : memref<10240x16xf32, #tpu.memory_space<hbm>>) target(%dma_start3A_92 : memref<128x16xf32, #tpu.memory_space<vmem>>) offsets(%dma_start3A_95 : memref<128xi32, #tpu.memory_space<vmem>>) semaphore(%arg17 : memref<!tpu.dma_semaphore, #tpu.memory_space<semaphore_mem>>)
      %dma_start3A_99 = arith.constant 7 : i32
      %dma_start3A_100 = arith.constant 7 : i32
      %dma_start3A_101 = arith.constant 0 : i32
      %dma_start3A_102 = arith.constant 0 : i32
      %dma_start3A_103 = tpu.memref_slice %arg9[%dma_start3A_100, %dma_start3A_101, %dma_start3A_102] : memref<8x128x16xf32, #tpu.memory_space<vmem>> -> memref<1x128x16xf32, #tpu.memory_space<vmem>>
      %dma_start3A_104 = tpu.memref_squeeze %dma_start3A_103 : memref<1x128x16xf32, #tpu.memory_space<vmem>> -> memref<128x16xf32, #tpu.memory_space<vmem>>
      %dma_start3A_105 = arith.constant 0 : i32
      %dma_start3A_106 = tpu.memref_slice %arg7[%dma_start3A_99, %dma_start3A_105] : memref<72x128xi32, #tpu.memory_space<vmem>> -> memref<1x128xi32, #tpu.memory_space<vmem>>
      %dma_start3A_107 = tpu.memref_squeeze %dma_start3A_106 : memref<1x128xi32, #tpu.memory_space<vmem>> -> memref<128xi32, #tpu.memory_space<vmem>>
      %dma_start3A_108 = arith.constant 0 : i32
      %dma_start3A_109 = arith.constant 0 : i32
      %dma_start3A_110 = tpu.memref_slice %arg2[%dma_start3A_108, %dma_start3A_109] : memref<10240x16xf32, #tpu.memory_space<hbm>> -> memref<10240x16xf32, #tpu.memory_space<hbm>>
      tpu.enqueue_indirect_dma source(%dma_start3A_110 : memref<10240x16xf32, #tpu.memory_space<hbm>>) target(%dma_start3A_104 : memref<128x16xf32, #tpu.memory_space<vmem>>) offsets(%dma_start3A_107 : memref<128xi32, #tpu.memory_space<vmem>>) semaphore(%arg18 : memref<!tpu.dma_semaphore, #tpu.memory_space<semaphore_mem>>)
      %scan3A = arith.constant 0 : i32
      %scan3A_111 = arith.constant 9 : i32
      %scan3A_112 = arith.addi %scan3A, %scan3A_111 : i32
      %scan3A_113 = arith.constant 1 : i32
      scf.for %scan3A_220 = %scan3A to %scan3A_112 step %scan3A_113  : i32 {
        %mul3A_221 = arith.constant 1 : i32
        %mul3A_222 = arith.muli %scan3A_220, %mul3A_221 : i32
        %add3A_223 = arith.constant 0 : i32
        %add3A_224 = arith.addi %add3A_223, %mul3A_222 : i32
        %mul3A_225 = arith.constant 8 : i32
        %mul3A_226 = arith.muli %add3A_224, %mul3A_225 : i32
        %add3A_227 = arith.constant 0 : i32
        %add3A_228 = arith.addi %mul3A_226, %add3A_227 : i32
        %dma_wait3A = arith.constant 0 : i32
        %dma_wait3A_229 = arith.constant 0 : i32
        %dma_wait3A_230 = arith.constant 0 : i32
        %dma_wait3A_231 = tpu.memref_slice %arg9[%dma_wait3A, %dma_wait3A_229, %dma_wait3A_230] : memref<8x128x16xf32, #tpu.memory_space<vmem>> -> memref<1x128x16xf32, #tpu.memory_space<vmem>>
        %dma_wait3A_232 = tpu.memref_squeeze %dma_wait3A_231 : memref<1x128x16xf32, #tpu.memory_space<vmem>> -> memref<128x16xf32, #tpu.memory_space<vmem>>
        %dma_wait3A_233 = arith.constant 0 : i32
        %dma_wait3A_234 = tpu.memref_slice %arg7[%add3A_228, %dma_wait3A_233] : memref<72x128xi32, #tpu.memory_space<vmem>> -> memref<1x128xi32, #tpu.memory_space<vmem>>
        %dma_wait3A_235 = tpu.memref_squeeze %dma_wait3A_234 : memref<1x128xi32, #tpu.memory_space<vmem>> -> memref<128xi32, #tpu.memory_space<vmem>>
        %dma_wait3A_236 = arith.constant 0 : i32
        %dma_wait3A_237 = arith.constant 0 : i32
        %dma_wait3A_238 = tpu.memref_slice %arg2[%dma_wait3A_236, %dma_wait3A_237] : memref<10240x16xf32, #tpu.memory_space<hbm>> -> memref<10240x16xf32, #tpu.memory_space<hbm>>
        tpu.wait_indirect_dma semaphore(%arg11 : memref<!tpu.dma_semaphore, #tpu.memory_space<semaphore_mem>>) src(%dma_wait3A_238 : memref<10240x16xf32, #tpu.memory_space<hbm>>) dst(%dma_wait3A_232 : memref<128x16xf32, #tpu.memory_space<vmem>>)
        %run_scoped3A = arith.constant 0 : i32
        "tpu.region"() ({
          %run_scoped3A_392 = tpu.sem_alloc : memref<!tpu.dma_semaphore, #tpu.memory_space<semaphore_mem>>
          %dma_start3A_393 = arith.constant 0 : i32
          %dma_start3A_394 = arith.constant 0 : i32
          %dma_start3A_395 = tpu.memref_slice %arg9[%run_scoped3A, %dma_start3A_393, %dma_start3A_394] : memref<8x128x16xf32, #tpu.memory_space<vmem>> -> memref<1x128x16xf32, #tpu.memory_space<vmem>>
          %dma_start3A_396 = tpu.memref_squeeze %dma_start3A_395 : memref<1x128x16xf32, #tpu.memory_space<vmem>> -> memref<128x16xf32, #tpu.memory_space<vmem>>
          %dma_start3A_397 = arith.constant 0 : i32
          %dma_start3A_398 = tpu.memref_slice %arg8[%add3A_228, %dma_start3A_397] : memref<72x128xi32, #tpu.memory_space<vmem>> -> memref<1x128xi32, #tpu.memory_space<vmem>>
          %dma_start3A_399 = tpu.memref_squeeze %dma_start3A_398 : memref<1x128xi32, #tpu.memory_space<vmem>> -> memref<128xi32, #tpu.memory_space<vmem>>
          %dma_start3A_400 = arith.constant 0 : i32
          %dma_start3A_401 = arith.constant 0 : i32
          %dma_start3A_402 = tpu.memref_slice %arg10[%dma_start3A_400, %dma_start3A_401] : memref<10240x16xf32, #tpu.memory_space<vmem_shared>> -> memref<10240x16xf32, #tpu.memory_space<vmem_shared>>
          tpu.enqueue_indirect_dma source(%dma_start3A_396 : memref<128x16xf32, #tpu.memory_space<vmem>>) target(%dma_start3A_402 : memref<10240x16xf32, #tpu.memory_space<vmem_shared>>) offsets(%dma_start3A_399 : memref<128xi32, #tpu.memory_space<vmem>>) semaphore(%run_scoped3A_392 : memref<!tpu.dma_semaphore, #tpu.memory_space<semaphore_mem>>) {add = true}
          %dma_wait3A_403 = arith.constant 0 : i32
          %dma_wait3A_404 = arith.constant 0 : i32
          %dma_wait3A_405 = tpu.memref_slice %arg9[%run_scoped3A, %dma_wait3A_403, %dma_wait3A_404] : memref<8x128x16xf32, #tpu.memory_space<vmem>> -> memref<1x128x16xf32, #tpu.memory_space<vmem>>
          %dma_wait3A_406 = tpu.memref_squeeze %dma_wait3A_405 : memref<1x128x16xf32, #tpu.memory_space<vmem>> -> memref<128x16xf32, #tpu.memory_space<vmem>>
          %dma_wait3A_407 = arith.constant 0 : i32
          %dma_wait3A_408 = tpu.memref_slice %arg8[%add3A_228, %dma_wait3A_407] : memref<72x128xi32, #tpu.memory_space<vmem>> -> memref<1x128xi32, #tpu.memory_space<vmem>>
          %dma_wait3A_409 = tpu.memref_squeeze %dma_wait3A_408 : memref<1x128xi32, #tpu.memory_space<vmem>> -> memref<128xi32, #tpu.memory_space<vmem>>
          %dma_wait3A_410 = arith.constant 0 : i32
          %dma_wait3A_411 = arith.constant 0 : i32
          %dma_wait3A_412 = tpu.memref_slice %arg10[%dma_wait3A_410, %dma_wait3A_411] : memref<10240x16xf32, #tpu.memory_space<vmem_shared>> -> memref<10240x16xf32, #tpu.memory_space<vmem_shared>>
          tpu.wait_indirect_dma semaphore(%run_scoped3A_392 : memref<!tpu.dma_semaphore, #tpu.memory_space<semaphore_mem>>) src(%dma_wait3A_406 : memref<128x16xf32, #tpu.memory_space<vmem>>) dst(%dma_wait3A_412 : memref<10240x16xf32, #tpu.memory_space<vmem_shared>>)
          tpu.yield
        }) : () -> ()
        %add3A_239 = arith.constant 8 : i32
        %add3A_240 = arith.addi %add3A_228, %add3A_239 : i32
        %lt3A = arith.constant 72 : i32
        %lt3A_241 = arith.cmpi slt, %add3A_240, %lt3A : i32
        %convert_element_type3A_242 = arith.extui %lt3A_241 : i1 to i32
        %cond3A_243 = arith.constant 0 : i32
        %cond3A_244 = arith.cmpi ne, %convert_element_type3A_242, %cond3A_243 : i32
        scf.if %cond3A_244 {
          %add3A_392 = arith.constant 8 : i32
          %add3A_393 = arith.addi %add3A_228, %add3A_392 : i32
          %dma_start3A_394 = arith.constant 0 : i32
          %dma_start3A_395 = arith.constant 0 : i32
          %dma_start3A_396 = arith.constant 0 : i32
          %dma_start3A_397 = tpu.memref_slice %arg9[%dma_start3A_394, %dma_start3A_395, %dma_start3A_396] : memref<8x128x16xf32, #tpu.memory_space<vmem>> -> memref<1x128x16xf32, #tpu.memory_space<vmem>>
          %dma_start3A_398 = tpu.memref_squeeze %dma_start3A_397 : memref<1x128x16xf32, #tpu.memory_space<vmem>> -> memref<128x16xf32, #tpu.memory_space<vmem>>
          %dma_start3A_399 = arith.constant 0 : i32
          %dma_start3A_400 = tpu.memref_slice %arg7[%add3A_393, %dma_start3A_399] : memref<72x128xi32, #tpu.memory_space<vmem>> -> memref<1x128xi32, #tpu.memory_space<vmem>>
          %dma_start3A_401 = tpu.memref_squeeze %dma_start3A_400 : memref<1x128xi32, #tpu.memory_space<vmem>> -> memref<128xi32, #tpu.memory_space<vmem>>
          %dma_start3A_402 = arith.constant 0 : i32
          %dma_start3A_403 = arith.constant 0 : i32
          %dma_start3A_404 = tpu.memref_slice %arg2[%dma_start3A_402, %dma_start3A_403] : memref<10240x16xf32, #tpu.memory_space<hbm>> -> memref<10240x16xf32, #tpu.memory_space<hbm>>
          tpu.enqueue_indirect_dma source(%dma_start3A_404 : memref<10240x16xf32, #tpu.memory_space<hbm>>) target(%dma_start3A_398 : memref<128x16xf32, #tpu.memory_space<vmem>>) offsets(%dma_start3A_401 : memref<128xi32, #tpu.memory_space<vmem>>) semaphore(%arg11 : memref<!tpu.dma_semaphore, #tpu.memory_space<semaphore_mem>>)
        } else {
        }
        %add3A_245 = arith.constant 1 : i32
        %add3A_246 = arith.addi %mul3A_226, %add3A_245 : i32
        %dma_wait3A_247 = arith.constant 1 : i32
        %dma_wait3A_248 = arith.constant 0 : i32
        %dma_wait3A_249 = arith.constant 0 : i32
        %dma_wait3A_250 = tpu.memref_slice %arg9[%dma_wait3A_247, %dma_wait3A_248, %dma_wait3A_249] : memref<8x128x16xf32, #tpu.memory_space<vmem>> -> memref<1x128x16xf32, #tpu.memory_space<vmem>>
        %dma_wait3A_251 = tpu.memref_squeeze %dma_wait3A_250 : memref<1x128x16xf32, #tpu.memory_space<vmem>> -> memref<128x16xf32, #tpu.memory_space<vmem>>
        %dma_wait3A_252 = arith.constant 0 : i32
        %dma_wait3A_253 = tpu.memref_slice %arg7[%add3A_246, %dma_wait3A_252] : memref<72x128xi32, #tpu.memory_space<vmem>> -> memref<1x128xi32, #tpu.memory_space<vmem>>
        %dma_wait3A_254 = tpu.memref_squeeze %dma_wait3A_253 : memref<1x128xi32, #tpu.memory_space<vmem>> -> memref<128xi32, #tpu.memory_space<vmem>>
        %dma_wait3A_255 = arith.constant 0 : i32
        %dma_wait3A_256 = arith.constant 0 : i32
        %dma_wait3A_257 = tpu.memref_slice %arg2[%dma_wait3A_255, %dma_wait3A_256] : memref<10240x16xf32, #tpu.memory_space<hbm>> -> memref<10240x16xf32, #tpu.memory_space<hbm>>
        tpu.wait_indirect_dma semaphore(%arg12 : memref<!tpu.dma_semaphore, #tpu.memory_space<semaphore_mem>>) src(%dma_wait3A_257 : memref<10240x16xf32, #tpu.memory_space<hbm>>) dst(%dma_wait3A_251 : memref<128x16xf32, #tpu.memory_space<vmem>>)
        %run_scoped3A_258 = arith.constant 1 : i32
        "tpu.region"() ({
          %run_scoped3A_392 = tpu.sem_alloc : memref<!tpu.dma_semaphore, #tpu.memory_space<semaphore_mem>>
          %dma_start3A_393 = arith.constant 0 : i32
          %dma_start3A_394 = arith.constant 0 : i32
          %dma_start3A_395 = tpu.memref_slice %arg9[%run_scoped3A_258, %dma_start3A_393, %dma_start3A_394] : memref<8x128x16xf32, #tpu.memory_space<vmem>> -> memref<1x128x16xf32, #tpu.memory_space<vmem>>
          %dma_start3A_396 = tpu.memref_squeeze %dma_start3A_395 : memref<1x128x16xf32, #tpu.memory_space<vmem>> -> memref<128x16xf32, #tpu.memory_space<vmem>>
          %dma_start3A_397 = arith.constant 0 : i32
          %dma_start3A_398 = tpu.memref_slice %arg8[%add3A_246, %dma_start3A_397] : memref<72x128xi32, #tpu.memory_space<vmem>> -> memref<1x128xi32, #tpu.memory_space<vmem>>
          %dma_start3A_399 = tpu.memref_squeeze %dma_start3A_398 : memref<1x128xi32, #tpu.memory_space<vmem>> -> memref<128xi32, #tpu.memory_space<vmem>>
          %dma_start3A_400 = arith.constant 0 : i32
          %dma_start3A_401 = arith.constant 0 : i32
          %dma_start3A_402 = tpu.memref_slice %arg10[%dma_start3A_400, %dma_start3A_401] : memref<10240x16xf32, #tpu.memory_space<vmem_shared>> -> memref<10240x16xf32, #tpu.memory_space<vmem_shared>>
          tpu.enqueue_indirect_dma source(%dma_start3A_396 : memref<128x16xf32, #tpu.memory_space<vmem>>) target(%dma_start3A_402 : memref<10240x16xf32, #tpu.memory_space<vmem_shared>>) offsets(%dma_start3A_399 : memref<128xi32, #tpu.memory_space<vmem>>) semaphore(%run_scoped3A_392 : memref<!tpu.dma_semaphore, #tpu.memory_space<semaphore_mem>>) {add = true}
          %dma_wait3A_403 = arith.constant 0 : i32
          %dma_wait3A_404 = arith.constant 0 : i32
          %dma_wait3A_405 = tpu.memref_slice %arg9[%run_scoped3A_258, %dma_wait3A_403, %dma_wait3A_404] : memref<8x128x16xf32, #tpu.memory_space<vmem>> -> memref<1x128x16xf32, #tpu.memory_space<vmem>>
          %dma_wait3A_406 = tpu.memref_squeeze %dma_wait3A_405 : memref<1x128x16xf32, #tpu.memory_space<vmem>> -> memref<128x16xf32, #tpu.memory_space<vmem>>
          %dma_wait3A_407 = arith.constant 0 : i32
          %dma_wait3A_408 = tpu.memref_slice %arg8[%add3A_246, %dma_wait3A_407] : memref<72x128xi32, #tpu.memory_space<vmem>> -> memref<1x128xi32, #tpu.memory_space<vmem>>
          %dma_wait3A_409 = tpu.memref_squeeze %dma_wait3A_408 : memref<1x128xi32, #tpu.memory_space<vmem>> -> memref<128xi32, #tpu.memory_space<vmem>>
          %dma_wait3A_410 = arith.constant 0 : i32
          %dma_wait3A_411 = arith.constant 0 : i32
          %dma_wait3A_412 = tpu.memref_slice %arg10[%dma_wait3A_410, %dma_wait3A_411] : memref<10240x16xf32, #tpu.memory_space<vmem_shared>> -> memref<10240x16xf32, #tpu.memory_space<vmem_shared>>
          tpu.wait_indirect_dma semaphore(%run_scoped3A_392 : memref<!tpu.dma_semaphore, #tpu.memory_space<semaphore_mem>>) src(%dma_wait3A_406 : memref<128x16xf32, #tpu.memory_space<vmem>>) dst(%dma_wait3A_412 : memref<10240x16xf32, #tpu.memory_space<vmem_shared>>)
          tpu.yield
        }) : () -> ()
        %add3A_259 = arith.constant 8 : i32
        %add3A_260 = arith.addi %add3A_246, %add3A_259 : i32
        %lt3A_261 = arith.constant 72 : i32
        %lt3A_262 = arith.cmpi slt, %add3A_260, %lt3A_261 : i32
        %convert_element_type3A_263 = arith.extui %lt3A_262 : i1 to i32
        %cond3A_264 = arith.constant 0 : i32
        %cond3A_265 = arith.cmpi ne, %convert_element_type3A_263, %cond3A_264 : i32
        scf.if %cond3A_265 {
          %add3A_392 = arith.constant 8 : i32
          %add3A_393 = arith.addi %add3A_246, %add3A_392 : i32
          %dma_start3A_394 = arith.constant 1 : i32
          %dma_start3A_395 = arith.constant 0 : i32
          %dma_start3A_396 = arith.constant 0 : i32
          %dma_start3A_397 = tpu.memref_slice %arg9[%dma_start3A_394, %dma_start3A_395, %dma_start3A_396] : memref<8x128x16xf32, #tpu.memory_space<vmem>> -> memref<1x128x16xf32, #tpu.memory_space<vmem>>
          %dma_start3A_398 = tpu.memref_squeeze %dma_start3A_397 : memref<1x128x16xf32, #tpu.memory_space<vmem>> -> memref<128x16xf32, #tpu.memory_space<vmem>>
          %dma_start3A_399 = arith.constant 0 : i32
          %dma_start3A_400 = tpu.memref_slice %arg7[%add3A_393, %dma_start3A_399] : memref<72x128xi32, #tpu.memory_space<vmem>> -> memref<1x128xi32, #tpu.memory_space<vmem>>
          %dma_start3A_401 = tpu.memref_squeeze %dma_start3A_400 : memref<1x128xi32, #tpu.memory_space<vmem>> -> memref<128xi32, #tpu.memory_space<vmem>>
          %dma_start3A_402 = arith.constant 0 : i32
          %dma_start3A_403 = arith.constant 0 : i32
          %dma_start3A_404 = tpu.memref_slice %arg2[%dma_start3A_402, %dma_start3A_403] : memref<10240x16xf32, #tpu.memory_space<hbm>> -> memref<10240x16xf32, #tpu.memory_space<hbm>>
          tpu.enqueue_indirect_dma source(%dma_start3A_404 : memref<10240x16xf32, #tpu.memory_space<hbm>>) target(%dma_start3A_398 : memref<128x16xf32, #tpu.memory_space<vmem>>) offsets(%dma_start3A_401 : memref<128xi32, #tpu.memory_space<vmem>>) semaphore(%arg12 : memref<!tpu.dma_semaphore, #tpu.memory_space<semaphore_mem>>)
        } else {
        }
        %add3A_266 = arith.constant 2 : i32
        %add3A_267 = arith.addi %mul3A_226, %add3A_266 : i32
        %dma_wait3A_268 = arith.constant 2 : i32
        %dma_wait3A_269 = arith.constant 0 : i32
        %dma_wait3A_270 = arith.constant 0 : i32
        %dma_wait3A_271 = tpu.memref_slice %arg9[%dma_wait3A_268, %dma_wait3A_269, %dma_wait3A_270] : memref<8x128x16xf32, #tpu.memory_space<vmem>> -> memref<1x128x16xf32, #tpu.memory_space<vmem>>
        %dma_wait3A_272 = tpu.memref_squeeze %dma_wait3A_271 : memref<1x128x16xf32, #tpu.memory_space<vmem>> -> memref<128x16xf32, #tpu.memory_space<vmem>>
        %dma_wait3A_273 = arith.constant 0 : i32
        %dma_wait3A_274 = tpu.memref_slice %arg7[%add3A_267, %dma_wait3A_273] : memref<72x128xi32, #tpu.memory_space<vmem>> -> memref<1x128xi32, #tpu.memory_space<vmem>>
        %dma_wait3A_275 = tpu.memref_squeeze %dma_wait3A_274 : memref<1x128xi32, #tpu.memory_space<vmem>> -> memref<128xi32, #tpu.memory_space<vmem>>
        %dma_wait3A_276 = arith.constant 0 : i32
        %dma_wait3A_277 = arith.constant 0 : i32
        %dma_wait3A_278 = tpu.memref_slice %arg2[%dma_wait3A_276, %dma_wait3A_277] : memref<10240x16xf32, #tpu.memory_space<hbm>> -> memref<10240x16xf32, #tpu.memory_space<hbm>>
        tpu.wait_indirect_dma semaphore(%arg13 : memref<!tpu.dma_semaphore, #tpu.memory_space<semaphore_mem>>) src(%dma_wait3A_278 : memref<10240x16xf32, #tpu.memory_space<hbm>>) dst(%dma_wait3A_272 : memref<128x16xf32, #tpu.memory_space<vmem>>)
        %run_scoped3A_279 = arith.constant 2 : i32
        "tpu.region"() ({
          %run_scoped3A_392 = tpu.sem_alloc : memref<!tpu.dma_semaphore, #tpu.memory_space<semaphore_mem>>
          %dma_start3A_393 = arith.constant 0 : i32
          %dma_start3A_394 = arith.constant 0 : i32
          %dma_start3A_395 = tpu.memref_slice %arg9[%run_scoped3A_279, %dma_start3A_393, %dma_start3A_394] : memref<8x128x16xf32, #tpu.memory_space<vmem>> -> memref<1x128x16xf32, #tpu.memory_space<vmem>>
          %dma_start3A_396 = tpu.memref_squeeze %dma_start3A_395 : memref<1x128x16xf32, #tpu.memory_space<vmem>> -> memref<128x16xf32, #tpu.memory_space<vmem>>
          %dma_start3A_397 = arith.constant 0 : i32
          %dma_start3A_398 = tpu.memref_slice %arg8[%add3A_267, %dma_start3A_397] : memref<72x128xi32, #tpu.memory_space<vmem>> -> memref<1x128xi32, #tpu.memory_space<vmem>>
          %dma_start3A_399 = tpu.memref_squeeze %dma_start3A_398 : memref<1x128xi32, #tpu.memory_space<vmem>> -> memref<128xi32, #tpu.memory_space<vmem>>
          %dma_start3A_400 = arith.constant 0 : i32
          %dma_start3A_401 = arith.constant 0 : i32
          %dma_start3A_402 = tpu.memref_slice %arg10[%dma_start3A_400, %dma_start3A_401] : memref<10240x16xf32, #tpu.memory_space<vmem_shared>> -> memref<10240x16xf32, #tpu.memory_space<vmem_shared>>
          tpu.enqueue_indirect_dma source(%dma_start3A_396 : memref<128x16xf32, #tpu.memory_space<vmem>>) target(%dma_start3A_402 : memref<10240x16xf32, #tpu.memory_space<vmem_shared>>) offsets(%dma_start3A_399 : memref<128xi32, #tpu.memory_space<vmem>>) semaphore(%run_scoped3A_392 : memref<!tpu.dma_semaphore, #tpu.memory_space<semaphore_mem>>) {add = true}
          %dma_wait3A_403 = arith.constant 0 : i32
          %dma_wait3A_404 = arith.constant 0 : i32
          %dma_wait3A_405 = tpu.memref_slice %arg9[%run_scoped3A_279, %dma_wait3A_403, %dma_wait3A_404] : memref<8x128x16xf32, #tpu.memory_space<vmem>> -> memref<1x128x16xf32, #tpu.memory_space<vmem>>
          %dma_wait3A_406 = tpu.memref_squeeze %dma_wait3A_405 : memref<1x128x16xf32, #tpu.memory_space<vmem>> -> memref<128x16xf32, #tpu.memory_space<vmem>>
          %dma_wait3A_407 = arith.constant 0 : i32
          %dma_wait3A_408 = tpu.memref_slice %arg8[%add3A_267, %dma_wait3A_407] : memref<72x128xi32, #tpu.memory_space<vmem>> -> memref<1x128xi32, #tpu.memory_space<vmem>>
          %dma_wait3A_409 = tpu.memref_squeeze %dma_wait3A_408 : memref<1x128xi32, #tpu.memory_space<vmem>> -> memref<128xi32, #tpu.memory_space<vmem>>
          %dma_wait3A_410 = arith.constant 0 : i32
          %dma_wait3A_411 = arith.constant 0 : i32
          %dma_wait3A_412 = tpu.memref_slice %arg10[%dma_wait3A_410, %dma_wait3A_411] : memref<10240x16xf32, #tpu.memory_space<vmem_shared>> -> memref<10240x16xf32, #tpu.memory_space<vmem_shared>>
          tpu.wait_indirect_dma semaphore(%run_scoped3A_392 : memref<!tpu.dma_semaphore, #tpu.memory_space<semaphore_mem>>) src(%dma_wait3A_406 : memref<128x16xf32, #tpu.memory_space<vmem>>) dst(%dma_wait3A_412 : memref<10240x16xf32, #tpu.memory_space<vmem_shared>>)
          tpu.yield
        }) : () -> ()
        %add3A_280 = arith.constant 8 : i32
        %add3A_281 = arith.addi %add3A_267, %add3A_280 : i32
        %lt3A_282 = arith.constant 72 : i32
        %lt3A_283 = arith.cmpi slt, %add3A_281, %lt3A_282 : i32
        %convert_element_type3A_284 = arith.extui %lt3A_283 : i1 to i32
        %cond3A_285 = arith.constant 0 : i32
        %cond3A_286 = arith.cmpi ne, %convert_element_type3A_284, %cond3A_285 : i32
        scf.if %cond3A_286 {
          %add3A_392 = arith.constant 8 : i32
          %add3A_393 = arith.addi %add3A_267, %add3A_392 : i32
          %dma_start3A_394 = arith.constant 2 : i32
          %dma_start3A_395 = arith.constant 0 : i32
          %dma_start3A_396 = arith.constant 0 : i32
          %dma_start3A_397 = tpu.memref_slice %arg9[%dma_start3A_394, %dma_start3A_395, %dma_start3A_396] : memref<8x128x16xf32, #tpu.memory_space<vmem>> -> memref<1x128x16xf32, #tpu.memory_space<vmem>>
          %dma_start3A_398 = tpu.memref_squeeze %dma_start3A_397 : memref<1x128x16xf32, #tpu.memory_space<vmem>> -> memref<128x16xf32, #tpu.memory_space<vmem>>
          %dma_start3A_399 = arith.constant 0 : i32
          %dma_start3A_400 = tpu.memref_slice %arg7[%add3A_393, %dma_start3A_399] : memref<72x128xi32, #tpu.memory_space<vmem>> -> memref<1x128xi32, #tpu.memory_space<vmem>>
          %dma_start3A_401 = tpu.memref_squeeze %dma_start3A_400 : memref<1x128xi32, #tpu.memory_space<vmem>> -> memref<128xi32, #tpu.memory_space<vmem>>
          %dma_start3A_402 = arith.constant 0 : i32
          %dma_start3A_403 = arith.constant 0 : i32
          %dma_start3A_404 = tpu.memref_slice %arg2[%dma_start3A_402, %dma_start3A_403] : memref<10240x16xf32, #tpu.memory_space<hbm>> -> memref<10240x16xf32, #tpu.memory_space<hbm>>
          tpu.enqueue_indirect_dma source(%dma_start3A_404 : memref<10240x16xf32, #tpu.memory_space<hbm>>) target(%dma_start3A_398 : memref<128x16xf32, #tpu.memory_space<vmem>>) offsets(%dma_start3A_401 : memref<128xi32, #tpu.memory_space<vmem>>) semaphore(%arg13 : memref<!tpu.dma_semaphore, #tpu.memory_space<semaphore_mem>>)
        } else {
        }
        %add3A_287 = arith.constant 3 : i32
        %add3A_288 = arith.addi %mul3A_226, %add3A_287 : i32
        %dma_wait3A_289 = arith.constant 3 : i32
        %dma_wait3A_290 = arith.constant 0 : i32
        %dma_wait3A_291 = arith.constant 0 : i32
        %dma_wait3A_292 = tpu.memref_slice %arg9[%dma_wait3A_289, %dma_wait3A_290, %dma_wait3A_291] : memref<8x128x16xf32, #tpu.memory_space<vmem>> -> memref<1x128x16xf32, #tpu.memory_space<vmem>>
        %dma_wait3A_293 = tpu.memref_squeeze %dma_wait3A_292 : memref<1x128x16xf32, #tpu.memory_space<vmem>> -> memref<128x16xf32, #tpu.memory_space<vmem>>
        %dma_wait3A_294 = arith.constant 0 : i32
        %dma_wait3A_295 = tpu.memref_slice %arg7[%add3A_288, %dma_wait3A_294] : memref<72x128xi32, #tpu.memory_space<vmem>> -> memref<1x128xi32, #tpu.memory_space<vmem>>
        %dma_wait3A_296 = tpu.memref_squeeze %dma_wait3A_295 : memref<1x128xi32, #tpu.memory_space<vmem>> -> memref<128xi32, #tpu.memory_space<vmem>>
        %dma_wait3A_297 = arith.constant 0 : i32
        %dma_wait3A_298 = arith.constant 0 : i32
        %dma_wait3A_299 = tpu.memref_slice %arg2[%dma_wait3A_297, %dma_wait3A_298] : memref<10240x16xf32, #tpu.memory_space<hbm>> -> memref<10240x16xf32, #tpu.memory_space<hbm>>
        tpu.wait_indirect_dma semaphore(%arg14 : memref<!tpu.dma_semaphore, #tpu.memory_space<semaphore_mem>>) src(%dma_wait3A_299 : memref<10240x16xf32, #tpu.memory_space<hbm>>) dst(%dma_wait3A_293 : memref<128x16xf32, #tpu.memory_space<vmem>>)
        %run_scoped3A_300 = arith.constant 3 : i32
        "tpu.region"() ({
          %run_scoped3A_392 = tpu.sem_alloc : memref<!tpu.dma_semaphore, #tpu.memory_space<semaphore_mem>>
          %dma_start3A_393 = arith.constant 0 : i32
          %dma_start3A_394 = arith.constant 0 : i32
          %dma_start3A_395 = tpu.memref_slice %arg9[%run_scoped3A_300, %dma_start3A_393, %dma_start3A_394] : memref<8x128x16xf32, #tpu.memory_space<vmem>> -> memref<1x128x16xf32, #tpu.memory_space<vmem>>
          %dma_start3A_396 = tpu.memref_squeeze %dma_start3A_395 : memref<1x128x16xf32, #tpu.memory_space<vmem>> -> memref<128x16xf32, #tpu.memory_space<vmem>>
          %dma_start3A_397 = arith.constant 0 : i32
          %dma_start3A_398 = tpu.memref_slice %arg8[%add3A_288, %dma_start3A_397] : memref<72x128xi32, #tpu.memory_space<vmem>> -> memref<1x128xi32, #tpu.memory_space<vmem>>
          %dma_start3A_399 = tpu.memref_squeeze %dma_start3A_398 : memref<1x128xi32, #tpu.memory_space<vmem>> -> memref<128xi32, #tpu.memory_space<vmem>>
          %dma_start3A_400 = arith.constant 0 : i32
          %dma_start3A_401 = arith.constant 0 : i32
          %dma_start3A_402 = tpu.memref_slice %arg10[%dma_start3A_400, %dma_start3A_401] : memref<10240x16xf32, #tpu.memory_space<vmem_shared>> -> memref<10240x16xf32, #tpu.memory_space<vmem_shared>>
          tpu.enqueue_indirect_dma source(%dma_start3A_396 : memref<128x16xf32, #tpu.memory_space<vmem>>) target(%dma_start3A_402 : memref<10240x16xf32, #tpu.memory_space<vmem_shared>>) offsets(%dma_start3A_399 : memref<128xi32, #tpu.memory_space<vmem>>) semaphore(%run_scoped3A_392 : memref<!tpu.dma_semaphore, #tpu.memory_space<semaphore_mem>>) {add = true}
          %dma_wait3A_403 = arith.constant 0 : i32
          %dma_wait3A_404 = arith.constant 0 : i32
          %dma_wait3A_405 = tpu.memref_slice %arg9[%run_scoped3A_300, %dma_wait3A_403, %dma_wait3A_404] : memref<8x128x16xf32, #tpu.memory_space<vmem>> -> memref<1x128x16xf32, #tpu.memory_space<vmem>>
          %dma_wait3A_406 = tpu.memref_squeeze %dma_wait3A_405 : memref<1x128x16xf32, #tpu.memory_space<vmem>> -> memref<128x16xf32, #tpu.memory_space<vmem>>
          %dma_wait3A_407 = arith.constant 0 : i32
          %dma_wait3A_408 = tpu.memref_slice %arg8[%add3A_288, %dma_wait3A_407] : memref<72x128xi32, #tpu.memory_space<vmem>> -> memref<1x128xi32, #tpu.memory_space<vmem>>
          %dma_wait3A_409 = tpu.memref_squeeze %dma_wait3A_408 : memref<1x128xi32, #tpu.memory_space<vmem>> -> memref<128xi32, #tpu.memory_space<vmem>>
          %dma_wait3A_410 = arith.constant 0 : i32
          %dma_wait3A_411 = arith.constant 0 : i32
          %dma_wait3A_412 = tpu.memref_slice %arg10[%dma_wait3A_410, %dma_wait3A_411] : memref<10240x16xf32, #tpu.memory_space<vmem_shared>> -> memref<10240x16xf32, #tpu.memory_space<vmem_shared>>
          tpu.wait_indirect_dma semaphore(%run_scoped3A_392 : memref<!tpu.dma_semaphore, #tpu.memory_space<semaphore_mem>>) src(%dma_wait3A_406 : memref<128x16xf32, #tpu.memory_space<vmem>>) dst(%dma_wait3A_412 : memref<10240x16xf32, #tpu.memory_space<vmem_shared>>)
          tpu.yield
        }) : () -> ()
        %add3A_301 = arith.constant 8 : i32
        %add3A_302 = arith.addi %add3A_288, %add3A_301 : i32
        %lt3A_303 = arith.constant 72 : i32
        %lt3A_304 = arith.cmpi slt, %add3A_302, %lt3A_303 : i32
        %convert_element_type3A_305 = arith.extui %lt3A_304 : i1 to i32
        %cond3A_306 = arith.constant 0 : i32
        %cond3A_307 = arith.cmpi ne, %convert_element_type3A_305, %cond3A_306 : i32
        scf.if %cond3A_307 {
          %add3A_392 = arith.constant 8 : i32
          %add3A_393 = arith.addi %add3A_288, %add3A_392 : i32
          %dma_start3A_394 = arith.constant 3 : i32
          %dma_start3A_395 = arith.constant 0 : i32
          %dma_start3A_396 = arith.constant 0 : i32
          %dma_start3A_397 = tpu.memref_slice %arg9[%dma_start3A_394, %dma_start3A_395, %dma_start3A_396] : memref<8x128x16xf32, #tpu.memory_space<vmem>> -> memref<1x128x16xf32, #tpu.memory_space<vmem>>
          %dma_start3A_398 = tpu.memref_squeeze %dma_start3A_397 : memref<1x128x16xf32, #tpu.memory_space<vmem>> -> memref<128x16xf32, #tpu.memory_space<vmem>>
          %dma_start3A_399 = arith.constant 0 : i32
          %dma_start3A_400 = tpu.memref_slice %arg7[%add3A_393, %dma_start3A_399] : memref<72x128xi32, #tpu.memory_space<vmem>> -> memref<1x128xi32, #tpu.memory_space<vmem>>
          %dma_start3A_401 = tpu.memref_squeeze %dma_start3A_400 : memref<1x128xi32, #tpu.memory_space<vmem>> -> memref<128xi32, #tpu.memory_space<vmem>>
          %dma_start3A_402 = arith.constant 0 : i32
          %dma_start3A_403 = arith.constant 0 : i32
          %dma_start3A_404 = tpu.memref_slice %arg2[%dma_start3A_402, %dma_start3A_403] : memref<10240x16xf32, #tpu.memory_space<hbm>> -> memref<10240x16xf32, #tpu.memory_space<hbm>>
          tpu.enqueue_indirect_dma source(%dma_start3A_404 : memref<10240x16xf32, #tpu.memory_space<hbm>>) target(%dma_start3A_398 : memref<128x16xf32, #tpu.memory_space<vmem>>) offsets(%dma_start3A_401 : memref<128xi32, #tpu.memory_space<vmem>>) semaphore(%arg14 : memref<!tpu.dma_semaphore, #tpu.memory_space<semaphore_mem>>)
        } else {
        }
        %add3A_308 = arith.constant 4 : i32
        %add3A_309 = arith.addi %mul3A_226, %add3A_308 : i32
        %dma_wait3A_310 = arith.constant 4 : i32
        %dma_wait3A_311 = arith.constant 0 : i32
        %dma_wait3A_312 = arith.constant 0 : i32
        %dma_wait3A_313 = tpu.memref_slice %arg9[%dma_wait3A_310, %dma_wait3A_311, %dma_wait3A_312] : memref<8x128x16xf32, #tpu.memory_space<vmem>> -> memref<1x128x16xf32, #tpu.memory_space<vmem>>
        %dma_wait3A_314 = tpu.memref_squeeze %dma_wait3A_313 : memref<1x128x16xf32, #tpu.memory_space<vmem>> -> memref<128x16xf32, #tpu.memory_space<vmem>>
        %dma_wait3A_315 = arith.constant 0 : i32
        %dma_wait3A_316 = tpu.memref_slice %arg7[%add3A_309, %dma_wait3A_315] : memref<72x128xi32, #tpu.memory_space<vmem>> -> memref<1x128xi32, #tpu.memory_space<vmem>>
        %dma_wait3A_317 = tpu.memref_squeeze %dma_wait3A_316 : memref<1x128xi32, #tpu.memory_space<vmem>> -> memref<128xi32, #tpu.memory_space<vmem>>
        %dma_wait3A_318 = arith.constant 0 : i32
        %dma_wait3A_319 = arith.constant 0 : i32
        %dma_wait3A_320 = tpu.memref_slice %arg2[%dma_wait3A_318, %dma_wait3A_319] : memref<10240x16xf32, #tpu.memory_space<hbm>> -> memref<10240x16xf32, #tpu.memory_space<hbm>>
        tpu.wait_indirect_dma semaphore(%arg15 : memref<!tpu.dma_semaphore, #tpu.memory_space<semaphore_mem>>) src(%dma_wait3A_320 : memref<10240x16xf32, #tpu.memory_space<hbm>>) dst(%dma_wait3A_314 : memref<128x16xf32, #tpu.memory_space<vmem>>)
        %run_scoped3A_321 = arith.constant 4 : i32
        "tpu.region"() ({
          %run_scoped3A_392 = tpu.sem_alloc : memref<!tpu.dma_semaphore, #tpu.memory_space<semaphore_mem>>
          %dma_start3A_393 = arith.constant 0 : i32
          %dma_start3A_394 = arith.constant 0 : i32
          %dma_start3A_395 = tpu.memref_slice %arg9[%run_scoped3A_321, %dma_start3A_393, %dma_start3A_394] : memref<8x128x16xf32, #tpu.memory_space<vmem>> -> memref<1x128x16xf32, #tpu.memory_space<vmem>>
          %dma_start3A_396 = tpu.memref_squeeze %dma_start3A_395 : memref<1x128x16xf32, #tpu.memory_space<vmem>> -> memref<128x16xf32, #tpu.memory_space<vmem>>
          %dma_start3A_397 = arith.constant 0 : i32
          %dma_start3A_398 = tpu.memref_slice %arg8[%add3A_309, %dma_start3A_397] : memref<72x128xi32, #tpu.memory_space<vmem>> -> memref<1x128xi32, #tpu.memory_space<vmem>>
          %dma_start3A_399 = tpu.memref_squeeze %dma_start3A_398 : memref<1x128xi32, #tpu.memory_space<vmem>> -> memref<128xi32, #tpu.memory_space<vmem>>
          %dma_start3A_400 = arith.constant 0 : i32
          %dma_start3A_401 = arith.constant 0 : i32
          %dma_start3A_402 = tpu.memref_slice %arg10[%dma_start3A_400, %dma_start3A_401] : memref<10240x16xf32, #tpu.memory_space<vmem_shared>> -> memref<10240x16xf32, #tpu.memory_space<vmem_shared>>
          tpu.enqueue_indirect_dma source(%dma_start3A_396 : memref<128x16xf32, #tpu.memory_space<vmem>>) target(%dma_start3A_402 : memref<10240x16xf32, #tpu.memory_space<vmem_shared>>) offsets(%dma_start3A_399 : memref<128xi32, #tpu.memory_space<vmem>>) semaphore(%run_scoped3A_392 : memref<!tpu.dma_semaphore, #tpu.memory_space<semaphore_mem>>) {add = true}
          %dma_wait3A_403 = arith.constant 0 : i32
          %dma_wait3A_404 = arith.constant 0 : i32
          %dma_wait3A_405 = tpu.memref_slice %arg9[%run_scoped3A_321, %dma_wait3A_403, %dma_wait3A_404] : memref<8x128x16xf32, #tpu.memory_space<vmem>> -> memref<1x128x16xf32, #tpu.memory_space<vmem>>
          %dma_wait3A_406 = tpu.memref_squeeze %dma_wait3A_405 : memref<1x128x16xf32, #tpu.memory_space<vmem>> -> memref<128x16xf32, #tpu.memory_space<vmem>>
          %dma_wait3A_407 = arith.constant 0 : i32
          %dma_wait3A_408 = tpu.memref_slice %arg8[%add3A_309, %dma_wait3A_407] : memref<72x128xi32, #tpu.memory_space<vmem>> -> memref<1x128xi32, #tpu.memory_space<vmem>>
          %dma_wait3A_409 = tpu.memref_squeeze %dma_wait3A_408 : memref<1x128xi32, #tpu.memory_space<vmem>> -> memref<128xi32, #tpu.memory_space<vmem>>
          %dma_wait3A_410 = arith.constant 0 : i32
          %dma_wait3A_411 = arith.constant 0 : i32
          %dma_wait3A_412 = tpu.memref_slice %arg10[%dma_wait3A_410, %dma_wait3A_411] : memref<10240x16xf32, #tpu.memory_space<vmem_shared>> -> memref<10240x16xf32, #tpu.memory_space<vmem_shared>>
          tpu.wait_indirect_dma semaphore(%run_scoped3A_392 : memref<!tpu.dma_semaphore, #tpu.memory_space<semaphore_mem>>) src(%dma_wait3A_406 : memref<128x16xf32, #tpu.memory_space<vmem>>) dst(%dma_wait3A_412 : memref<10240x16xf32, #tpu.memory_space<vmem_shared>>)
          tpu.yield
        }) : () -> ()
        %add3A_322 = arith.constant 8 : i32
        %add3A_323 = arith.addi %add3A_309, %add3A_322 : i32
        %lt3A_324 = arith.constant 72 : i32
        %lt3A_325 = arith.cmpi slt, %add3A_323, %lt3A_324 : i32
        %convert_element_type3A_326 = arith.extui %lt3A_325 : i1 to i32
        %cond3A_327 = arith.constant 0 : i32
        %cond3A_328 = arith.cmpi ne, %convert_element_type3A_326, %cond3A_327 : i32
        scf.if %cond3A_328 {
          %add3A_392 = arith.constant 8 : i32
          %add3A_393 = arith.addi %add3A_309, %add3A_392 : i32
          %dma_start3A_394 = arith.constant 4 : i32
          %dma_start3A_395 = arith.constant 0 : i32
          %dma_start3A_396 = arith.constant 0 : i32
          %dma_start3A_397 = tpu.memref_slice %arg9[%dma_start3A_394, %dma_start3A_395, %dma_start3A_396] : memref<8x128x16xf32, #tpu.memory_space<vmem>> -> memref<1x128x16xf32, #tpu.memory_space<vmem>>
          %dma_start3A_398 = tpu.memref_squeeze %dma_start3A_397 : memref<1x128x16xf32, #tpu.memory_space<vmem>> -> memref<128x16xf32, #tpu.memory_space<vmem>>
          %dma_start3A_399 = arith.constant 0 : i32
          %dma_start3A_400 = tpu.memref_slice %arg7[%add3A_393, %dma_start3A_399] : memref<72x128xi32, #tpu.memory_space<vmem>> -> memref<1x128xi32, #tpu.memory_space<vmem>>
          %dma_start3A_401 = tpu.memref_squeeze %dma_start3A_400 : memref<1x128xi32, #tpu.memory_space<vmem>> -> memref<128xi32, #tpu.memory_space<vmem>>
          %dma_start3A_402 = arith.constant 0 : i32
          %dma_start3A_403 = arith.constant 0 : i32
          %dma_start3A_404 = tpu.memref_slice %arg2[%dma_start3A_402, %dma_start3A_403] : memref<10240x16xf32, #tpu.memory_space<hbm>> -> memref<10240x16xf32, #tpu.memory_space<hbm>>
          tpu.enqueue_indirect_dma source(%dma_start3A_404 : memref<10240x16xf32, #tpu.memory_space<hbm>>) target(%dma_start3A_398 : memref<128x16xf32, #tpu.memory_space<vmem>>) offsets(%dma_start3A_401 : memref<128xi32, #tpu.memory_space<vmem>>) semaphore(%arg15 : memref<!tpu.dma_semaphore, #tpu.memory_space<semaphore_mem>>)
        } else {
        }
        %add3A_329 = arith.constant 5 : i32
        %add3A_330 = arith.addi %mul3A_226, %add3A_329 : i32
        %dma_wait3A_331 = arith.constant 5 : i32
        %dma_wait3A_332 = arith.constant 0 : i32
        %dma_wait3A_333 = arith.constant 0 : i32
        %dma_wait3A_334 = tpu.memref_slice %arg9[%dma_wait3A_331, %dma_wait3A_332, %dma_wait3A_333] : memref<8x128x16xf32, #tpu.memory_space<vmem>> -> memref<1x128x16xf32, #tpu.memory_space<vmem>>
        %dma_wait3A_335 = tpu.memref_squeeze %dma_wait3A_334 : memref<1x128x16xf32, #tpu.memory_space<vmem>> -> memref<128x16xf32, #tpu.memory_space<vmem>>
        %dma_wait3A_336 = arith.constant 0 : i32
        %dma_wait3A_337 = tpu.memref_slice %arg7[%add3A_330, %dma_wait3A_336] : memref<72x128xi32, #tpu.memory_space<vmem>> -> memref<1x128xi32, #tpu.memory_space<vmem>>
        %dma_wait3A_338 = tpu.memref_squeeze %dma_wait3A_337 : memref<1x128xi32, #tpu.memory_space<vmem>> -> memref<128xi32, #tpu.memory_space<vmem>>
        %dma_wait3A_339 = arith.constant 0 : i32
        %dma_wait3A_340 = arith.constant 0 : i32
        %dma_wait3A_341 = tpu.memref_slice %arg2[%dma_wait3A_339, %dma_wait3A_340] : memref<10240x16xf32, #tpu.memory_space<hbm>> -> memref<10240x16xf32, #tpu.memory_space<hbm>>
        tpu.wait_indirect_dma semaphore(%arg16 : memref<!tpu.dma_semaphore, #tpu.memory_space<semaphore_mem>>) src(%dma_wait3A_341 : memref<10240x16xf32, #tpu.memory_space<hbm>>) dst(%dma_wait3A_335 : memref<128x16xf32, #tpu.memory_space<vmem>>)
        %run_scoped3A_342 = arith.constant 5 : i32
        "tpu.region"() ({
          %run_scoped3A_392 = tpu.sem_alloc : memref<!tpu.dma_semaphore, #tpu.memory_space<semaphore_mem>>
          %dma_start3A_393 = arith.constant 0 : i32
          %dma_start3A_394 = arith.constant 0 : i32
          %dma_start3A_395 = tpu.memref_slice %arg9[%run_scoped3A_342, %dma_start3A_393, %dma_start3A_394] : memref<8x128x16xf32, #tpu.memory_space<vmem>> -> memref<1x128x16xf32, #tpu.memory_space<vmem>>
          %dma_start3A_396 = tpu.memref_squeeze %dma_start3A_395 : memref<1x128x16xf32, #tpu.memory_space<vmem>> -> memref<128x16xf32, #tpu.memory_space<vmem>>
          %dma_start3A_397 = arith.constant 0 : i32
          %dma_start3A_398 = tpu.memref_slice %arg8[%add3A_330, %dma_start3A_397] : memref<72x128xi32, #tpu.memory_space<vmem>> -> memref<1x128xi32, #tpu.memory_space<vmem>>
          %dma_start3A_399 = tpu.memref_squeeze %dma_start3A_398 : memref<1x128xi32, #tpu.memory_space<vmem>> -> memref<128xi32, #tpu.memory_space<vmem>>
          %dma_start3A_400 = arith.constant 0 : i32
          %dma_start3A_401 = arith.constant 0 : i32
          %dma_start3A_402 = tpu.memref_slice %arg10[%dma_start3A_400, %dma_start3A_401] : memref<10240x16xf32, #tpu.memory_space<vmem_shared>> -> memref<10240x16xf32, #tpu.memory_space<vmem_shared>>
          tpu.enqueue_indirect_dma source(%dma_start3A_396 : memref<128x16xf32, #tpu.memory_space<vmem>>) target(%dma_start3A_402 : memref<10240x16xf32, #tpu.memory_space<vmem_shared>>) offsets(%dma_start3A_399 : memref<128xi32, #tpu.memory_space<vmem>>) semaphore(%run_scoped3A_392 : memref<!tpu.dma_semaphore, #tpu.memory_space<semaphore_mem>>) {add = true}
          %dma_wait3A_403 = arith.constant 0 : i32
          %dma_wait3A_404 = arith.constant 0 : i32
          %dma_wait3A_405 = tpu.memref_slice %arg9[%run_scoped3A_342, %dma_wait3A_403, %dma_wait3A_404] : memref<8x128x16xf32, #tpu.memory_space<vmem>> -> memref<1x128x16xf32, #tpu.memory_space<vmem>>
          %dma_wait3A_406 = tpu.memref_squeeze %dma_wait3A_405 : memref<1x128x16xf32, #tpu.memory_space<vmem>> -> memref<128x16xf32, #tpu.memory_space<vmem>>
          %dma_wait3A_407 = arith.constant 0 : i32
          %dma_wait3A_408 = tpu.memref_slice %arg8[%add3A_330, %dma_wait3A_407] : memref<72x128xi32, #tpu.memory_space<vmem>> -> memref<1x128xi32, #tpu.memory_space<vmem>>
          %dma_wait3A_409 = tpu.memref_squeeze %dma_wait3A_408 : memref<1x128xi32, #tpu.memory_space<vmem>> -> memref<128xi32, #tpu.memory_space<vmem>>
          %dma_wait3A_410 = arith.constant 0 : i32
          %dma_wait3A_411 = arith.constant 0 : i32
          %dma_wait3A_412 = tpu.memref_slice %arg10[%dma_wait3A_410, %dma_wait3A_411] : memref<10240x16xf32, #tpu.memory_space<vmem_shared>> -> memref<10240x16xf32, #tpu.memory_space<vmem_shared>>
          tpu.wait_indirect_dma semaphore(%run_scoped3A_392 : memref<!tpu.dma_semaphore, #tpu.memory_space<semaphore_mem>>) src(%dma_wait3A_406 : memref<128x16xf32, #tpu.memory_space<vmem>>) dst(%dma_wait3A_412 : memref<10240x16xf32, #tpu.memory_space<vmem_shared>>)
          tpu.yield
        }) : () -> ()
        %add3A_343 = arith.constant 8 : i32
        %add3A_344 = arith.addi %add3A_330, %add3A_343 : i32
        %lt3A_345 = arith.constant 72 : i32
        %lt3A_346 = arith.cmpi slt, %add3A_344, %lt3A_345 : i32
        %convert_element_type3A_347 = arith.extui %lt3A_346 : i1 to i32
        %cond3A_348 = arith.constant 0 : i32
        %cond3A_349 = arith.cmpi ne, %convert_element_type3A_347, %cond3A_348 : i32
        scf.if %cond3A_349 {
          %add3A_392 = arith.constant 8 : i32
          %add3A_393 = arith.addi %add3A_330, %add3A_392 : i32
          %dma_start3A_394 = arith.constant 5 : i32
          %dma_start3A_395 = arith.constant 0 : i32
          %dma_start3A_396 = arith.constant 0 : i32
          %dma_start3A_397 = tpu.memref_slice %arg9[%dma_start3A_394, %dma_start3A_395, %dma_start3A_396] : memref<8x128x16xf32, #tpu.memory_space<vmem>> -> memref<1x128x16xf32, #tpu.memory_space<vmem>>
          %dma_start3A_398 = tpu.memref_squeeze %dma_start3A_397 : memref<1x128x16xf32, #tpu.memory_space<vmem>> -> memref<128x16xf32, #tpu.memory_space<vmem>>
          %dma_start3A_399 = arith.constant 0 : i32
          %dma_start3A_400 = tpu.memref_slice %arg7[%add3A_393, %dma_start3A_399] : memref<72x128xi32, #tpu.memory_space<vmem>> -> memref<1x128xi32, #tpu.memory_space<vmem>>
          %dma_start3A_401 = tpu.memref_squeeze %dma_start3A_400 : memref<1x128xi32, #tpu.memory_space<vmem>> -> memref<128xi32, #tpu.memory_space<vmem>>
          %dma_start3A_402 = arith.constant 0 : i32
          %dma_start3A_403 = arith.constant 0 : i32
          %dma_start3A_404 = tpu.memref_slice %arg2[%dma_start3A_402, %dma_start3A_403] : memref<10240x16xf32, #tpu.memory_space<hbm>> -> memref<10240x16xf32, #tpu.memory_space<hbm>>
          tpu.enqueue_indirect_dma source(%dma_start3A_404 : memref<10240x16xf32, #tpu.memory_space<hbm>>) target(%dma_start3A_398 : memref<128x16xf32, #tpu.memory_space<vmem>>) offsets(%dma_start3A_401 : memref<128xi32, #tpu.memory_space<vmem>>) semaphore(%arg16 : memref<!tpu.dma_semaphore, #tpu.memory_space<semaphore_mem>>)
        } else {
        }
        %add3A_350 = arith.constant 6 : i32
        %add3A_351 = arith.addi %mul3A_226, %add3A_350 : i32
        %dma_wait3A_352 = arith.constant 6 : i32
        %dma_wait3A_353 = arith.constant 0 : i32
        %dma_wait3A_354 = arith.constant 0 : i32
        %dma_wait3A_355 = tpu.memref_slice %arg9[%dma_wait3A_352, %dma_wait3A_353, %dma_wait3A_354] : memref<8x128x16xf32, #tpu.memory_space<vmem>> -> memref<1x128x16xf32, #tpu.memory_space<vmem>>
        %dma_wait3A_356 = tpu.memref_squeeze %dma_wait3A_355 : memref<1x128x16xf32, #tpu.memory_space<vmem>> -> memref<128x16xf32, #tpu.memory_space<vmem>>
        %dma_wait3A_357 = arith.constant 0 : i32
        %dma_wait3A_358 = tpu.memref_slice %arg7[%add3A_351, %dma_wait3A_357] : memref<72x128xi32, #tpu.memory_space<vmem>> -> memref<1x128xi32, #tpu.memory_space<vmem>>
        %dma_wait3A_359 = tpu.memref_squeeze %dma_wait3A_358 : memref<1x128xi32, #tpu.memory_space<vmem>> -> memref<128xi32, #tpu.memory_space<vmem>>
        %dma_wait3A_360 = arith.constant 0 : i32
        %dma_wait3A_361 = arith.constant 0 : i32
        %dma_wait3A_362 = tpu.memref_slice %arg2[%dma_wait3A_360, %dma_wait3A_361] : memref<10240x16xf32, #tpu.memory_space<hbm>> -> memref<10240x16xf32, #tpu.memory_space<hbm>>
        tpu.wait_indirect_dma semaphore(%arg17 : memref<!tpu.dma_semaphore, #tpu.memory_space<semaphore_mem>>) src(%dma_wait3A_362 : memref<10240x16xf32, #tpu.memory_space<hbm>>) dst(%dma_wait3A_356 : memref<128x16xf32, #tpu.memory_space<vmem>>)
        %run_scoped3A_363 = arith.constant 6 : i32
        "tpu.region"() ({
          %run_scoped3A_392 = tpu.sem_alloc : memref<!tpu.dma_semaphore, #tpu.memory_space<semaphore_mem>>
          %dma_start3A_393 = arith.constant 0 : i32
          %dma_start3A_394 = arith.constant 0 : i32
          %dma_start3A_395 = tpu.memref_slice %arg9[%run_scoped3A_363, %dma_start3A_393, %dma_start3A_394] : memref<8x128x16xf32, #tpu.memory_space<vmem>> -> memref<1x128x16xf32, #tpu.memory_space<vmem>>
          %dma_start3A_396 = tpu.memref_squeeze %dma_start3A_395 : memref<1x128x16xf32, #tpu.memory_space<vmem>> -> memref<128x16xf32, #tpu.memory_space<vmem>>
          %dma_start3A_397 = arith.constant 0 : i32
          %dma_start3A_398 = tpu.memref_slice %arg8[%add3A_351, %dma_start3A_397] : memref<72x128xi32, #tpu.memory_space<vmem>> -> memref<1x128xi32, #tpu.memory_space<vmem>>
          %dma_start3A_399 = tpu.memref_squeeze %dma_start3A_398 : memref<1x128xi32, #tpu.memory_space<vmem>> -> memref<128xi32, #tpu.memory_space<vmem>>
          %dma_start3A_400 = arith.constant 0 : i32
          %dma_start3A_401 = arith.constant 0 : i32
          %dma_start3A_402 = tpu.memref_slice %arg10[%dma_start3A_400, %dma_start3A_401] : memref<10240x16xf32, #tpu.memory_space<vmem_shared>> -> memref<10240x16xf32, #tpu.memory_space<vmem_shared>>
          tpu.enqueue_indirect_dma source(%dma_start3A_396 : memref<128x16xf32, #tpu.memory_space<vmem>>) target(%dma_start3A_402 : memref<10240x16xf32, #tpu.memory_space<vmem_shared>>) offsets(%dma_start3A_399 : memref<128xi32, #tpu.memory_space<vmem>>) semaphore(%run_scoped3A_392 : memref<!tpu.dma_semaphore, #tpu.memory_space<semaphore_mem>>) {add = true}
          %dma_wait3A_403 = arith.constant 0 : i32
          %dma_wait3A_404 = arith.constant 0 : i32
          %dma_wait3A_405 = tpu.memref_slice %arg9[%run_scoped3A_363, %dma_wait3A_403, %dma_wait3A_404] : memref<8x128x16xf32, #tpu.memory_space<vmem>> -> memref<1x128x16xf32, #tpu.memory_space<vmem>>
          %dma_wait3A_406 = tpu.memref_squeeze %dma_wait3A_405 : memref<1x128x16xf32, #tpu.memory_space<vmem>> -> memref<128x16xf32, #tpu.memory_space<vmem>>
          %dma_wait3A_407 = arith.constant 0 : i32
          %dma_wait3A_408 = tpu.memref_slice %arg8[%add3A_351, %dma_wait3A_407] : memref<72x128xi32, #tpu.memory_space<vmem>> -> memref<1x128xi32, #tpu.memory_space<vmem>>
          %dma_wait3A_409 = tpu.memref_squeeze %dma_wait3A_408 : memref<1x128xi32, #tpu.memory_space<vmem>> -> memref<128xi32, #tpu.memory_space<vmem>>
          %dma_wait3A_410 = arith.constant 0 : i32
          %dma_wait3A_411 = arith.constant 0 : i32
          %dma_wait3A_412 = tpu.memref_slice %arg10[%dma_wait3A_410, %dma_wait3A_411] : memref<10240x16xf32, #tpu.memory_space<vmem_shared>> -> memref<10240x16xf32, #tpu.memory_space<vmem_shared>>
          tpu.wait_indirect_dma semaphore(%run_scoped3A_392 : memref<!tpu.dma_semaphore, #tpu.memory_space<semaphore_mem>>) src(%dma_wait3A_406 : memref<128x16xf32, #tpu.memory_space<vmem>>) dst(%dma_wait3A_412 : memref<10240x16xf32, #tpu.memory_space<vmem_shared>>)
          tpu.yield
        }) : () -> ()
        %add3A_364 = arith.constant 8 : i32
        %add3A_365 = arith.addi %add3A_351, %add3A_364 : i32
        %lt3A_366 = arith.constant 72 : i32
        %lt3A_367 = arith.cmpi slt, %add3A_365, %lt3A_366 : i32
        %convert_element_type3A_368 = arith.extui %lt3A_367 : i1 to i32
        %cond3A_369 = arith.constant 0 : i32
        %cond3A_370 = arith.cmpi ne, %convert_element_type3A_368, %cond3A_369 : i32
        scf.if %cond3A_370 {
          %add3A_392 = arith.constant 8 : i32
          %add3A_393 = arith.addi %add3A_351, %add3A_392 : i32
          %dma_start3A_394 = arith.constant 6 : i32
          %dma_start3A_395 = arith.constant 0 : i32
          %dma_start3A_396 = arith.constant 0 : i32
          %dma_start3A_397 = tpu.memref_slice %arg9[%dma_start3A_394, %dma_start3A_395, %dma_start3A_396] : memref<8x128x16xf32, #tpu.memory_space<vmem>> -> memref<1x128x16xf32, #tpu.memory_space<vmem>>
          %dma_start3A_398 = tpu.memref_squeeze %dma_start3A_397 : memref<1x128x16xf32, #tpu.memory_space<vmem>> -> memref<128x16xf32, #tpu.memory_space<vmem>>
          %dma_start3A_399 = arith.constant 0 : i32
          %dma_start3A_400 = tpu.memref_slice %arg7[%add3A_393, %dma_start3A_399] : memref<72x128xi32, #tpu.memory_space<vmem>> -> memref<1x128xi32, #tpu.memory_space<vmem>>
          %dma_start3A_401 = tpu.memref_squeeze %dma_start3A_400 : memref<1x128xi32, #tpu.memory_space<vmem>> -> memref<128xi32, #tpu.memory_space<vmem>>
          %dma_start3A_402 = arith.constant 0 : i32
          %dma_start3A_403 = arith.constant 0 : i32
          %dma_start3A_404 = tpu.memref_slice %arg2[%dma_start3A_402, %dma_start3A_403] : memref<10240x16xf32, #tpu.memory_space<hbm>> -> memref<10240x16xf32, #tpu.memory_space<hbm>>
          tpu.enqueue_indirect_dma source(%dma_start3A_404 : memref<10240x16xf32, #tpu.memory_space<hbm>>) target(%dma_start3A_398 : memref<128x16xf32, #tpu.memory_space<vmem>>) offsets(%dma_start3A_401 : memref<128xi32, #tpu.memory_space<vmem>>) semaphore(%arg17 : memref<!tpu.dma_semaphore, #tpu.memory_space<semaphore_mem>>)
        } else {
        }
        %add3A_371 = arith.constant 7 : i32
        %add3A_372 = arith.addi %mul3A_226, %add3A_371 : i32
        %dma_wait3A_373 = arith.constant 7 : i32
        %dma_wait3A_374 = arith.constant 0 : i32
        %dma_wait3A_375 = arith.constant 0 : i32
        %dma_wait3A_376 = tpu.memref_slice %arg9[%dma_wait3A_373, %dma_wait3A_374, %dma_wait3A_375] : memref<8x128x16xf32, #tpu.memory_space<vmem>> -> memref<1x128x16xf32, #tpu.memory_space<vmem>>
        %dma_wait3A_377 = tpu.memref_squeeze %dma_wait3A_376 : memref<1x128x16xf32, #tpu.memory_space<vmem>> -> memref<128x16xf32, #tpu.memory_space<vmem>>
        %dma_wait3A_378 = arith.constant 0 : i32
        %dma_wait3A_379 = tpu.memref_slice %arg7[%add3A_372, %dma_wait3A_378] : memref<72x128xi32, #tpu.memory_space<vmem>> -> memref<1x128xi32, #tpu.memory_space<vmem>>
        %dma_wait3A_380 = tpu.memref_squeeze %dma_wait3A_379 : memref<1x128xi32, #tpu.memory_space<vmem>> -> memref<128xi32, #tpu.memory_space<vmem>>
        %dma_wait3A_381 = arith.constant 0 : i32
        %dma_wait3A_382 = arith.constant 0 : i32
        %dma_wait3A_383 = tpu.memref_slice %arg2[%dma_wait3A_381, %dma_wait3A_382] : memref<10240x16xf32, #tpu.memory_space<hbm>> -> memref<10240x16xf32, #tpu.memory_space<hbm>>
        tpu.wait_indirect_dma semaphore(%arg18 : memref<!tpu.dma_semaphore, #tpu.memory_space<semaphore_mem>>) src(%dma_wait3A_383 : memref<10240x16xf32, #tpu.memory_space<hbm>>) dst(%dma_wait3A_377 : memref<128x16xf32, #tpu.memory_space<vmem>>)
        %run_scoped3A_384 = arith.constant 7 : i32
        "tpu.region"() ({
          %run_scoped3A_392 = tpu.sem_alloc : memref<!tpu.dma_semaphore, #tpu.memory_space<semaphore_mem>>
          %dma_start3A_393 = arith.constant 0 : i32
          %dma_start3A_394 = arith.constant 0 : i32
          %dma_start3A_395 = tpu.memref_slice %arg9[%run_scoped3A_384, %dma_start3A_393, %dma_start3A_394] : memref<8x128x16xf32, #tpu.memory_space<vmem>> -> memref<1x128x16xf32, #tpu.memory_space<vmem>>
          %dma_start3A_396 = tpu.memref_squeeze %dma_start3A_395 : memref<1x128x16xf32, #tpu.memory_space<vmem>> -> memref<128x16xf32, #tpu.memory_space<vmem>>
          %dma_start3A_397 = arith.constant 0 : i32
          %dma_start3A_398 = tpu.memref_slice %arg8[%add3A_372, %dma_start3A_397] : memref<72x128xi32, #tpu.memory_space<vmem>> -> memref<1x128xi32, #tpu.memory_space<vmem>>
          %dma_start3A_399 = tpu.memref_squeeze %dma_start3A_398 : memref<1x128xi32, #tpu.memory_space<vmem>> -> memref<128xi32, #tpu.memory_space<vmem>>
          %dma_start3A_400 = arith.constant 0 : i32
          %dma_start3A_401 = arith.constant 0 : i32
          %dma_start3A_402 = tpu.memref_slice %arg10[%dma_start3A_400, %dma_start3A_401] : memref<10240x16xf32, #tpu.memory_space<vmem_shared>> -> memref<10240x16xf32, #tpu.memory_space<vmem_shared>>
          tpu.enqueue_indirect_dma source(%dma_start3A_396 : memref<128x16xf32, #tpu.memory_space<vmem>>) target(%dma_start3A_402 : memref<10240x16xf32, #tpu.memory_space<vmem_shared>>) offsets(%dma_start3A_399 : memref<128xi32, #tpu.memory_space<vmem>>) semaphore(%run_scoped3A_392 : memref<!tpu.dma_semaphore, #tpu.memory_space<semaphore_mem>>) {add = true}
          %dma_wait3A_403 = arith.constant 0 : i32
          %dma_wait3A_404 = arith.constant 0 : i32
          %dma_wait3A_405 = tpu.memref_slice %arg9[%run_scoped3A_384, %dma_wait3A_403, %dma_wait3A_404] : memref<8x128x16xf32, #tpu.memory_space<vmem>> -> memref<1x128x16xf32, #tpu.memory_space<vmem>>
          %dma_wait3A_406 = tpu.memref_squeeze %dma_wait3A_405 : memref<1x128x16xf32, #tpu.memory_space<vmem>> -> memref<128x16xf32, #tpu.memory_space<vmem>>
          %dma_wait3A_407 = arith.constant 0 : i32
          %dma_wait3A_408 = tpu.memref_slice %arg8[%add3A_372, %dma_wait3A_407] : memref<72x128xi32, #tpu.memory_space<vmem>> -> memref<1x128xi32, #tpu.memory_space<vmem>>
          %dma_wait3A_409 = tpu.memref_squeeze %dma_wait3A_408 : memref<1x128xi32, #tpu.memory_space<vmem>> -> memref<128xi32, #tpu.memory_space<vmem>>
          %dma_wait3A_410 = arith.constant 0 : i32
          %dma_wait3A_411 = arith.constant 0 : i32
          %dma_wait3A_412 = tpu.memref_slice %arg10[%dma_wait3A_410, %dma_wait3A_411] : memref<10240x16xf32, #tpu.memory_space<vmem_shared>> -> memref<10240x16xf32, #tpu.memory_space<vmem_shared>>
          tpu.wait_indirect_dma semaphore(%run_scoped3A_392 : memref<!tpu.dma_semaphore, #tpu.memory_space<semaphore_mem>>) src(%dma_wait3A_406 : memref<128x16xf32, #tpu.memory_space<vmem>>) dst(%dma_wait3A_412 : memref<10240x16xf32, #tpu.memory_space<vmem_shared>>)
          tpu.yield
        }) : () -> ()
        %add3A_385 = arith.constant 8 : i32
        %add3A_386 = arith.addi %add3A_372, %add3A_385 : i32
        %lt3A_387 = arith.constant 72 : i32
        %lt3A_388 = arith.cmpi slt, %add3A_386, %lt3A_387 : i32
        %convert_element_type3A_389 = arith.extui %lt3A_388 : i1 to i32
        %cond3A_390 = arith.constant 0 : i32
        %cond3A_391 = arith.cmpi ne, %convert_element_type3A_389, %cond3A_390 : i32
        scf.if %cond3A_391 {
          %add3A_392 = arith.constant 8 : i32
          %add3A_393 = arith.addi %add3A_372, %add3A_392 : i32
          %dma_start3A_394 = arith.constant 7 : i32
          %dma_start3A_395 = arith.constant 0 : i32
          %dma_start3A_396 = arith.constant 0 : i32
          %dma_start3A_397 = tpu.memref_slice %arg9[%dma_start3A_394, %dma_start3A_395, %dma_start3A_396] : memref<8x128x16xf32, #tpu.memory_space<vmem>> -> memref<1x128x16xf32, #tpu.memory_space<vmem>>
          %dma_start3A_398 = tpu.memref_squeeze %dma_start3A_397 : memref<1x128x16xf32, #tpu.memory_space<vmem>> -> memref<128x16xf32, #tpu.memory_space<vmem>>
          %dma_start3A_399 = arith.constant 0 : i32
          %dma_start3A_400 = tpu.memref_slice %arg7[%add3A_393, %dma_start3A_399] : memref<72x128xi32, #tpu.memory_space<vmem>> -> memref<1x128xi32, #tpu.memory_space<vmem>>
          %dma_start3A_401 = tpu.memref_squeeze %dma_start3A_400 : memref<1x128xi32, #tpu.memory_space<vmem>> -> memref<128xi32, #tpu.memory_space<vmem>>
          %dma_start3A_402 = arith.constant 0 : i32
          %dma_start3A_403 = arith.constant 0 : i32
          %dma_start3A_404 = tpu.memref_slice %arg2[%dma_start3A_402, %dma_start3A_403] : memref<10240x16xf32, #tpu.memory_space<hbm>> -> memref<10240x16xf32, #tpu.memory_space<hbm>>
          tpu.enqueue_indirect_dma source(%dma_start3A_404 : memref<10240x16xf32, #tpu.memory_space<hbm>>) target(%dma_start3A_398 : memref<128x16xf32, #tpu.memory_space<vmem>>) offsets(%dma_start3A_401 : memref<128xi32, #tpu.memory_space<vmem>>) semaphore(%arg18 : memref<!tpu.dma_semaphore, #tpu.memory_space<semaphore_mem>>)
        } else {
        }
      }
      %scan3A_114 = arith.constant 9 : i32
      %mul3A_115 = arith.constant 144 : i32
      %mul3A_116 = arith.muli %arg1, %mul3A_115 : i32
      %add3A_117 = arith.constant 72 : i32
      %add3A_118 = arith.addi %mul3A_116, %add3A_117 : i32
      "tpu.region"() ({
        %run_scoped3A = tpu.sem_alloc : memref<!tpu.dma_semaphore, #tpu.memory_space<semaphore_mem>>
        %dma_start3A_220 = arith.constant 0 : i32
        %dma_start3A_221 = arith.constant 0 : i32
        %dma_start3A_222 = tpu.memref_slice %arg7[%dma_start3A_220, %dma_start3A_221] : memref<72x128xi32, #tpu.memory_space<vmem>> -> memref<72x128xi32, #tpu.memory_space<vmem>>
        %dma_start3A_223 = arith.constant 0 : i32
        %dma_start3A_224 = tpu.memref_slice %arg4[%add3A_118, %dma_start3A_223] : memref<2560x128xi32, #tpu.memory_space<hbm>> -> memref<72x128xi32, #tpu.memory_space<hbm>>
        %dma_start3A_225 = arith.constant 0 : i32
        %dma_start3A_226 = arith.constant 0 : i32
        %dma_start3A_227 = tpu.memref_slice %arg7[%dma_start3A_225, %dma_start3A_226] : memref<72x128xi32, #tpu.memory_space<vmem>> -> memref<72x128xi32, #tpu.memory_space<vmem>>
        %dma_start3A_228 = arith.constant 0 : i32
        %dma_start3A_229 = tpu.memref_slice %arg4[%add3A_118, %dma_start3A_228] : memref<2560x128xi32, #tpu.memory_space<hbm>> -> memref<72x128xi32, #tpu.memory_space<hbm>>
        tpu.enqueue_dma source(%dma_start3A_229 : memref<72x128xi32, #tpu.memory_space<hbm>>) target(%dma_start3A_227 : memref<72x128xi32, #tpu.memory_space<vmem>>) target_semaphore(%run_scoped3A : memref<!tpu.dma_semaphore, #tpu.memory_space<semaphore_mem>>)
        %dma_wait3A = arith.constant 0 : i32
        %dma_wait3A_230 = arith.constant 0 : i32
        %dma_wait3A_231 = tpu.memref_slice %arg7[%dma_wait3A, %dma_wait3A_230] : memref<72x128xi32, #tpu.memory_space<vmem>> -> memref<72x128xi32, #tpu.memory_space<vmem>>
        %dma_wait3A_232 = arith.constant 0 : i32
        %dma_wait3A_233 = tpu.memref_slice %arg4[%add3A_118, %dma_wait3A_232] : memref<2560x128xi32, #tpu.memory_space<hbm>> -> memref<72x128xi32, #tpu.memory_space<hbm>>
        %dma_wait3A_234 = arith.constant 0 : i32
        %dma_wait3A_235 = arith.constant 0 : i32
        %dma_wait3A_236 = tpu.memref_slice %arg7[%dma_wait3A_234, %dma_wait3A_235] : memref<72x128xi32, #tpu.memory_space<vmem>> -> memref<72x128xi32, #tpu.memory_space<vmem>>
        %dma_wait3A_237 = arith.constant 0 : i32
        %dma_wait3A_238 = tpu.memref_slice %arg4[%add3A_118, %dma_wait3A_237] : memref<2560x128xi32, #tpu.memory_space<hbm>> -> memref<72x128xi32, #tpu.memory_space<hbm>>
        tpu.wait_dma2 semaphore(%run_scoped3A : memref<!tpu.dma_semaphore, #tpu.memory_space<semaphore_mem>>) src(%dma_wait3A_238 : memref<72x128xi32, #tpu.memory_space<hbm>>) dst(%dma_wait3A_236 : memref<72x128xi32, #tpu.memory_space<vmem>>)
        tpu.yield
      }) : () -> ()
      "tpu.region"() ({
        %run_scoped3A = tpu.sem_alloc : memref<!tpu.dma_semaphore, #tpu.memory_space<semaphore_mem>>
        %dma_start3A_220 = arith.constant 0 : i32
        %dma_start3A_221 = arith.constant 0 : i32
        %dma_start3A_222 = tpu.memref_slice %arg8[%dma_start3A_220, %dma_start3A_221] : memref<72x128xi32, #tpu.memory_space<vmem>> -> memref<72x128xi32, #tpu.memory_space<vmem>>
        %dma_start3A_223 = arith.constant 0 : i32
        %dma_start3A_224 = tpu.memref_slice %arg5[%add3A_118, %dma_start3A_223] : memref<2560x128xi32, #tpu.memory_space<hbm>> -> memref<72x128xi32, #tpu.memory_space<hbm>>
        %dma_start3A_225 = arith.constant 0 : i32
        %dma_start3A_226 = arith.constant 0 : i32
        %dma_start3A_227 = tpu.memref_slice %arg8[%dma_start3A_225, %dma_start3A_226] : memref<72x128xi32, #tpu.memory_space<vmem>> -> memref<72x128xi32, #tpu.memory_space<vmem>>
        %dma_start3A_228 = arith.constant 0 : i32
        %dma_start3A_229 = tpu.memref_slice %arg5[%add3A_118, %dma_start3A_228] : memref<2560x128xi32, #tpu.memory_space<hbm>> -> memref<72x128xi32, #tpu.memory_space<hbm>>
        tpu.enqueue_dma source(%dma_start3A_229 : memref<72x128xi32, #tpu.memory_space<hbm>>) target(%dma_start3A_227 : memref<72x128xi32, #tpu.memory_space<vmem>>) target_semaphore(%run_scoped3A : memref<!tpu.dma_semaphore, #tpu.memory_space<semaphore_mem>>)
        %dma_wait3A = arith.constant 0 : i32
        %dma_wait3A_230 = arith.constant 0 : i32
        %dma_wait3A_231 = tpu.memref_slice %arg8[%dma_wait3A, %dma_wait3A_230] : memref<72x128xi32, #tpu.memory_space<vmem>> -> memref<72x128xi32, #tpu.memory_space<vmem>>
        %dma_wait3A_232 = arith.constant 0 : i32
        %dma_wait3A_233 = tpu.memref_slice %arg5[%add3A_118, %dma_wait3A_232] : memref<2560x128xi32, #tpu.memory_space<hbm>> -> memref<72x128xi32, #tpu.memory_space<hbm>>
        %dma_wait3A_234 = arith.constant 0 : i32
        %dma_wait3A_235 = arith.constant 0 : i32
        %dma_wait3A_236 = tpu.memref_slice %arg8[%dma_wait3A_234, %dma_wait3A_235] : memref<72x128xi32, #tpu.memory_space<vmem>> -> memref<72x128xi32, #tpu.memory_space<vmem>>
        %dma_wait3A_237 = arith.constant 0 : i32
        %dma_wait3A_238 = tpu.memref_slice %arg5[%add3A_118, %dma_wait3A_237] : memref<2560x128xi32, #tpu.memory_space<hbm>> -> memref<72x128xi32, #tpu.memory_space<hbm>>
        tpu.wait_dma2 semaphore(%run_scoped3A : memref<!tpu.dma_semaphore, #tpu.memory_space<semaphore_mem>>) src(%dma_wait3A_238 : memref<72x128xi32, #tpu.memory_space<hbm>>) dst(%dma_wait3A_236 : memref<72x128xi32, #tpu.memory_space<vmem>>)
        tpu.yield
      }) : () -> ()
      %dma_start3A_119 = arith.constant 0 : i32
      %dma_start3A_120 = arith.constant 0 : i32
      %dma_start3A_121 = arith.constant 0 : i32
      %dma_start3A_122 = arith.constant 0 : i32
      %dma_start3A_123 = tpu.memref_slice %arg9[%dma_start3A_120, %dma_start3A_121, %dma_start3A_122] : memref<8x128x16xf32, #tpu.memory_space<vmem>> -> memref<1x128x16xf32, #tpu.memory_space<vmem>>
      %dma_start3A_124 = tpu.memref_squeeze %dma_start3A_123 : memref<1x128x16xf32, #tpu.memory_space<vmem>> -> memref<128x16xf32, #tpu.memory_space<vmem>>
      %dma_start3A_125 = arith.constant 0 : i32
      %dma_start3A_126 = tpu.memref_slice %arg7[%dma_start3A_119, %dma_start3A_125] : memref<72x128xi32, #tpu.memory_space<vmem>> -> memref<1x128xi32, #tpu.memory_space<vmem>>
      %dma_start3A_127 = tpu.memref_squeeze %dma_start3A_126 : memref<1x128xi32, #tpu.memory_space<vmem>> -> memref<128xi32, #tpu.memory_space<vmem>>
      %dma_start3A_128 = arith.constant 0 : i32
      %dma_start3A_129 = arith.constant 0 : i32
      %dma_start3A_130 = tpu.memref_slice %arg2[%dma_start3A_128, %dma_start3A_129] : memref<10240x16xf32, #tpu.memory_space<hbm>> -> memref<10240x16xf32, #tpu.memory_space<hbm>>
      tpu.enqueue_indirect_dma source(%dma_start3A_130 : memref<10240x16xf32, #tpu.memory_space<hbm>>) target(%dma_start3A_124 : memref<128x16xf32, #tpu.memory_space<vmem>>) offsets(%dma_start3A_127 : memref<128xi32, #tpu.memory_space<vmem>>) semaphore(%arg11 : memref<!tpu.dma_semaphore, #tpu.memory_space<semaphore_mem>>)
      %dma_start3A_131 = arith.constant 1 : i32
      %dma_start3A_132 = arith.constant 1 : i32
      %dma_start3A_133 = arith.constant 0 : i32
      %dma_start3A_134 = arith.constant 0 : i32
      %dma_start3A_135 = tpu.memref_slice %arg9[%dma_start3A_132, %dma_start3A_133, %dma_start3A_134] : memref<8x128x16xf32, #tpu.memory_space<vmem>> -> memref<1x128x16xf32, #tpu.memory_space<vmem>>
      %dma_start3A_136 = tpu.memref_squeeze %dma_start3A_135 : memref<1x128x16xf32, #tpu.memory_space<vmem>> -> memref<128x16xf32, #tpu.memory_space<vmem>>
      %dma_start3A_137 = arith.constant 0 : i32
      %dma_start3A_138 = tpu.memref_slice %arg7[%dma_start3A_131, %dma_start3A_137] : memref<72x128xi32, #tpu.memory_space<vmem>> -> memref<1x128xi32, #tpu.memory_space<vmem>>
      %dma_start3A_139 = tpu.memref_squeeze %dma_start3A_138 : memref<1x128xi32, #tpu.memory_space<vmem>> -> memref<128xi32, #tpu.memory_space<vmem>>
      %dma_start3A_140 = arith.constant 0 : i32
      %dma_start3A_141 = arith.constant 0 : i32
      %dma_start3A_142 = tpu.memref_slice %arg2[%dma_start3A_140, %dma_start3A_141] : memref<10240x16xf32, #tpu.memory_space<hbm>> -> memref<10240x16xf32, #tpu.memory_space<hbm>>
      tpu.enqueue_indirect_dma source(%dma_start3A_142 : memref<10240x16xf32, #tpu.memory_space<hbm>>) target(%dma_start3A_136 : memref<128x16xf32, #tpu.memory_space<vmem>>) offsets(%dma_start3A_139 : memref<128xi32, #tpu.memory_space<vmem>>) semaphore(%arg12 : memref<!tpu.dma_semaphore, #tpu.memory_space<semaphore_mem>>)
      %dma_start3A_143 = arith.constant 2 : i32
      %dma_start3A_144 = arith.constant 2 : i32
      %dma_start3A_145 = arith.constant 0 : i32
      %dma_start3A_146 = arith.constant 0 : i32
      %dma_start3A_147 = tpu.memref_slice %arg9[%dma_start3A_144, %dma_start3A_145, %dma_start3A_146] : memref<8x128x16xf32, #tpu.memory_space<vmem>> -> memref<1x128x16xf32, #tpu.memory_space<vmem>>
      %dma_start3A_148 = tpu.memref_squeeze %dma_start3A_147 : memref<1x128x16xf32, #tpu.memory_space<vmem>> -> memref<128x16xf32, #tpu.memory_space<vmem>>
      %dma_start3A_149 = arith.constant 0 : i32
      %dma_start3A_150 = tpu.memref_slice %arg7[%dma_start3A_143, %dma_start3A_149] : memref<72x128xi32, #tpu.memory_space<vmem>> -> memref<1x128xi32, #tpu.memory_space<vmem>>
      %dma_start3A_151 = tpu.memref_squeeze %dma_start3A_150 : memref<1x128xi32, #tpu.memory_space<vmem>> -> memref<128xi32, #tpu.memory_space<vmem>>
      %dma_start3A_152 = arith.constant 0 : i32
      %dma_start3A_153 = arith.constant 0 : i32
      %dma_start3A_154 = tpu.memref_slice %arg2[%dma_start3A_152, %dma_start3A_153] : memref<10240x16xf32, #tpu.memory_space<hbm>> -> memref<10240x16xf32, #tpu.memory_space<hbm>>
      tpu.enqueue_indirect_dma source(%dma_start3A_154 : memref<10240x16xf32, #tpu.memory_space<hbm>>) target(%dma_start3A_148 : memref<128x16xf32, #tpu.memory_space<vmem>>) offsets(%dma_start3A_151 : memref<128xi32, #tpu.memory_space<vmem>>) semaphore(%arg13 : memref<!tpu.dma_semaphore, #tpu.memory_space<semaphore_mem>>)
      %dma_start3A_155 = arith.constant 3 : i32
      %dma_start3A_156 = arith.constant 3 : i32
      %dma_start3A_157 = arith.constant 0 : i32
      %dma_start3A_158 = arith.constant 0 : i32
      %dma_start3A_159 = tpu.memref_slice %arg9[%dma_start3A_156, %dma_start3A_157, %dma_start3A_158] : memref<8x128x16xf32, #tpu.memory_space<vmem>> -> memref<1x128x16xf32, #tpu.memory_space<vmem>>
      %dma_start3A_160 = tpu.memref_squeeze %dma_start3A_159 : memref<1x128x16xf32, #tpu.memory_space<vmem>> -> memref<128x16xf32, #tpu.memory_space<vmem>>
      %dma_start3A_161 = arith.constant 0 : i32
      %dma_start3A_162 = tpu.memref_slice %arg7[%dma_start3A_155, %dma_start3A_161] : memref<72x128xi32, #tpu.memory_space<vmem>> -> memref<1x128xi32, #tpu.memory_space<vmem>>
      %dma_start3A_163 = tpu.memref_squeeze %dma_start3A_162 : memref<1x128xi32, #tpu.memory_space<vmem>> -> memref<128xi32, #tpu.memory_space<vmem>>
      %dma_start3A_164 = arith.constant 0 : i32
      %dma_start3A_165 = arith.constant 0 : i32
      %dma_start3A_166 = tpu.memref_slice %arg2[%dma_start3A_164, %dma_start3A_165] : memref<10240x16xf32, #tpu.memory_space<hbm>> -> memref<10240x16xf32, #tpu.memory_space<hbm>>
      tpu.enqueue_indirect_dma source(%dma_start3A_166 : memref<10240x16xf32, #tpu.memory_space<hbm>>) target(%dma_start3A_160 : memref<128x16xf32, #tpu.memory_space<vmem>>) offsets(%dma_start3A_163 : memref<128xi32, #tpu.memory_space<vmem>>) semaphore(%arg14 : memref<!tpu.dma_semaphore, #tpu.memory_space<semaphore_mem>>)
      %dma_start3A_167 = arith.constant 4 : i32
      %dma_start3A_168 = arith.constant 4 : i32
      %dma_start3A_169 = arith.constant 0 : i32
      %dma_start3A_170 = arith.constant 0 : i32
      %dma_start3A_171 = tpu.memref_slice %arg9[%dma_start3A_168, %dma_start3A_169, %dma_start3A_170] : memref<8x128x16xf32, #tpu.memory_space<vmem>> -> memref<1x128x16xf32, #tpu.memory_space<vmem>>
      %dma_start3A_172 = tpu.memref_squeeze %dma_start3A_171 : memref<1x128x16xf32, #tpu.memory_space<vmem>> -> memref<128x16xf32, #tpu.memory_space<vmem>>
      %dma_start3A_173 = arith.constant 0 : i32
      %dma_start3A_174 = tpu.memref_slice %arg7[%dma_start3A_167, %dma_start3A_173] : memref<72x128xi32, #tpu.memory_space<vmem>> -> memref<1x128xi32, #tpu.memory_space<vmem>>
      %dma_start3A_175 = tpu.memref_squeeze %dma_start3A_174 : memref<1x128xi32, #tpu.memory_space<vmem>> -> memref<128xi32, #tpu.memory_space<vmem>>
      %dma_start3A_176 = arith.constant 0 : i32
      %dma_start3A_177 = arith.constant 0 : i32
      %dma_start3A_178 = tpu.memref_slice %arg2[%dma_start3A_176, %dma_start3A_177] : memref<10240x16xf32, #tpu.memory_space<hbm>> -> memref<10240x16xf32, #tpu.memory_space<hbm>>
      tpu.enqueue_indirect_dma source(%dma_start3A_178 : memref<10240x16xf32, #tpu.memory_space<hbm>>) target(%dma_start3A_172 : memref<128x16xf32, #tpu.memory_space<vmem>>) offsets(%dma_start3A_175 : memref<128xi32, #tpu.memory_space<vmem>>) semaphore(%arg15 : memref<!tpu.dma_semaphore, #tpu.memory_space<semaphore_mem>>)
      %dma_start3A_179 = arith.constant 5 : i32
      %dma_start3A_180 = arith.constant 5 : i32
      %dma_start3A_181 = arith.constant 0 : i32
      %dma_start3A_182 = arith.constant 0 : i32
      %dma_start3A_183 = tpu.memref_slice %arg9[%dma_start3A_180, %dma_start3A_181, %dma_start3A_182] : memref<8x128x16xf32, #tpu.memory_space<vmem>> -> memref<1x128x16xf32, #tpu.memory_space<vmem>>
      %dma_start3A_184 = tpu.memref_squeeze %dma_start3A_183 : memref<1x128x16xf32, #tpu.memory_space<vmem>> -> memref<128x16xf32, #tpu.memory_space<vmem>>
      %dma_start3A_185 = arith.constant 0 : i32
      %dma_start3A_186 = tpu.memref_slice %arg7[%dma_start3A_179, %dma_start3A_185] : memref<72x128xi32, #tpu.memory_space<vmem>> -> memref<1x128xi32, #tpu.memory_space<vmem>>
      %dma_start3A_187 = tpu.memref_squeeze %dma_start3A_186 : memref<1x128xi32, #tpu.memory_space<vmem>> -> memref<128xi32, #tpu.memory_space<vmem>>
      %dma_start3A_188 = arith.constant 0 : i32
      %dma_start3A_189 = arith.constant 0 : i32
      %dma_start3A_190 = tpu.memref_slice %arg2[%dma_start3A_188, %dma_start3A_189] : memref<10240x16xf32, #tpu.memory_space<hbm>> -> memref<10240x16xf32, #tpu.memory_space<hbm>>
      tpu.enqueue_indirect_dma source(%dma_start3A_190 : memref<10240x16xf32, #tpu.memory_space<hbm>>) target(%dma_start3A_184 : memref<128x16xf32, #tpu.memory_space<vmem>>) offsets(%dma_start3A_187 : memref<128xi32, #tpu.memory_space<vmem>>) semaphore(%arg16 : memref<!tpu.dma_semaphore, #tpu.memory_space<semaphore_mem>>)
      %dma_start3A_191 = arith.constant 6 : i32
      %dma_start3A_192 = arith.constant 6 : i32
      %dma_start3A_193 = arith.constant 0 : i32
      %dma_start3A_194 = arith.constant 0 : i32
      %dma_start3A_195 = tpu.memref_slice %arg9[%dma_start3A_192, %dma_start3A_193, %dma_start3A_194] : memref<8x128x16xf32, #tpu.memory_space<vmem>> -> memref<1x128x16xf32, #tpu.memory_space<vmem>>
      %dma_start3A_196 = tpu.memref_squeeze %dma_start3A_195 : memref<1x128x16xf32, #tpu.memory_space<vmem>> -> memref<128x16xf32, #tpu.memory_space<vmem>>
      %dma_start3A_197 = arith.constant 0 : i32
      %dma_start3A_198 = tpu.memref_slice %arg7[%dma_start3A_191, %dma_start3A_197] : memref<72x128xi32, #tpu.memory_space<vmem>> -> memref<1x128xi32, #tpu.memory_space<vmem>>
      %dma_start3A_199 = tpu.memref_squeeze %dma_start3A_198 : memref<1x128xi32, #tpu.memory_space<vmem>> -> memref<128xi32, #tpu.memory_space<vmem>>
      %dma_start3A_200 = arith.constant 0 : i32
      %dma_start3A_201 = arith.constant 0 : i32
      %dma_start3A_202 = tpu.memref_slice %arg2[%dma_start3A_200, %dma_start3A_201] : memref<10240x16xf32, #tpu.memory_space<hbm>> -> memref<10240x16xf32, #tpu.memory_space<hbm>>
      tpu.enqueue_indirect_dma source(%dma_start3A_202 : memref<10240x16xf32, #tpu.memory_space<hbm>>) target(%dma_start3A_196 : memref<128x16xf32, #tpu.memory_space<vmem>>) offsets(%dma_start3A_199 : memref<128xi32, #tpu.memory_space<vmem>>) semaphore(%arg17 : memref<!tpu.dma_semaphore, #tpu.memory_space<semaphore_mem>>)
      %dma_start3A_203 = arith.constant 7 : i32
      %dma_start3A_204 = arith.constant 7 : i32
      %dma_start3A_205 = arith.constant 0 : i32
      %dma_start3A_206 = arith.constant 0 : i32
      %dma_start3A_207 = tpu.memref_slice %arg9[%dma_start3A_204, %dma_start3A_205, %dma_start3A_206] : memref<8x128x16xf32, #tpu.memory_space<vmem>> -> memref<1x128x16xf32, #tpu.memory_space<vmem>>
      %dma_start3A_208 = tpu.memref_squeeze %dma_start3A_207 : memref<1x128x16xf32, #tpu.memory_space<vmem>> -> memref<128x16xf32, #tpu.memory_space<vmem>>
      %dma_start3A_209 = arith.constant 0 : i32
      %dma_start3A_210 = tpu.memref_slice %arg7[%dma_start3A_203, %dma_start3A_209] : memref<72x128xi32, #tpu.memory_space<vmem>> -> memref<1x128xi32, #tpu.memory_space<vmem>>
      %dma_start3A_211 = tpu.memref_squeeze %dma_start3A_210 : memref<1x128xi32, #tpu.memory_space<vmem>> -> memref<128xi32, #tpu.memory_space<vmem>>
      %dma_start3A_212 = arith.constant 0 : i32
      %dma_start3A_213 = arith.constant 0 : i32
      %dma_start3A_214 = tpu.memref_slice %arg2[%dma_start3A_212, %dma_start3A_213] : memref<10240x16xf32, #tpu.memory_space<hbm>> -> memref<10240x16xf32, #tpu.memory_space<hbm>>
      tpu.enqueue_indirect_dma source(%dma_start3A_214 : memref<10240x16xf32, #tpu.memory_space<hbm>>) target(%dma_start3A_208 : memref<128x16xf32, #tpu.memory_space<vmem>>) offsets(%dma_start3A_211 : memref<128xi32, #tpu.memory_space<vmem>>) semaphore(%arg18 : memref<!tpu.dma_semaphore, #tpu.memory_space<semaphore_mem>>)
      %scan3A_215 = arith.constant 0 : i32
      %scan3A_216 = arith.constant 9 : i32
      %scan3A_217 = arith.addi %scan3A_215, %scan3A_216 : i32
      %scan3A_218 = arith.constant 1 : i32
      scf.for %scan3A_220 = %scan3A_215 to %scan3A_217 step %scan3A_218  : i32 {
        %mul3A_221 = arith.constant 1 : i32
        %mul3A_222 = arith.muli %scan3A_220, %mul3A_221 : i32
        %add3A_223 = arith.constant 0 : i32
        %add3A_224 = arith.addi %add3A_223, %mul3A_222 : i32
        %mul3A_225 = arith.constant 8 : i32
        %mul3A_226 = arith.muli %add3A_224, %mul3A_225 : i32
        %add3A_227 = arith.constant 0 : i32
        %add3A_228 = arith.addi %mul3A_226, %add3A_227 : i32
        %dma_wait3A = arith.constant 0 : i32
        %dma_wait3A_229 = arith.constant 0 : i32
        %dma_wait3A_230 = arith.constant 0 : i32
        %dma_wait3A_231 = tpu.memref_slice %arg9[%dma_wait3A, %dma_wait3A_229, %dma_wait3A_230] : memref<8x128x16xf32, #tpu.memory_space<vmem>> -> memref<1x128x16xf32, #tpu.memory_space<vmem>>
        %dma_wait3A_232 = tpu.memref_squeeze %dma_wait3A_231 : memref<1x128x16xf32, #tpu.memory_space<vmem>> -> memref<128x16xf32, #tpu.memory_space<vmem>>
        %dma_wait3A_233 = arith.constant 0 : i32
        %dma_wait3A_234 = tpu.memref_slice %arg7[%add3A_228, %dma_wait3A_233] : memref<72x128xi32, #tpu.memory_space<vmem>> -> memref<1x128xi32, #tpu.memory_space<vmem>>
        %dma_wait3A_235 = tpu.memref_squeeze %dma_wait3A_234 : memref<1x128xi32, #tpu.memory_space<vmem>> -> memref<128xi32, #tpu.memory_space<vmem>>
        %dma_wait3A_236 = arith.constant 0 : i32
        %dma_wait3A_237 = arith.constant 0 : i32
        %dma_wait3A_238 = tpu.memref_slice %arg2[%dma_wait3A_236, %dma_wait3A_237] : memref<10240x16xf32, #tpu.memory_space<hbm>> -> memref<10240x16xf32, #tpu.memory_space<hbm>>
        tpu.wait_indirect_dma semaphore(%arg11 : memref<!tpu.dma_semaphore, #tpu.memory_space<semaphore_mem>>) src(%dma_wait3A_238 : memref<10240x16xf32, #tpu.memory_space<hbm>>) dst(%dma_wait3A_232 : memref<128x16xf32, #tpu.memory_space<vmem>>)
        %run_scoped3A = arith.constant 0 : i32
        "tpu.region"() ({
          %run_scoped3A_392 = tpu.sem_alloc : memref<!tpu.dma_semaphore, #tpu.memory_space<semaphore_mem>>
          %dma_start3A_393 = arith.constant 0 : i32
          %dma_start3A_394 = arith.constant 0 : i32
          %dma_start3A_395 = tpu.memref_slice %arg9[%run_scoped3A, %dma_start3A_393, %dma_start3A_394] : memref<8x128x16xf32, #tpu.memory_space<vmem>> -> memref<1x128x16xf32, #tpu.memory_space<vmem>>
          %dma_start3A_396 = tpu.memref_squeeze %dma_start3A_395 : memref<1x128x16xf32, #tpu.memory_space<vmem>> -> memref<128x16xf32, #tpu.memory_space<vmem>>
          %dma_start3A_397 = arith.constant 0 : i32
          %dma_start3A_398 = tpu.memref_slice %arg8[%add3A_228, %dma_start3A_397] : memref<72x128xi32, #tpu.memory_space<vmem>> -> memref<1x128xi32, #tpu.memory_space<vmem>>
          %dma_start3A_399 = tpu.memref_squeeze %dma_start3A_398 : memref<1x128xi32, #tpu.memory_space<vmem>> -> memref<128xi32, #tpu.memory_space<vmem>>
          %dma_start3A_400 = arith.constant 0 : i32
          %dma_start3A_401 = arith.constant 0 : i32
          %dma_start3A_402 = tpu.memref_slice %arg10[%dma_start3A_400, %dma_start3A_401] : memref<10240x16xf32, #tpu.memory_space<vmem_shared>> -> memref<10240x16xf32, #tpu.memory_space<vmem_shared>>
          tpu.enqueue_indirect_dma source(%dma_start3A_396 : memref<128x16xf32, #tpu.memory_space<vmem>>) target(%dma_start3A_402 : memref<10240x16xf32, #tpu.memory_space<vmem_shared>>) offsets(%dma_start3A_399 : memref<128xi32, #tpu.memory_space<vmem>>) semaphore(%run_scoped3A_392 : memref<!tpu.dma_semaphore, #tpu.memory_space<semaphore_mem>>) {add = true}
          %dma_wait3A_403 = arith.constant 0 : i32
          %dma_wait3A_404 = arith.constant 0 : i32
          %dma_wait3A_405 = tpu.memref_slice %arg9[%run_scoped3A, %dma_wait3A_403, %dma_wait3A_404] : memref<8x128x16xf32, #tpu.memory_space<vmem>> -> memref<1x128x16xf32, #tpu.memory_space<vmem>>
          %dma_wait3A_406 = tpu.memref_squeeze %dma_wait3A_405 : memref<1x128x16xf32, #tpu.memory_space<vmem>> -> memref<128x16xf32, #tpu.memory_space<vmem>>
          %dma_wait3A_407 = arith.constant 0 : i32
          %dma_wait3A_408 = tpu.memref_slice %arg8[%add3A_228, %dma_wait3A_407] : memref<72x128xi32, #tpu.memory_space<vmem>> -> memref<1x128xi32, #tpu.memory_space<vmem>>
          %dma_wait3A_409 = tpu.memref_squeeze %dma_wait3A_408 : memref<1x128xi32, #tpu.memory_space<vmem>> -> memref<128xi32, #tpu.memory_space<vmem>>
          %dma_wait3A_410 = arith.constant 0 : i32
          %dma_wait3A_411 = arith.constant 0 : i32
          %dma_wait3A_412 = tpu.memref_slice %arg10[%dma_wait3A_410, %dma_wait3A_411] : memref<10240x16xf32, #tpu.memory_space<vmem_shared>> -> memref<10240x16xf32, #tpu.memory_space<vmem_shared>>
          tpu.wait_indirect_dma semaphore(%run_scoped3A_392 : memref<!tpu.dma_semaphore, #tpu.memory_space<semaphore_mem>>) src(%dma_wait3A_406 : memref<128x16xf32, #tpu.memory_space<vmem>>) dst(%dma_wait3A_412 : memref<10240x16xf32, #tpu.memory_space<vmem_shared>>)
          tpu.yield
        }) : () -> ()
        %add3A_239 = arith.constant 8 : i32
        %add3A_240 = arith.addi %add3A_228, %add3A_239 : i32
        %lt3A = arith.constant 72 : i32
        %lt3A_241 = arith.cmpi slt, %add3A_240, %lt3A : i32
        %convert_element_type3A_242 = arith.extui %lt3A_241 : i1 to i32
        %cond3A_243 = arith.constant 0 : i32
        %cond3A_244 = arith.cmpi ne, %convert_element_type3A_242, %cond3A_243 : i32
        scf.if %cond3A_244 {
          %add3A_392 = arith.constant 8 : i32
          %add3A_393 = arith.addi %add3A_228, %add3A_392 : i32
          %dma_start3A_394 = arith.constant 0 : i32
          %dma_start3A_395 = arith.constant 0 : i32
          %dma_start3A_396 = arith.constant 0 : i32
          %dma_start3A_397 = tpu.memref_slice %arg9[%dma_start3A_394, %dma_start3A_395, %dma_start3A_396] : memref<8x128x16xf32, #tpu.memory_space<vmem>> -> memref<1x128x16xf32, #tpu.memory_space<vmem>>
          %dma_start3A_398 = tpu.memref_squeeze %dma_start3A_397 : memref<1x128x16xf32, #tpu.memory_space<vmem>> -> memref<128x16xf32, #tpu.memory_space<vmem>>
          %dma_start3A_399 = arith.constant 0 : i32
          %dma_start3A_400 = tpu.memref_slice %arg7[%add3A_393, %dma_start3A_399] : memref<72x128xi32, #tpu.memory_space<vmem>> -> memref<1x128xi32, #tpu.memory_space<vmem>>
          %dma_start3A_401 = tpu.memref_squeeze %dma_start3A_400 : memref<1x128xi32, #tpu.memory_space<vmem>> -> memref<128xi32, #tpu.memory_space<vmem>>
          %dma_start3A_402 = arith.constant 0 : i32
          %dma_start3A_403 = arith.constant 0 : i32
          %dma_start3A_404 = tpu.memref_slice %arg2[%dma_start3A_402, %dma_start3A_403] : memref<10240x16xf32, #tpu.memory_space<hbm>> -> memref<10240x16xf32, #tpu.memory_space<hbm>>
          tpu.enqueue_indirect_dma source(%dma_start3A_404 : memref<10240x16xf32, #tpu.memory_space<hbm>>) target(%dma_start3A_398 : memref<128x16xf32, #tpu.memory_space<vmem>>) offsets(%dma_start3A_401 : memref<128xi32, #tpu.memory_space<vmem>>) semaphore(%arg11 : memref<!tpu.dma_semaphore, #tpu.memory_space<semaphore_mem>>)
        } else {
        }
        %add3A_245 = arith.constant 1 : i32
        %add3A_246 = arith.addi %mul3A_226, %add3A_245 : i32
        %dma_wait3A_247 = arith.constant 1 : i32
        %dma_wait3A_248 = arith.constant 0 : i32
        %dma_wait3A_249 = arith.constant 0 : i32
        %dma_wait3A_250 = tpu.memref_slice %arg9[%dma_wait3A_247, %dma_wait3A_248, %dma_wait3A_249] : memref<8x128x16xf32, #tpu.memory_space<vmem>> -> memref<1x128x16xf32, #tpu.memory_space<vmem>>
        %dma_wait3A_251 = tpu.memref_squeeze %dma_wait3A_250 : memref<1x128x16xf32, #tpu.memory_space<vmem>> -> memref<128x16xf32, #tpu.memory_space<vmem>>
        %dma_wait3A_252 = arith.constant 0 : i32
        %dma_wait3A_253 = tpu.memref_slice %arg7[%add3A_246, %dma_wait3A_252] : memref<72x128xi32, #tpu.memory_space<vmem>> -> memref<1x128xi32, #tpu.memory_space<vmem>>
        %dma_wait3A_254 = tpu.memref_squeeze %dma_wait3A_253 : memref<1x128xi32, #tpu.memory_space<vmem>> -> memref<128xi32, #tpu.memory_space<vmem>>
        %dma_wait3A_255 = arith.constant 0 : i32
        %dma_wait3A_256 = arith.constant 0 : i32
        %dma_wait3A_257 = tpu.memref_slice %arg2[%dma_wait3A_255, %dma_wait3A_256] : memref<10240x16xf32, #tpu.memory_space<hbm>> -> memref<10240x16xf32, #tpu.memory_space<hbm>>
        tpu.wait_indirect_dma semaphore(%arg12 : memref<!tpu.dma_semaphore, #tpu.memory_space<semaphore_mem>>) src(%dma_wait3A_257 : memref<10240x16xf32, #tpu.memory_space<hbm>>) dst(%dma_wait3A_251 : memref<128x16xf32, #tpu.memory_space<vmem>>)
        %run_scoped3A_258 = arith.constant 1 : i32
        "tpu.region"() ({
          %run_scoped3A_392 = tpu.sem_alloc : memref<!tpu.dma_semaphore, #tpu.memory_space<semaphore_mem>>
          %dma_start3A_393 = arith.constant 0 : i32
          %dma_start3A_394 = arith.constant 0 : i32
          %dma_start3A_395 = tpu.memref_slice %arg9[%run_scoped3A_258, %dma_start3A_393, %dma_start3A_394] : memref<8x128x16xf32, #tpu.memory_space<vmem>> -> memref<1x128x16xf32, #tpu.memory_space<vmem>>
          %dma_start3A_396 = tpu.memref_squeeze %dma_start3A_395 : memref<1x128x16xf32, #tpu.memory_space<vmem>> -> memref<128x16xf32, #tpu.memory_space<vmem>>
          %dma_start3A_397 = arith.constant 0 : i32
          %dma_start3A_398 = tpu.memref_slice %arg8[%add3A_246, %dma_start3A_397] : memref<72x128xi32, #tpu.memory_space<vmem>> -> memref<1x128xi32, #tpu.memory_space<vmem>>
          %dma_start3A_399 = tpu.memref_squeeze %dma_start3A_398 : memref<1x128xi32, #tpu.memory_space<vmem>> -> memref<128xi32, #tpu.memory_space<vmem>>
          %dma_start3A_400 = arith.constant 0 : i32
          %dma_start3A_401 = arith.constant 0 : i32
          %dma_start3A_402 = tpu.memref_slice %arg10[%dma_start3A_400, %dma_start3A_401] : memref<10240x16xf32, #tpu.memory_space<vmem_shared>> -> memref<10240x16xf32, #tpu.memory_space<vmem_shared>>
          tpu.enqueue_indirect_dma source(%dma_start3A_396 : memref<128x16xf32, #tpu.memory_space<vmem>>) target(%dma_start3A_402 : memref<10240x16xf32, #tpu.memory_space<vmem_shared>>) offsets(%dma_start3A_399 : memref<128xi32, #tpu.memory_space<vmem>>) semaphore(%run_scoped3A_392 : memref<!tpu.dma_semaphore, #tpu.memory_space<semaphore_mem>>) {add = true}
          %dma_wait3A_403 = arith.constant 0 : i32
          %dma_wait3A_404 = arith.constant 0 : i32
          %dma_wait3A_405 = tpu.memref_slice %arg9[%run_scoped3A_258, %dma_wait3A_403, %dma_wait3A_404] : memref<8x128x16xf32, #tpu.memory_space<vmem>> -> memref<1x128x16xf32, #tpu.memory_space<vmem>>
          %dma_wait3A_406 = tpu.memref_squeeze %dma_wait3A_405 : memref<1x128x16xf32, #tpu.memory_space<vmem>> -> memref<128x16xf32, #tpu.memory_space<vmem>>
          %dma_wait3A_407 = arith.constant 0 : i32
          %dma_wait3A_408 = tpu.memref_slice %arg8[%add3A_246, %dma_wait3A_407] : memref<72x128xi32, #tpu.memory_space<vmem>> -> memref<1x128xi32, #tpu.memory_space<vmem>>
          %dma_wait3A_409 = tpu.memref_squeeze %dma_wait3A_408 : memref<1x128xi32, #tpu.memory_space<vmem>> -> memref<128xi32, #tpu.memory_space<vmem>>
          %dma_wait3A_410 = arith.constant 0 : i32
          %dma_wait3A_411 = arith.constant 0 : i32
          %dma_wait3A_412 = tpu.memref_slice %arg10[%dma_wait3A_410, %dma_wait3A_411] : memref<10240x16xf32, #tpu.memory_space<vmem_shared>> -> memref<10240x16xf32, #tpu.memory_space<vmem_shared>>
          tpu.wait_indirect_dma semaphore(%run_scoped3A_392 : memref<!tpu.dma_semaphore, #tpu.memory_space<semaphore_mem>>) src(%dma_wait3A_406 : memref<128x16xf32, #tpu.memory_space<vmem>>) dst(%dma_wait3A_412 : memref<10240x16xf32, #tpu.memory_space<vmem_shared>>)
          tpu.yield
        }) : () -> ()
        %add3A_259 = arith.constant 8 : i32
        %add3A_260 = arith.addi %add3A_246, %add3A_259 : i32
        %lt3A_261 = arith.constant 72 : i32
        %lt3A_262 = arith.cmpi slt, %add3A_260, %lt3A_261 : i32
        %convert_element_type3A_263 = arith.extui %lt3A_262 : i1 to i32
        %cond3A_264 = arith.constant 0 : i32
        %cond3A_265 = arith.cmpi ne, %convert_element_type3A_263, %cond3A_264 : i32
        scf.if %cond3A_265 {
          %add3A_392 = arith.constant 8 : i32
          %add3A_393 = arith.addi %add3A_246, %add3A_392 : i32
          %dma_start3A_394 = arith.constant 1 : i32
          %dma_start3A_395 = arith.constant 0 : i32
          %dma_start3A_396 = arith.constant 0 : i32
          %dma_start3A_397 = tpu.memref_slice %arg9[%dma_start3A_394, %dma_start3A_395, %dma_start3A_396] : memref<8x128x16xf32, #tpu.memory_space<vmem>> -> memref<1x128x16xf32, #tpu.memory_space<vmem>>
          %dma_start3A_398 = tpu.memref_squeeze %dma_start3A_397 : memref<1x128x16xf32, #tpu.memory_space<vmem>> -> memref<128x16xf32, #tpu.memory_space<vmem>>
          %dma_start3A_399 = arith.constant 0 : i32
          %dma_start3A_400 = tpu.memref_slice %arg7[%add3A_393, %dma_start3A_399] : memref<72x128xi32, #tpu.memory_space<vmem>> -> memref<1x128xi32, #tpu.memory_space<vmem>>
          %dma_start3A_401 = tpu.memref_squeeze %dma_start3A_400 : memref<1x128xi32, #tpu.memory_space<vmem>> -> memref<128xi32, #tpu.memory_space<vmem>>
          %dma_start3A_402 = arith.constant 0 : i32
          %dma_start3A_403 = arith.constant 0 : i32
          %dma_start3A_404 = tpu.memref_slice %arg2[%dma_start3A_402, %dma_start3A_403] : memref<10240x16xf32, #tpu.memory_space<hbm>> -> memref<10240x16xf32, #tpu.memory_space<hbm>>
          tpu.enqueue_indirect_dma source(%dma_start3A_404 : memref<10240x16xf32, #tpu.memory_space<hbm>>) target(%dma_start3A_398 : memref<128x16xf32, #tpu.memory_space<vmem>>) offsets(%dma_start3A_401 : memref<128xi32, #tpu.memory_space<vmem>>) semaphore(%arg12 : memref<!tpu.dma_semaphore, #tpu.memory_space<semaphore_mem>>)
        } else {
        }
        %add3A_266 = arith.constant 2 : i32
        %add3A_267 = arith.addi %mul3A_226, %add3A_266 : i32
        %dma_wait3A_268 = arith.constant 2 : i32
        %dma_wait3A_269 = arith.constant 0 : i32
        %dma_wait3A_270 = arith.constant 0 : i32
        %dma_wait3A_271 = tpu.memref_slice %arg9[%dma_wait3A_268, %dma_wait3A_269, %dma_wait3A_270] : memref<8x128x16xf32, #tpu.memory_space<vmem>> -> memref<1x128x16xf32, #tpu.memory_space<vmem>>
        %dma_wait3A_272 = tpu.memref_squeeze %dma_wait3A_271 : memref<1x128x16xf32, #tpu.memory_space<vmem>> -> memref<128x16xf32, #tpu.memory_space<vmem>>
        %dma_wait3A_273 = arith.constant 0 : i32
        %dma_wait3A_274 = tpu.memref_slice %arg7[%add3A_267, %dma_wait3A_273] : memref<72x128xi32, #tpu.memory_space<vmem>> -> memref<1x128xi32, #tpu.memory_space<vmem>>
        %dma_wait3A_275 = tpu.memref_squeeze %dma_wait3A_274 : memref<1x128xi32, #tpu.memory_space<vmem>> -> memref<128xi32, #tpu.memory_space<vmem>>
        %dma_wait3A_276 = arith.constant 0 : i32
        %dma_wait3A_277 = arith.constant 0 : i32
        %dma_wait3A_278 = tpu.memref_slice %arg2[%dma_wait3A_276, %dma_wait3A_277] : memref<10240x16xf32, #tpu.memory_space<hbm>> -> memref<10240x16xf32, #tpu.memory_space<hbm>>
        tpu.wait_indirect_dma semaphore(%arg13 : memref<!tpu.dma_semaphore, #tpu.memory_space<semaphore_mem>>) src(%dma_wait3A_278 : memref<10240x16xf32, #tpu.memory_space<hbm>>) dst(%dma_wait3A_272 : memref<128x16xf32, #tpu.memory_space<vmem>>)
        %run_scoped3A_279 = arith.constant 2 : i32
        "tpu.region"() ({
          %run_scoped3A_392 = tpu.sem_alloc : memref<!tpu.dma_semaphore, #tpu.memory_space<semaphore_mem>>
          %dma_start3A_393 = arith.constant 0 : i32
          %dma_start3A_394 = arith.constant 0 : i32
          %dma_start3A_395 = tpu.memref_slice %arg9[%run_scoped3A_279, %dma_start3A_393, %dma_start3A_394] : memref<8x128x16xf32, #tpu.memory_space<vmem>> -> memref<1x128x16xf32, #tpu.memory_space<vmem>>
          %dma_start3A_396 = tpu.memref_squeeze %dma_start3A_395 : memref<1x128x16xf32, #tpu.memory_space<vmem>> -> memref<128x16xf32, #tpu.memory_space<vmem>>
          %dma_start3A_397 = arith.constant 0 : i32
          %dma_start3A_398 = tpu.memref_slice %arg8[%add3A_267, %dma_start3A_397] : memref<72x128xi32, #tpu.memory_space<vmem>> -> memref<1x128xi32, #tpu.memory_space<vmem>>
          %dma_start3A_399 = tpu.memref_squeeze %dma_start3A_398 : memref<1x128xi32, #tpu.memory_space<vmem>> -> memref<128xi32, #tpu.memory_space<vmem>>
          %dma_start3A_400 = arith.constant 0 : i32
          %dma_start3A_401 = arith.constant 0 : i32
          %dma_start3A_402 = tpu.memref_slice %arg10[%dma_start3A_400, %dma_start3A_401] : memref<10240x16xf32, #tpu.memory_space<vmem_shared>> -> memref<10240x16xf32, #tpu.memory_space<vmem_shared>>
          tpu.enqueue_indirect_dma source(%dma_start3A_396 : memref<128x16xf32, #tpu.memory_space<vmem>>) target(%dma_start3A_402 : memref<10240x16xf32, #tpu.memory_space<vmem_shared>>) offsets(%dma_start3A_399 : memref<128xi32, #tpu.memory_space<vmem>>) semaphore(%run_scoped3A_392 : memref<!tpu.dma_semaphore, #tpu.memory_space<semaphore_mem>>) {add = true}
          %dma_wait3A_403 = arith.constant 0 : i32
          %dma_wait3A_404 = arith.constant 0 : i32
          %dma_wait3A_405 = tpu.memref_slice %arg9[%run_scoped3A_279, %dma_wait3A_403, %dma_wait3A_404] : memref<8x128x16xf32, #tpu.memory_space<vmem>> -> memref<1x128x16xf32, #tpu.memory_space<vmem>>
          %dma_wait3A_406 = tpu.memref_squeeze %dma_wait3A_405 : memref<1x128x16xf32, #tpu.memory_space<vmem>> -> memref<128x16xf32, #tpu.memory_space<vmem>>
          %dma_wait3A_407 = arith.constant 0 : i32
          %dma_wait3A_408 = tpu.memref_slice %arg8[%add3A_267, %dma_wait3A_407] : memref<72x128xi32, #tpu.memory_space<vmem>> -> memref<1x128xi32, #tpu.memory_space<vmem>>
          %dma_wait3A_409 = tpu.memref_squeeze %dma_wait3A_408 : memref<1x128xi32, #tpu.memory_space<vmem>> -> memref<128xi32, #tpu.memory_space<vmem>>
          %dma_wait3A_410 = arith.constant 0 : i32
          %dma_wait3A_411 = arith.constant 0 : i32
          %dma_wait3A_412 = tpu.memref_slice %arg10[%dma_wait3A_410, %dma_wait3A_411] : memref<10240x16xf32, #tpu.memory_space<vmem_shared>> -> memref<10240x16xf32, #tpu.memory_space<vmem_shared>>
          tpu.wait_indirect_dma semaphore(%run_scoped3A_392 : memref<!tpu.dma_semaphore, #tpu.memory_space<semaphore_mem>>) src(%dma_wait3A_406 : memref<128x16xf32, #tpu.memory_space<vmem>>) dst(%dma_wait3A_412 : memref<10240x16xf32, #tpu.memory_space<vmem_shared>>)
          tpu.yield
        }) : () -> ()
        %add3A_280 = arith.constant 8 : i32
        %add3A_281 = arith.addi %add3A_267, %add3A_280 : i32
        %lt3A_282 = arith.constant 72 : i32
        %lt3A_283 = arith.cmpi slt, %add3A_281, %lt3A_282 : i32
        %convert_element_type3A_284 = arith.extui %lt3A_283 : i1 to i32
        %cond3A_285 = arith.constant 0 : i32
        %cond3A_286 = arith.cmpi ne, %convert_element_type3A_284, %cond3A_285 : i32
        scf.if %cond3A_286 {
          %add3A_392 = arith.constant 8 : i32
          %add3A_393 = arith.addi %add3A_267, %add3A_392 : i32
          %dma_start3A_394 = arith.constant 2 : i32
          %dma_start3A_395 = arith.constant 0 : i32
          %dma_start3A_396 = arith.constant 0 : i32
          %dma_start3A_397 = tpu.memref_slice %arg9[%dma_start3A_394, %dma_start3A_395, %dma_start3A_396] : memref<8x128x16xf32, #tpu.memory_space<vmem>> -> memref<1x128x16xf32, #tpu.memory_space<vmem>>
          %dma_start3A_398 = tpu.memref_squeeze %dma_start3A_397 : memref<1x128x16xf32, #tpu.memory_space<vmem>> -> memref<128x16xf32, #tpu.memory_space<vmem>>
          %dma_start3A_399 = arith.constant 0 : i32
          %dma_start3A_400 = tpu.memref_slice %arg7[%add3A_393, %dma_start3A_399] : memref<72x128xi32, #tpu.memory_space<vmem>> -> memref<1x128xi32, #tpu.memory_space<vmem>>
          %dma_start3A_401 = tpu.memref_squeeze %dma_start3A_400 : memref<1x128xi32, #tpu.memory_space<vmem>> -> memref<128xi32, #tpu.memory_space<vmem>>
          %dma_start3A_402 = arith.constant 0 : i32
          %dma_start3A_403 = arith.constant 0 : i32
          %dma_start3A_404 = tpu.memref_slice %arg2[%dma_start3A_402, %dma_start3A_403] : memref<10240x16xf32, #tpu.memory_space<hbm>> -> memref<10240x16xf32, #tpu.memory_space<hbm>>
          tpu.enqueue_indirect_dma source(%dma_start3A_404 : memref<10240x16xf32, #tpu.memory_space<hbm>>) target(%dma_start3A_398 : memref<128x16xf32, #tpu.memory_space<vmem>>) offsets(%dma_start3A_401 : memref<128xi32, #tpu.memory_space<vmem>>) semaphore(%arg13 : memref<!tpu.dma_semaphore, #tpu.memory_space<semaphore_mem>>)
        } else {
        }
        %add3A_287 = arith.constant 3 : i32
        %add3A_288 = arith.addi %mul3A_226, %add3A_287 : i32
        %dma_wait3A_289 = arith.constant 3 : i32
        %dma_wait3A_290 = arith.constant 0 : i32
        %dma_wait3A_291 = arith.constant 0 : i32
        %dma_wait3A_292 = tpu.memref_slice %arg9[%dma_wait3A_289, %dma_wait3A_290, %dma_wait3A_291] : memref<8x128x16xf32, #tpu.memory_space<vmem>> -> memref<1x128x16xf32, #tpu.memory_space<vmem>>
        %dma_wait3A_293 = tpu.memref_squeeze %dma_wait3A_292 : memref<1x128x16xf32, #tpu.memory_space<vmem>> -> memref<128x16xf32, #tpu.memory_space<vmem>>
        %dma_wait3A_294 = arith.constant 0 : i32
        %dma_wait3A_295 = tpu.memref_slice %arg7[%add3A_288, %dma_wait3A_294] : memref<72x128xi32, #tpu.memory_space<vmem>> -> memref<1x128xi32, #tpu.memory_space<vmem>>
        %dma_wait3A_296 = tpu.memref_squeeze %dma_wait3A_295 : memref<1x128xi32, #tpu.memory_space<vmem>> -> memref<128xi32, #tpu.memory_space<vmem>>
        %dma_wait3A_297 = arith.constant 0 : i32
        %dma_wait3A_298 = arith.constant 0 : i32
        %dma_wait3A_299 = tpu.memref_slice %arg2[%dma_wait3A_297, %dma_wait3A_298] : memref<10240x16xf32, #tpu.memory_space<hbm>> -> memref<10240x16xf32, #tpu.memory_space<hbm>>
        tpu.wait_indirect_dma semaphore(%arg14 : memref<!tpu.dma_semaphore, #tpu.memory_space<semaphore_mem>>) src(%dma_wait3A_299 : memref<10240x16xf32, #tpu.memory_space<hbm>>) dst(%dma_wait3A_293 : memref<128x16xf32, #tpu.memory_space<vmem>>)
        %run_scoped3A_300 = arith.constant 3 : i32
        "tpu.region"() ({
          %run_scoped3A_392 = tpu.sem_alloc : memref<!tpu.dma_semaphore, #tpu.memory_space<semaphore_mem>>
          %dma_start3A_393 = arith.constant 0 : i32
          %dma_start3A_394 = arith.constant 0 : i32
          %dma_start3A_395 = tpu.memref_slice %arg9[%run_scoped3A_300, %dma_start3A_393, %dma_start3A_394] : memref<8x128x16xf32, #tpu.memory_space<vmem>> -> memref<1x128x16xf32, #tpu.memory_space<vmem>>
          %dma_start3A_396 = tpu.memref_squeeze %dma_start3A_395 : memref<1x128x16xf32, #tpu.memory_space<vmem>> -> memref<128x16xf32, #tpu.memory_space<vmem>>
          %dma_start3A_397 = arith.constant 0 : i32
          %dma_start3A_398 = tpu.memref_slice %arg8[%add3A_288, %dma_start3A_397] : memref<72x128xi32, #tpu.memory_space<vmem>> -> memref<1x128xi32, #tpu.memory_space<vmem>>
          %dma_start3A_399 = tpu.memref_squeeze %dma_start3A_398 : memref<1x128xi32, #tpu.memory_space<vmem>> -> memref<128xi32, #tpu.memory_space<vmem>>
          %dma_start3A_400 = arith.constant 0 : i32
          %dma_start3A_401 = arith.constant 0 : i32
          %dma_start3A_402 = tpu.memref_slice %arg10[%dma_start3A_400, %dma_start3A_401] : memref<10240x16xf32, #tpu.memory_space<vmem_shared>> -> memref<10240x16xf32, #tpu.memory_space<vmem_shared>>
          tpu.enqueue_indirect_dma source(%dma_start3A_396 : memref<128x16xf32, #tpu.memory_space<vmem>>) target(%dma_start3A_402 : memref<10240x16xf32, #tpu.memory_space<vmem_shared>>) offsets(%dma_start3A_399 : memref<128xi32, #tpu.memory_space<vmem>>) semaphore(%run_scoped3A_392 : memref<!tpu.dma_semaphore, #tpu.memory_space<semaphore_mem>>) {add = true}
          %dma_wait3A_403 = arith.constant 0 : i32
          %dma_wait3A_404 = arith.constant 0 : i32
          %dma_wait3A_405 = tpu.memref_slice %arg9[%run_scoped3A_300, %dma_wait3A_403, %dma_wait3A_404] : memref<8x128x16xf32, #tpu.memory_space<vmem>> -> memref<1x128x16xf32, #tpu.memory_space<vmem>>
          %dma_wait3A_406 = tpu.memref_squeeze %dma_wait3A_405 : memref<1x128x16xf32, #tpu.memory_space<vmem>> -> memref<128x16xf32, #tpu.memory_space<vmem>>
          %dma_wait3A_407 = arith.constant 0 : i32
          %dma_wait3A_408 = tpu.memref_slice %arg8[%add3A_288, %dma_wait3A_407] : memref<72x128xi32, #tpu.memory_space<vmem>> -> memref<1x128xi32, #tpu.memory_space<vmem>>
          %dma_wait3A_409 = tpu.memref_squeeze %dma_wait3A_408 : memref<1x128xi32, #tpu.memory_space<vmem>> -> memref<128xi32, #tpu.memory_space<vmem>>
          %dma_wait3A_410 = arith.constant 0 : i32
          %dma_wait3A_411 = arith.constant 0 : i32
          %dma_wait3A_412 = tpu.memref_slice %arg10[%dma_wait3A_410, %dma_wait3A_411] : memref<10240x16xf32, #tpu.memory_space<vmem_shared>> -> memref<10240x16xf32, #tpu.memory_space<vmem_shared>>
          tpu.wait_indirect_dma semaphore(%run_scoped3A_392 : memref<!tpu.dma_semaphore, #tpu.memory_space<semaphore_mem>>) src(%dma_wait3A_406 : memref<128x16xf32, #tpu.memory_space<vmem>>) dst(%dma_wait3A_412 : memref<10240x16xf32, #tpu.memory_space<vmem_shared>>)
          tpu.yield
        }) : () -> ()
        %add3A_301 = arith.constant 8 : i32
        %add3A_302 = arith.addi %add3A_288, %add3A_301 : i32
        %lt3A_303 = arith.constant 72 : i32
        %lt3A_304 = arith.cmpi slt, %add3A_302, %lt3A_303 : i32
        %convert_element_type3A_305 = arith.extui %lt3A_304 : i1 to i32
        %cond3A_306 = arith.constant 0 : i32
        %cond3A_307 = arith.cmpi ne, %convert_element_type3A_305, %cond3A_306 : i32
        scf.if %cond3A_307 {
          %add3A_392 = arith.constant 8 : i32
          %add3A_393 = arith.addi %add3A_288, %add3A_392 : i32
          %dma_start3A_394 = arith.constant 3 : i32
          %dma_start3A_395 = arith.constant 0 : i32
          %dma_start3A_396 = arith.constant 0 : i32
          %dma_start3A_397 = tpu.memref_slice %arg9[%dma_start3A_394, %dma_start3A_395, %dma_start3A_396] : memref<8x128x16xf32, #tpu.memory_space<vmem>> -> memref<1x128x16xf32, #tpu.memory_space<vmem>>
          %dma_start3A_398 = tpu.memref_squeeze %dma_start3A_397 : memref<1x128x16xf32, #tpu.memory_space<vmem>> -> memref<128x16xf32, #tpu.memory_space<vmem>>
          %dma_start3A_399 = arith.constant 0 : i32
          %dma_start3A_400 = tpu.memref_slice %arg7[%add3A_393, %dma_start3A_399] : memref<72x128xi32, #tpu.memory_space<vmem>> -> memref<1x128xi32, #tpu.memory_space<vmem>>
          %dma_start3A_401 = tpu.memref_squeeze %dma_start3A_400 : memref<1x128xi32, #tpu.memory_space<vmem>> -> memref<128xi32, #tpu.memory_space<vmem>>
          %dma_start3A_402 = arith.constant 0 : i32
          %dma_start3A_403 = arith.constant 0 : i32
          %dma_start3A_404 = tpu.memref_slice %arg2[%dma_start3A_402, %dma_start3A_403] : memref<10240x16xf32, #tpu.memory_space<hbm>> -> memref<10240x16xf32, #tpu.memory_space<hbm>>
          tpu.enqueue_indirect_dma source(%dma_start3A_404 : memref<10240x16xf32, #tpu.memory_space<hbm>>) target(%dma_start3A_398 : memref<128x16xf32, #tpu.memory_space<vmem>>) offsets(%dma_start3A_401 : memref<128xi32, #tpu.memory_space<vmem>>) semaphore(%arg14 : memref<!tpu.dma_semaphore, #tpu.memory_space<semaphore_mem>>)
        } else {
        }
        %add3A_308 = arith.constant 4 : i32
        %add3A_309 = arith.addi %mul3A_226, %add3A_308 : i32
        %dma_wait3A_310 = arith.constant 4 : i32
        %dma_wait3A_311 = arith.constant 0 : i32
        %dma_wait3A_312 = arith.constant 0 : i32
        %dma_wait3A_313 = tpu.memref_slice %arg9[%dma_wait3A_310, %dma_wait3A_311, %dma_wait3A_312] : memref<8x128x16xf32, #tpu.memory_space<vmem>> -> memref<1x128x16xf32, #tpu.memory_space<vmem>>
        %dma_wait3A_314 = tpu.memref_squeeze %dma_wait3A_313 : memref<1x128x16xf32, #tpu.memory_space<vmem>> -> memref<128x16xf32, #tpu.memory_space<vmem>>
        %dma_wait3A_315 = arith.constant 0 : i32
        %dma_wait3A_316 = tpu.memref_slice %arg7[%add3A_309, %dma_wait3A_315] : memref<72x128xi32, #tpu.memory_space<vmem>> -> memref<1x128xi32, #tpu.memory_space<vmem>>
        %dma_wait3A_317 = tpu.memref_squeeze %dma_wait3A_316 : memref<1x128xi32, #tpu.memory_space<vmem>> -> memref<128xi32, #tpu.memory_space<vmem>>
        %dma_wait3A_318 = arith.constant 0 : i32
        %dma_wait3A_319 = arith.constant 0 : i32
        %dma_wait3A_320 = tpu.memref_slice %arg2[%dma_wait3A_318, %dma_wait3A_319] : memref<10240x16xf32, #tpu.memory_space<hbm>> -> memref<10240x16xf32, #tpu.memory_space<hbm>>
        tpu.wait_indirect_dma semaphore(%arg15 : memref<!tpu.dma_semaphore, #tpu.memory_space<semaphore_mem>>) src(%dma_wait3A_320 : memref<10240x16xf32, #tpu.memory_space<hbm>>) dst(%dma_wait3A_314 : memref<128x16xf32, #tpu.memory_space<vmem>>)
        %run_scoped3A_321 = arith.constant 4 : i32
        "tpu.region"() ({
          %run_scoped3A_392 = tpu.sem_alloc : memref<!tpu.dma_semaphore, #tpu.memory_space<semaphore_mem>>
          %dma_start3A_393 = arith.constant 0 : i32
          %dma_start3A_394 = arith.constant 0 : i32
          %dma_start3A_395 = tpu.memref_slice %arg9[%run_scoped3A_321, %dma_start3A_393, %dma_start3A_394] : memref<8x128x16xf32, #tpu.memory_space<vmem>> -> memref<1x128x16xf32, #tpu.memory_space<vmem>>
          %dma_start3A_396 = tpu.memref_squeeze %dma_start3A_395 : memref<1x128x16xf32, #tpu.memory_space<vmem>> -> memref<128x16xf32, #tpu.memory_space<vmem>>
          %dma_start3A_397 = arith.constant 0 : i32
          %dma_start3A_398 = tpu.memref_slice %arg8[%add3A_309, %dma_start3A_397] : memref<72x128xi32, #tpu.memory_space<vmem>> -> memref<1x128xi32, #tpu.memory_space<vmem>>
          %dma_start3A_399 = tpu.memref_squeeze %dma_start3A_398 : memref<1x128xi32, #tpu.memory_space<vmem>> -> memref<128xi32, #tpu.memory_space<vmem>>
          %dma_start3A_400 = arith.constant 0 : i32
          %dma_start3A_401 = arith.constant 0 : i32
          %dma_start3A_402 = tpu.memref_slice %arg10[%dma_start3A_400, %dma_start3A_401] : memref<10240x16xf32, #tpu.memory_space<vmem_shared>> -> memref<10240x16xf32, #tpu.memory_space<vmem_shared>>
          tpu.enqueue_indirect_dma source(%dma_start3A_396 : memref<128x16xf32, #tpu.memory_space<vmem>>) target(%dma_start3A_402 : memref<10240x16xf32, #tpu.memory_space<vmem_shared>>) offsets(%dma_start3A_399 : memref<128xi32, #tpu.memory_space<vmem>>) semaphore(%run_scoped3A_392 : memref<!tpu.dma_semaphore, #tpu.memory_space<semaphore_mem>>) {add = true}
          %dma_wait3A_403 = arith.constant 0 : i32
          %dma_wait3A_404 = arith.constant 0 : i32
          %dma_wait3A_405 = tpu.memref_slice %arg9[%run_scoped3A_321, %dma_wait3A_403, %dma_wait3A_404] : memref<8x128x16xf32, #tpu.memory_space<vmem>> -> memref<1x128x16xf32, #tpu.memory_space<vmem>>
          %dma_wait3A_406 = tpu.memref_squeeze %dma_wait3A_405 : memref<1x128x16xf32, #tpu.memory_space<vmem>> -> memref<128x16xf32, #tpu.memory_space<vmem>>
          %dma_wait3A_407 = arith.constant 0 : i32
          %dma_wait3A_408 = tpu.memref_slice %arg8[%add3A_309, %dma_wait3A_407] : memref<72x128xi32, #tpu.memory_space<vmem>> -> memref<1x128xi32, #tpu.memory_space<vmem>>
          %dma_wait3A_409 = tpu.memref_squeeze %dma_wait3A_408 : memref<1x128xi32, #tpu.memory_space<vmem>> -> memref<128xi32, #tpu.memory_space<vmem>>
          %dma_wait3A_410 = arith.constant 0 : i32
          %dma_wait3A_411 = arith.constant 0 : i32
          %dma_wait3A_412 = tpu.memref_slice %arg10[%dma_wait3A_410, %dma_wait3A_411] : memref<10240x16xf32, #tpu.memory_space<vmem_shared>> -> memref<10240x16xf32, #tpu.memory_space<vmem_shared>>
          tpu.wait_indirect_dma semaphore(%run_scoped3A_392 : memref<!tpu.dma_semaphore, #tpu.memory_space<semaphore_mem>>) src(%dma_wait3A_406 : memref<128x16xf32, #tpu.memory_space<vmem>>) dst(%dma_wait3A_412 : memref<10240x16xf32, #tpu.memory_space<vmem_shared>>)
          tpu.yield
        }) : () -> ()
        %add3A_322 = arith.constant 8 : i32
        %add3A_323 = arith.addi %add3A_309, %add3A_322 : i32
        %lt3A_324 = arith.constant 72 : i32
        %lt3A_325 = arith.cmpi slt, %add3A_323, %lt3A_324 : i32
        %convert_element_type3A_326 = arith.extui %lt3A_325 : i1 to i32
        %cond3A_327 = arith.constant 0 : i32
        %cond3A_328 = arith.cmpi ne, %convert_element_type3A_326, %cond3A_327 : i32
        scf.if %cond3A_328 {
          %add3A_392 = arith.constant 8 : i32
          %add3A_393 = arith.addi %add3A_309, %add3A_392 : i32
          %dma_start3A_394 = arith.constant 4 : i32
          %dma_start3A_395 = arith.constant 0 : i32
          %dma_start3A_396 = arith.constant 0 : i32
          %dma_start3A_397 = tpu.memref_slice %arg9[%dma_start3A_394, %dma_start3A_395, %dma_start3A_396] : memref<8x128x16xf32, #tpu.memory_space<vmem>> -> memref<1x128x16xf32, #tpu.memory_space<vmem>>
          %dma_start3A_398 = tpu.memref_squeeze %dma_start3A_397 : memref<1x128x16xf32, #tpu.memory_space<vmem>> -> memref<128x16xf32, #tpu.memory_space<vmem>>
          %dma_start3A_399 = arith.constant 0 : i32
          %dma_start3A_400 = tpu.memref_slice %arg7[%add3A_393, %dma_start3A_399] : memref<72x128xi32, #tpu.memory_space<vmem>> -> memref<1x128xi32, #tpu.memory_space<vmem>>
          %dma_start3A_401 = tpu.memref_squeeze %dma_start3A_400 : memref<1x128xi32, #tpu.memory_space<vmem>> -> memref<128xi32, #tpu.memory_space<vmem>>
          %dma_start3A_402 = arith.constant 0 : i32
          %dma_start3A_403 = arith.constant 0 : i32
          %dma_start3A_404 = tpu.memref_slice %arg2[%dma_start3A_402, %dma_start3A_403] : memref<10240x16xf32, #tpu.memory_space<hbm>> -> memref<10240x16xf32, #tpu.memory_space<hbm>>
          tpu.enqueue_indirect_dma source(%dma_start3A_404 : memref<10240x16xf32, #tpu.memory_space<hbm>>) target(%dma_start3A_398 : memref<128x16xf32, #tpu.memory_space<vmem>>) offsets(%dma_start3A_401 : memref<128xi32, #tpu.memory_space<vmem>>) semaphore(%arg15 : memref<!tpu.dma_semaphore, #tpu.memory_space<semaphore_mem>>)
        } else {
        }
        %add3A_329 = arith.constant 5 : i32
        %add3A_330 = arith.addi %mul3A_226, %add3A_329 : i32
        %dma_wait3A_331 = arith.constant 5 : i32
        %dma_wait3A_332 = arith.constant 0 : i32
        %dma_wait3A_333 = arith.constant 0 : i32
        %dma_wait3A_334 = tpu.memref_slice %arg9[%dma_wait3A_331, %dma_wait3A_332, %dma_wait3A_333] : memref<8x128x16xf32, #tpu.memory_space<vmem>> -> memref<1x128x16xf32, #tpu.memory_space<vmem>>
        %dma_wait3A_335 = tpu.memref_squeeze %dma_wait3A_334 : memref<1x128x16xf32, #tpu.memory_space<vmem>> -> memref<128x16xf32, #tpu.memory_space<vmem>>
        %dma_wait3A_336 = arith.constant 0 : i32
        %dma_wait3A_337 = tpu.memref_slice %arg7[%add3A_330, %dma_wait3A_336] : memref<72x128xi32, #tpu.memory_space<vmem>> -> memref<1x128xi32, #tpu.memory_space<vmem>>
        %dma_wait3A_338 = tpu.memref_squeeze %dma_wait3A_337 : memref<1x128xi32, #tpu.memory_space<vmem>> -> memref<128xi32, #tpu.memory_space<vmem>>
        %dma_wait3A_339 = arith.constant 0 : i32
        %dma_wait3A_340 = arith.constant 0 : i32
        %dma_wait3A_341 = tpu.memref_slice %arg2[%dma_wait3A_339, %dma_wait3A_340] : memref<10240x16xf32, #tpu.memory_space<hbm>> -> memref<10240x16xf32, #tpu.memory_space<hbm>>
        tpu.wait_indirect_dma semaphore(%arg16 : memref<!tpu.dma_semaphore, #tpu.memory_space<semaphore_mem>>) src(%dma_wait3A_341 : memref<10240x16xf32, #tpu.memory_space<hbm>>) dst(%dma_wait3A_335 : memref<128x16xf32, #tpu.memory_space<vmem>>)
        %run_scoped3A_342 = arith.constant 5 : i32
        "tpu.region"() ({
          %run_scoped3A_392 = tpu.sem_alloc : memref<!tpu.dma_semaphore, #tpu.memory_space<semaphore_mem>>
          %dma_start3A_393 = arith.constant 0 : i32
          %dma_start3A_394 = arith.constant 0 : i32
          %dma_start3A_395 = tpu.memref_slice %arg9[%run_scoped3A_342, %dma_start3A_393, %dma_start3A_394] : memref<8x128x16xf32, #tpu.memory_space<vmem>> -> memref<1x128x16xf32, #tpu.memory_space<vmem>>
          %dma_start3A_396 = tpu.memref_squeeze %dma_start3A_395 : memref<1x128x16xf32, #tpu.memory_space<vmem>> -> memref<128x16xf32, #tpu.memory_space<vmem>>
          %dma_start3A_397 = arith.constant 0 : i32
          %dma_start3A_398 = tpu.memref_slice %arg8[%add3A_330, %dma_start3A_397] : memref<72x128xi32, #tpu.memory_space<vmem>> -> memref<1x128xi32, #tpu.memory_space<vmem>>
          %dma_start3A_399 = tpu.memref_squeeze %dma_start3A_398 : memref<1x128xi32, #tpu.memory_space<vmem>> -> memref<128xi32, #tpu.memory_space<vmem>>
          %dma_start3A_400 = arith.constant 0 : i32
          %dma_start3A_401 = arith.constant 0 : i32
          %dma_start3A_402 = tpu.memref_slice %arg10[%dma_start3A_400, %dma_start3A_401] : memref<10240x16xf32, #tpu.memory_space<vmem_shared>> -> memref<10240x16xf32, #tpu.memory_space<vmem_shared>>
          tpu.enqueue_indirect_dma source(%dma_start3A_396 : memref<128x16xf32, #tpu.memory_space<vmem>>) target(%dma_start3A_402 : memref<10240x16xf32, #tpu.memory_space<vmem_shared>>) offsets(%dma_start3A_399 : memref<128xi32, #tpu.memory_space<vmem>>) semaphore(%run_scoped3A_392 : memref<!tpu.dma_semaphore, #tpu.memory_space<semaphore_mem>>) {add = true}
          %dma_wait3A_403 = arith.constant 0 : i32
          %dma_wait3A_404 = arith.constant 0 : i32
          %dma_wait3A_405 = tpu.memref_slice %arg9[%run_scoped3A_342, %dma_wait3A_403, %dma_wait3A_404] : memref<8x128x16xf32, #tpu.memory_space<vmem>> -> memref<1x128x16xf32, #tpu.memory_space<vmem>>
          %dma_wait3A_406 = tpu.memref_squeeze %dma_wait3A_405 : memref<1x128x16xf32, #tpu.memory_space<vmem>> -> memref<128x16xf32, #tpu.memory_space<vmem>>
          %dma_wait3A_407 = arith.constant 0 : i32
          %dma_wait3A_408 = tpu.memref_slice %arg8[%add3A_330, %dma_wait3A_407] : memref<72x128xi32, #tpu.memory_space<vmem>> -> memref<1x128xi32, #tpu.memory_space<vmem>>
          %dma_wait3A_409 = tpu.memref_squeeze %dma_wait3A_408 : memref<1x128xi32, #tpu.memory_space<vmem>> -> memref<128xi32, #tpu.memory_space<vmem>>
          %dma_wait3A_410 = arith.constant 0 : i32
          %dma_wait3A_411 = arith.constant 0 : i32
          %dma_wait3A_412 = tpu.memref_slice %arg10[%dma_wait3A_410, %dma_wait3A_411] : memref<10240x16xf32, #tpu.memory_space<vmem_shared>> -> memref<10240x16xf32, #tpu.memory_space<vmem_shared>>
          tpu.wait_indirect_dma semaphore(%run_scoped3A_392 : memref<!tpu.dma_semaphore, #tpu.memory_space<semaphore_mem>>) src(%dma_wait3A_406 : memref<128x16xf32, #tpu.memory_space<vmem>>) dst(%dma_wait3A_412 : memref<10240x16xf32, #tpu.memory_space<vmem_shared>>)
          tpu.yield
        }) : () -> ()
        %add3A_343 = arith.constant 8 : i32
        %add3A_344 = arith.addi %add3A_330, %add3A_343 : i32
        %lt3A_345 = arith.constant 72 : i32
        %lt3A_346 = arith.cmpi slt, %add3A_344, %lt3A_345 : i32
        %convert_element_type3A_347 = arith.extui %lt3A_346 : i1 to i32
        %cond3A_348 = arith.constant 0 : i32
        %cond3A_349 = arith.cmpi ne, %convert_element_type3A_347, %cond3A_348 : i32
        scf.if %cond3A_349 {
          %add3A_392 = arith.constant 8 : i32
          %add3A_393 = arith.addi %add3A_330, %add3A_392 : i32
          %dma_start3A_394 = arith.constant 5 : i32
          %dma_start3A_395 = arith.constant 0 : i32
          %dma_start3A_396 = arith.constant 0 : i32
          %dma_start3A_397 = tpu.memref_slice %arg9[%dma_start3A_394, %dma_start3A_395, %dma_start3A_396] : memref<8x128x16xf32, #tpu.memory_space<vmem>> -> memref<1x128x16xf32, #tpu.memory_space<vmem>>
          %dma_start3A_398 = tpu.memref_squeeze %dma_start3A_397 : memref<1x128x16xf32, #tpu.memory_space<vmem>> -> memref<128x16xf32, #tpu.memory_space<vmem>>
          %dma_start3A_399 = arith.constant 0 : i32
          %dma_start3A_400 = tpu.memref_slice %arg7[%add3A_393, %dma_start3A_399] : memref<72x128xi32, #tpu.memory_space<vmem>> -> memref<1x128xi32, #tpu.memory_space<vmem>>
          %dma_start3A_401 = tpu.memref_squeeze %dma_start3A_400 : memref<1x128xi32, #tpu.memory_space<vmem>> -> memref<128xi32, #tpu.memory_space<vmem>>
          %dma_start3A_402 = arith.constant 0 : i32
          %dma_start3A_403 = arith.constant 0 : i32
          %dma_start3A_404 = tpu.memref_slice %arg2[%dma_start3A_402, %dma_start3A_403] : memref<10240x16xf32, #tpu.memory_space<hbm>> -> memref<10240x16xf32, #tpu.memory_space<hbm>>
          tpu.enqueue_indirect_dma source(%dma_start3A_404 : memref<10240x16xf32, #tpu.memory_space<hbm>>) target(%dma_start3A_398 : memref<128x16xf32, #tpu.memory_space<vmem>>) offsets(%dma_start3A_401 : memref<128xi32, #tpu.memory_space<vmem>>) semaphore(%arg16 : memref<!tpu.dma_semaphore, #tpu.memory_space<semaphore_mem>>)
        } else {
        }
        %add3A_350 = arith.constant 6 : i32
        %add3A_351 = arith.addi %mul3A_226, %add3A_350 : i32
        %dma_wait3A_352 = arith.constant 6 : i32
        %dma_wait3A_353 = arith.constant 0 : i32
        %dma_wait3A_354 = arith.constant 0 : i32
        %dma_wait3A_355 = tpu.memref_slice %arg9[%dma_wait3A_352, %dma_wait3A_353, %dma_wait3A_354] : memref<8x128x16xf32, #tpu.memory_space<vmem>> -> memref<1x128x16xf32, #tpu.memory_space<vmem>>
        %dma_wait3A_356 = tpu.memref_squeeze %dma_wait3A_355 : memref<1x128x16xf32, #tpu.memory_space<vmem>> -> memref<128x16xf32, #tpu.memory_space<vmem>>
        %dma_wait3A_357 = arith.constant 0 : i32
        %dma_wait3A_358 = tpu.memref_slice %arg7[%add3A_351, %dma_wait3A_357] : memref<72x128xi32, #tpu.memory_space<vmem>> -> memref<1x128xi32, #tpu.memory_space<vmem>>
        %dma_wait3A_359 = tpu.memref_squeeze %dma_wait3A_358 : memref<1x128xi32, #tpu.memory_space<vmem>> -> memref<128xi32, #tpu.memory_space<vmem>>
        %dma_wait3A_360 = arith.constant 0 : i32
        %dma_wait3A_361 = arith.constant 0 : i32
        %dma_wait3A_362 = tpu.memref_slice %arg2[%dma_wait3A_360, %dma_wait3A_361] : memref<10240x16xf32, #tpu.memory_space<hbm>> -> memref<10240x16xf32, #tpu.memory_space<hbm>>
        tpu.wait_indirect_dma semaphore(%arg17 : memref<!tpu.dma_semaphore, #tpu.memory_space<semaphore_mem>>) src(%dma_wait3A_362 : memref<10240x16xf32, #tpu.memory_space<hbm>>) dst(%dma_wait3A_356 : memref<128x16xf32, #tpu.memory_space<vmem>>)
        %run_scoped3A_363 = arith.constant 6 : i32
        "tpu.region"() ({
          %run_scoped3A_392 = tpu.sem_alloc : memref<!tpu.dma_semaphore, #tpu.memory_space<semaphore_mem>>
          %dma_start3A_393 = arith.constant 0 : i32
          %dma_start3A_394 = arith.constant 0 : i32
          %dma_start3A_395 = tpu.memref_slice %arg9[%run_scoped3A_363, %dma_start3A_393, %dma_start3A_394] : memref<8x128x16xf32, #tpu.memory_space<vmem>> -> memref<1x128x16xf32, #tpu.memory_space<vmem>>
          %dma_start3A_396 = tpu.memref_squeeze %dma_start3A_395 : memref<1x128x16xf32, #tpu.memory_space<vmem>> -> memref<128x16xf32, #tpu.memory_space<vmem>>
          %dma_start3A_397 = arith.constant 0 : i32
          %dma_start3A_398 = tpu.memref_slice %arg8[%add3A_351, %dma_start3A_397] : memref<72x128xi32, #tpu.memory_space<vmem>> -> memref<1x128xi32, #tpu.memory_space<vmem>>
          %dma_start3A_399 = tpu.memref_squeeze %dma_start3A_398 : memref<1x128xi32, #tpu.memory_space<vmem>> -> memref<128xi32, #tpu.memory_space<vmem>>
          %dma_start3A_400 = arith.constant 0 : i32
          %dma_start3A_401 = arith.constant 0 : i32
          %dma_start3A_402 = tpu.memref_slice %arg10[%dma_start3A_400, %dma_start3A_401] : memref<10240x16xf32, #tpu.memory_space<vmem_shared>> -> memref<10240x16xf32, #tpu.memory_space<vmem_shared>>
          tpu.enqueue_indirect_dma source(%dma_start3A_396 : memref<128x16xf32, #tpu.memory_space<vmem>>) target(%dma_start3A_402 : memref<10240x16xf32, #tpu.memory_space<vmem_shared>>) offsets(%dma_start3A_399 : memref<128xi32, #tpu.memory_space<vmem>>) semaphore(%run_scoped3A_392 : memref<!tpu.dma_semaphore, #tpu.memory_space<semaphore_mem>>) {add = true}
          %dma_wait3A_403 = arith.constant 0 : i32
          %dma_wait3A_404 = arith.constant 0 : i32
          %dma_wait3A_405 = tpu.memref_slice %arg9[%run_scoped3A_363, %dma_wait3A_403, %dma_wait3A_404] : memref<8x128x16xf32, #tpu.memory_space<vmem>> -> memref<1x128x16xf32, #tpu.memory_space<vmem>>
          %dma_wait3A_406 = tpu.memref_squeeze %dma_wait3A_405 : memref<1x128x16xf32, #tpu.memory_space<vmem>> -> memref<128x16xf32, #tpu.memory_space<vmem>>
          %dma_wait3A_407 = arith.constant 0 : i32
          %dma_wait3A_408 = tpu.memref_slice %arg8[%add3A_351, %dma_wait3A_407] : memref<72x128xi32, #tpu.memory_space<vmem>> -> memref<1x128xi32, #tpu.memory_space<vmem>>
          %dma_wait3A_409 = tpu.memref_squeeze %dma_wait3A_408 : memref<1x128xi32, #tpu.memory_space<vmem>> -> memref<128xi32, #tpu.memory_space<vmem>>
          %dma_wait3A_410 = arith.constant 0 : i32
          %dma_wait3A_411 = arith.constant 0 : i32
          %dma_wait3A_412 = tpu.memref_slice %arg10[%dma_wait3A_410, %dma_wait3A_411] : memref<10240x16xf32, #tpu.memory_space<vmem_shared>> -> memref<10240x16xf32, #tpu.memory_space<vmem_shared>>
          tpu.wait_indirect_dma semaphore(%run_scoped3A_392 : memref<!tpu.dma_semaphore, #tpu.memory_space<semaphore_mem>>) src(%dma_wait3A_406 : memref<128x16xf32, #tpu.memory_space<vmem>>) dst(%dma_wait3A_412 : memref<10240x16xf32, #tpu.memory_space<vmem_shared>>)
          tpu.yield
        }) : () -> ()
        %add3A_364 = arith.constant 8 : i32
        %add3A_365 = arith.addi %add3A_351, %add3A_364 : i32
        %lt3A_366 = arith.constant 72 : i32
        %lt3A_367 = arith.cmpi slt, %add3A_365, %lt3A_366 : i32
        %convert_element_type3A_368 = arith.extui %lt3A_367 : i1 to i32
        %cond3A_369 = arith.constant 0 : i32
        %cond3A_370 = arith.cmpi ne, %convert_element_type3A_368, %cond3A_369 : i32
        scf.if %cond3A_370 {
          %add3A_392 = arith.constant 8 : i32
          %add3A_393 = arith.addi %add3A_351, %add3A_392 : i32
          %dma_start3A_394 = arith.constant 6 : i32
          %dma_start3A_395 = arith.constant 0 : i32
          %dma_start3A_396 = arith.constant 0 : i32
          %dma_start3A_397 = tpu.memref_slice %arg9[%dma_start3A_394, %dma_start3A_395, %dma_start3A_396] : memref<8x128x16xf32, #tpu.memory_space<vmem>> -> memref<1x128x16xf32, #tpu.memory_space<vmem>>
          %dma_start3A_398 = tpu.memref_squeeze %dma_start3A_397 : memref<1x128x16xf32, #tpu.memory_space<vmem>> -> memref<128x16xf32, #tpu.memory_space<vmem>>
          %dma_start3A_399 = arith.constant 0 : i32
          %dma_start3A_400 = tpu.memref_slice %arg7[%add3A_393, %dma_start3A_399] : memref<72x128xi32, #tpu.memory_space<vmem>> -> memref<1x128xi32, #tpu.memory_space<vmem>>
          %dma_start3A_401 = tpu.memref_squeeze %dma_start3A_400 : memref<1x128xi32, #tpu.memory_space<vmem>> -> memref<128xi32, #tpu.memory_space<vmem>>
          %dma_start3A_402 = arith.constant 0 : i32
          %dma_start3A_403 = arith.constant 0 : i32
          %dma_start3A_404 = tpu.memref_slice %arg2[%dma_start3A_402, %dma_start3A_403] : memref<10240x16xf32, #tpu.memory_space<hbm>> -> memref<10240x16xf32, #tpu.memory_space<hbm>>
          tpu.enqueue_indirect_dma source(%dma_start3A_404 : memref<10240x16xf32, #tpu.memory_space<hbm>>) target(%dma_start3A_398 : memref<128x16xf32, #tpu.memory_space<vmem>>) offsets(%dma_start3A_401 : memref<128xi32, #tpu.memory_space<vmem>>) semaphore(%arg17 : memref<!tpu.dma_semaphore, #tpu.memory_space<semaphore_mem>>)
        } else {
        }
        %add3A_371 = arith.constant 7 : i32
        %add3A_372 = arith.addi %mul3A_226, %add3A_371 : i32
        %dma_wait3A_373 = arith.constant 7 : i32
        %dma_wait3A_374 = arith.constant 0 : i32
        %dma_wait3A_375 = arith.constant 0 : i32
        %dma_wait3A_376 = tpu.memref_slice %arg9[%dma_wait3A_373, %dma_wait3A_374, %dma_wait3A_375] : memref<8x128x16xf32, #tpu.memory_space<vmem>> -> memref<1x128x16xf32, #tpu.memory_space<vmem>>
        %dma_wait3A_377 = tpu.memref_squeeze %dma_wait3A_376 : memref<1x128x16xf32, #tpu.memory_space<vmem>> -> memref<128x16xf32, #tpu.memory_space<vmem>>
        %dma_wait3A_378 = arith.constant 0 : i32
        %dma_wait3A_379 = tpu.memref_slice %arg7[%add3A_372, %dma_wait3A_378] : memref<72x128xi32, #tpu.memory_space<vmem>> -> memref<1x128xi32, #tpu.memory_space<vmem>>
        %dma_wait3A_380 = tpu.memref_squeeze %dma_wait3A_379 : memref<1x128xi32, #tpu.memory_space<vmem>> -> memref<128xi32, #tpu.memory_space<vmem>>
        %dma_wait3A_381 = arith.constant 0 : i32
        %dma_wait3A_382 = arith.constant 0 : i32
        %dma_wait3A_383 = tpu.memref_slice %arg2[%dma_wait3A_381, %dma_wait3A_382] : memref<10240x16xf32, #tpu.memory_space<hbm>> -> memref<10240x16xf32, #tpu.memory_space<hbm>>
        tpu.wait_indirect_dma semaphore(%arg18 : memref<!tpu.dma_semaphore, #tpu.memory_space<semaphore_mem>>) src(%dma_wait3A_383 : memref<10240x16xf32, #tpu.memory_space<hbm>>) dst(%dma_wait3A_377 : memref<128x16xf32, #tpu.memory_space<vmem>>)
        %run_scoped3A_384 = arith.constant 7 : i32
        "tpu.region"() ({
          %run_scoped3A_392 = tpu.sem_alloc : memref<!tpu.dma_semaphore, #tpu.memory_space<semaphore_mem>>
          %dma_start3A_393 = arith.constant 0 : i32
          %dma_start3A_394 = arith.constant 0 : i32
          %dma_start3A_395 = tpu.memref_slice %arg9[%run_scoped3A_384, %dma_start3A_393, %dma_start3A_394] : memref<8x128x16xf32, #tpu.memory_space<vmem>> -> memref<1x128x16xf32, #tpu.memory_space<vmem>>
          %dma_start3A_396 = tpu.memref_squeeze %dma_start3A_395 : memref<1x128x16xf32, #tpu.memory_space<vmem>> -> memref<128x16xf32, #tpu.memory_space<vmem>>
          %dma_start3A_397 = arith.constant 0 : i32
          %dma_start3A_398 = tpu.memref_slice %arg8[%add3A_372, %dma_start3A_397] : memref<72x128xi32, #tpu.memory_space<vmem>> -> memref<1x128xi32, #tpu.memory_space<vmem>>
          %dma_start3A_399 = tpu.memref_squeeze %dma_start3A_398 : memref<1x128xi32, #tpu.memory_space<vmem>> -> memref<128xi32, #tpu.memory_space<vmem>>
          %dma_start3A_400 = arith.constant 0 : i32
          %dma_start3A_401 = arith.constant 0 : i32
          %dma_start3A_402 = tpu.memref_slice %arg10[%dma_start3A_400, %dma_start3A_401] : memref<10240x16xf32, #tpu.memory_space<vmem_shared>> -> memref<10240x16xf32, #tpu.memory_space<vmem_shared>>
          tpu.enqueue_indirect_dma source(%dma_start3A_396 : memref<128x16xf32, #tpu.memory_space<vmem>>) target(%dma_start3A_402 : memref<10240x16xf32, #tpu.memory_space<vmem_shared>>) offsets(%dma_start3A_399 : memref<128xi32, #tpu.memory_space<vmem>>) semaphore(%run_scoped3A_392 : memref<!tpu.dma_semaphore, #tpu.memory_space<semaphore_mem>>) {add = true}
          %dma_wait3A_403 = arith.constant 0 : i32
          %dma_wait3A_404 = arith.constant 0 : i32
          %dma_wait3A_405 = tpu.memref_slice %arg9[%run_scoped3A_384, %dma_wait3A_403, %dma_wait3A_404] : memref<8x128x16xf32, #tpu.memory_space<vmem>> -> memref<1x128x16xf32, #tpu.memory_space<vmem>>
          %dma_wait3A_406 = tpu.memref_squeeze %dma_wait3A_405 : memref<1x128x16xf32, #tpu.memory_space<vmem>> -> memref<128x16xf32, #tpu.memory_space<vmem>>
          %dma_wait3A_407 = arith.constant 0 : i32
          %dma_wait3A_408 = tpu.memref_slice %arg8[%add3A_372, %dma_wait3A_407] : memref<72x128xi32, #tpu.memory_space<vmem>> -> memref<1x128xi32, #tpu.memory_space<vmem>>
          %dma_wait3A_409 = tpu.memref_squeeze %dma_wait3A_408 : memref<1x128xi32, #tpu.memory_space<vmem>> -> memref<128xi32, #tpu.memory_space<vmem>>
          %dma_wait3A_410 = arith.constant 0 : i32
          %dma_wait3A_411 = arith.constant 0 : i32
          %dma_wait3A_412 = tpu.memref_slice %arg10[%dma_wait3A_410, %dma_wait3A_411] : memref<10240x16xf32, #tpu.memory_space<vmem_shared>> -> memref<10240x16xf32, #tpu.memory_space<vmem_shared>>
          tpu.wait_indirect_dma semaphore(%run_scoped3A_392 : memref<!tpu.dma_semaphore, #tpu.memory_space<semaphore_mem>>) src(%dma_wait3A_406 : memref<128x16xf32, #tpu.memory_space<vmem>>) dst(%dma_wait3A_412 : memref<10240x16xf32, #tpu.memory_space<vmem_shared>>)
          tpu.yield
        }) : () -> ()
        %add3A_385 = arith.constant 8 : i32
        %add3A_386 = arith.addi %add3A_372, %add3A_385 : i32
        %lt3A_387 = arith.constant 72 : i32
        %lt3A_388 = arith.cmpi slt, %add3A_386, %lt3A_387 : i32
        %convert_element_type3A_389 = arith.extui %lt3A_388 : i1 to i32
        %cond3A_390 = arith.constant 0 : i32
        %cond3A_391 = arith.cmpi ne, %convert_element_type3A_389, %cond3A_390 : i32
        scf.if %cond3A_391 {
          %add3A_392 = arith.constant 8 : i32
          %add3A_393 = arith.addi %add3A_372, %add3A_392 : i32
          %dma_start3A_394 = arith.constant 7 : i32
          %dma_start3A_395 = arith.constant 0 : i32
          %dma_start3A_396 = arith.constant 0 : i32
          %dma_start3A_397 = tpu.memref_slice %arg9[%dma_start3A_394, %dma_start3A_395, %dma_start3A_396] : memref<8x128x16xf32, #tpu.memory_space<vmem>> -> memref<1x128x16xf32, #tpu.memory_space<vmem>>
          %dma_start3A_398 = tpu.memref_squeeze %dma_start3A_397 : memref<1x128x16xf32, #tpu.memory_space<vmem>> -> memref<128x16xf32, #tpu.memory_space<vmem>>
          %dma_start3A_399 = arith.constant 0 : i32
          %dma_start3A_400 = tpu.memref_slice %arg7[%add3A_393, %dma_start3A_399] : memref<72x128xi32, #tpu.memory_space<vmem>> -> memref<1x128xi32, #tpu.memory_space<vmem>>
          %dma_start3A_401 = tpu.memref_squeeze %dma_start3A_400 : memref<1x128xi32, #tpu.memory_space<vmem>> -> memref<128xi32, #tpu.memory_space<vmem>>
          %dma_start3A_402 = arith.constant 0 : i32
          %dma_start3A_403 = arith.constant 0 : i32
          %dma_start3A_404 = tpu.memref_slice %arg2[%dma_start3A_402, %dma_start3A_403] : memref<10240x16xf32, #tpu.memory_space<hbm>> -> memref<10240x16xf32, #tpu.memory_space<hbm>>
          tpu.enqueue_indirect_dma source(%dma_start3A_404 : memref<10240x16xf32, #tpu.memory_space<hbm>>) target(%dma_start3A_398 : memref<128x16xf32, #tpu.memory_space<vmem>>) offsets(%dma_start3A_401 : memref<128xi32, #tpu.memory_space<vmem>>) semaphore(%arg18 : memref<!tpu.dma_semaphore, #tpu.memory_space<semaphore_mem>>)
        } else {
        }
      }
      %scan3A_219 = arith.constant 9 : i32
    } else {
    }
    %eq3A_3 = arith.constant 1 : i32
    %eq3A_4 = arith.cmpi eq, %arg0, %eq3A_3 : i32
    %convert_element_type3A_5 = arith.extui %eq3A_4 : i1 to i32
    %cond3A_6 = arith.constant 0 : i32
    %cond3A_7 = arith.cmpi ne, %convert_element_type3A_5, %cond3A_6 : i32
    scf.if %cond3A_7 {
      %mul3A_13 = arith.constant 16 : i32
      %mul3A_14 = arith.muli %arg1, %mul3A_13 : i32
      %add3A = arith.constant 2304 : i32
      %add3A_15 = arith.addi %add3A, %mul3A_14 : i32
      "tpu.region"() ({
        %run_scoped3A = tpu.sem_alloc : memref<!tpu.dma_semaphore, #tpu.memory_space<semaphore_mem>>
        %dma_start3A_115 = arith.constant 0 : i32
        %dma_start3A_116 = arith.constant 0 : i32
        %dma_start3A_117 = tpu.memref_slice %arg7[%dma_start3A_115, %dma_start3A_116] : memref<72x128xi32, #tpu.memory_space<vmem>> -> memref<16x128xi32, #tpu.memory_space<vmem>>
        %dma_start3A_118 = arith.constant 0 : i32
        %dma_start3A_119 = tpu.memref_slice %arg4[%add3A_15, %dma_start3A_118] : memref<2560x128xi32, #tpu.memory_space<hbm>> -> memref<16x128xi32, #tpu.memory_space<hbm>>
        %dma_start3A_120 = arith.constant 0 : i32
        %dma_start3A_121 = arith.constant 0 : i32
        %dma_start3A_122 = tpu.memref_slice %arg7[%dma_start3A_120, %dma_start3A_121] : memref<72x128xi32, #tpu.memory_space<vmem>> -> memref<16x128xi32, #tpu.memory_space<vmem>>
        %dma_start3A_123 = arith.constant 0 : i32
        %dma_start3A_124 = tpu.memref_slice %arg4[%add3A_15, %dma_start3A_123] : memref<2560x128xi32, #tpu.memory_space<hbm>> -> memref<16x128xi32, #tpu.memory_space<hbm>>
        tpu.enqueue_dma source(%dma_start3A_124 : memref<16x128xi32, #tpu.memory_space<hbm>>) target(%dma_start3A_122 : memref<16x128xi32, #tpu.memory_space<vmem>>) target_semaphore(%run_scoped3A : memref<!tpu.dma_semaphore, #tpu.memory_space<semaphore_mem>>)
        %dma_wait3A = arith.constant 0 : i32
        %dma_wait3A_125 = arith.constant 0 : i32
        %dma_wait3A_126 = tpu.memref_slice %arg7[%dma_wait3A, %dma_wait3A_125] : memref<72x128xi32, #tpu.memory_space<vmem>> -> memref<16x128xi32, #tpu.memory_space<vmem>>
        %dma_wait3A_127 = arith.constant 0 : i32
        %dma_wait3A_128 = tpu.memref_slice %arg4[%add3A_15, %dma_wait3A_127] : memref<2560x128xi32, #tpu.memory_space<hbm>> -> memref<16x128xi32, #tpu.memory_space<hbm>>
        %dma_wait3A_129 = arith.constant 0 : i32
        %dma_wait3A_130 = arith.constant 0 : i32
        %dma_wait3A_131 = tpu.memref_slice %arg7[%dma_wait3A_129, %dma_wait3A_130] : memref<72x128xi32, #tpu.memory_space<vmem>> -> memref<16x128xi32, #tpu.memory_space<vmem>>
        %dma_wait3A_132 = arith.constant 0 : i32
        %dma_wait3A_133 = tpu.memref_slice %arg4[%add3A_15, %dma_wait3A_132] : memref<2560x128xi32, #tpu.memory_space<hbm>> -> memref<16x128xi32, #tpu.memory_space<hbm>>
        tpu.wait_dma2 semaphore(%run_scoped3A : memref<!tpu.dma_semaphore, #tpu.memory_space<semaphore_mem>>) src(%dma_wait3A_133 : memref<16x128xi32, #tpu.memory_space<hbm>>) dst(%dma_wait3A_131 : memref<16x128xi32, #tpu.memory_space<vmem>>)
        tpu.yield
      }) : () -> ()
      "tpu.region"() ({
        %run_scoped3A = tpu.sem_alloc : memref<!tpu.dma_semaphore, #tpu.memory_space<semaphore_mem>>
        %dma_start3A_115 = arith.constant 0 : i32
        %dma_start3A_116 = arith.constant 0 : i32
        %dma_start3A_117 = tpu.memref_slice %arg8[%dma_start3A_115, %dma_start3A_116] : memref<72x128xi32, #tpu.memory_space<vmem>> -> memref<16x128xi32, #tpu.memory_space<vmem>>
        %dma_start3A_118 = arith.constant 0 : i32
        %dma_start3A_119 = tpu.memref_slice %arg5[%add3A_15, %dma_start3A_118] : memref<2560x128xi32, #tpu.memory_space<hbm>> -> memref<16x128xi32, #tpu.memory_space<hbm>>
        %dma_start3A_120 = arith.constant 0 : i32
        %dma_start3A_121 = arith.constant 0 : i32
        %dma_start3A_122 = tpu.memref_slice %arg8[%dma_start3A_120, %dma_start3A_121] : memref<72x128xi32, #tpu.memory_space<vmem>> -> memref<16x128xi32, #tpu.memory_space<vmem>>
        %dma_start3A_123 = arith.constant 0 : i32
        %dma_start3A_124 = tpu.memref_slice %arg5[%add3A_15, %dma_start3A_123] : memref<2560x128xi32, #tpu.memory_space<hbm>> -> memref<16x128xi32, #tpu.memory_space<hbm>>
        tpu.enqueue_dma source(%dma_start3A_124 : memref<16x128xi32, #tpu.memory_space<hbm>>) target(%dma_start3A_122 : memref<16x128xi32, #tpu.memory_space<vmem>>) target_semaphore(%run_scoped3A : memref<!tpu.dma_semaphore, #tpu.memory_space<semaphore_mem>>)
        %dma_wait3A = arith.constant 0 : i32
        %dma_wait3A_125 = arith.constant 0 : i32
        %dma_wait3A_126 = tpu.memref_slice %arg8[%dma_wait3A, %dma_wait3A_125] : memref<72x128xi32, #tpu.memory_space<vmem>> -> memref<16x128xi32, #tpu.memory_space<vmem>>
        %dma_wait3A_127 = arith.constant 0 : i32
        %dma_wait3A_128 = tpu.memref_slice %arg5[%add3A_15, %dma_wait3A_127] : memref<2560x128xi32, #tpu.memory_space<hbm>> -> memref<16x128xi32, #tpu.memory_space<hbm>>
        %dma_wait3A_129 = arith.constant 0 : i32
        %dma_wait3A_130 = arith.constant 0 : i32
        %dma_wait3A_131 = tpu.memref_slice %arg8[%dma_wait3A_129, %dma_wait3A_130] : memref<72x128xi32, #tpu.memory_space<vmem>> -> memref<16x128xi32, #tpu.memory_space<vmem>>
        %dma_wait3A_132 = arith.constant 0 : i32
        %dma_wait3A_133 = tpu.memref_slice %arg5[%add3A_15, %dma_wait3A_132] : memref<2560x128xi32, #tpu.memory_space<hbm>> -> memref<16x128xi32, #tpu.memory_space<hbm>>
        tpu.wait_dma2 semaphore(%run_scoped3A : memref<!tpu.dma_semaphore, #tpu.memory_space<semaphore_mem>>) src(%dma_wait3A_133 : memref<16x128xi32, #tpu.memory_space<hbm>>) dst(%dma_wait3A_131 : memref<16x128xi32, #tpu.memory_space<vmem>>)
        tpu.yield
      }) : () -> ()
      %dma_start3A = arith.constant 0 : i32
      %dma_start3A_16 = arith.constant 0 : i32
      %dma_start3A_17 = arith.constant 0 : i32
      %dma_start3A_18 = arith.constant 0 : i32
      %dma_start3A_19 = tpu.memref_slice %arg9[%dma_start3A_16, %dma_start3A_17, %dma_start3A_18] : memref<8x128x16xf32, #tpu.memory_space<vmem>> -> memref<1x128x16xf32, #tpu.memory_space<vmem>>
      %dma_start3A_20 = tpu.memref_squeeze %dma_start3A_19 : memref<1x128x16xf32, #tpu.memory_space<vmem>> -> memref<128x16xf32, #tpu.memory_space<vmem>>
      %dma_start3A_21 = arith.constant 0 : i32
      %dma_start3A_22 = tpu.memref_slice %arg7[%dma_start3A, %dma_start3A_21] : memref<72x128xi32, #tpu.memory_space<vmem>> -> memref<1x128xi32, #tpu.memory_space<vmem>>
      %dma_start3A_23 = tpu.memref_squeeze %dma_start3A_22 : memref<1x128xi32, #tpu.memory_space<vmem>> -> memref<128xi32, #tpu.memory_space<vmem>>
      %dma_start3A_24 = arith.constant 0 : i32
      %dma_start3A_25 = arith.constant 0 : i32
      %dma_start3A_26 = tpu.memref_slice %arg2[%dma_start3A_24, %dma_start3A_25] : memref<10240x16xf32, #tpu.memory_space<hbm>> -> memref<10240x16xf32, #tpu.memory_space<hbm>>
      tpu.enqueue_indirect_dma source(%dma_start3A_26 : memref<10240x16xf32, #tpu.memory_space<hbm>>) target(%dma_start3A_20 : memref<128x16xf32, #tpu.memory_space<vmem>>) offsets(%dma_start3A_23 : memref<128xi32, #tpu.memory_space<vmem>>) semaphore(%arg11 : memref<!tpu.dma_semaphore, #tpu.memory_space<semaphore_mem>>)
      %dma_start3A_27 = arith.constant 1 : i32
      %dma_start3A_28 = arith.constant 1 : i32
      %dma_start3A_29 = arith.constant 0 : i32
      %dma_start3A_30 = arith.constant 0 : i32
      %dma_start3A_31 = tpu.memref_slice %arg9[%dma_start3A_28, %dma_start3A_29, %dma_start3A_30] : memref<8x128x16xf32, #tpu.memory_space<vmem>> -> memref<1x128x16xf32, #tpu.memory_space<vmem>>
      %dma_start3A_32 = tpu.memref_squeeze %dma_start3A_31 : memref<1x128x16xf32, #tpu.memory_space<vmem>> -> memref<128x16xf32, #tpu.memory_space<vmem>>
      %dma_start3A_33 = arith.constant 0 : i32
      %dma_start3A_34 = tpu.memref_slice %arg7[%dma_start3A_27, %dma_start3A_33] : memref<72x128xi32, #tpu.memory_space<vmem>> -> memref<1x128xi32, #tpu.memory_space<vmem>>
      %dma_start3A_35 = tpu.memref_squeeze %dma_start3A_34 : memref<1x128xi32, #tpu.memory_space<vmem>> -> memref<128xi32, #tpu.memory_space<vmem>>
      %dma_start3A_36 = arith.constant 0 : i32
      %dma_start3A_37 = arith.constant 0 : i32
      %dma_start3A_38 = tpu.memref_slice %arg2[%dma_start3A_36, %dma_start3A_37] : memref<10240x16xf32, #tpu.memory_space<hbm>> -> memref<10240x16xf32, #tpu.memory_space<hbm>>
      tpu.enqueue_indirect_dma source(%dma_start3A_38 : memref<10240x16xf32, #tpu.memory_space<hbm>>) target(%dma_start3A_32 : memref<128x16xf32, #tpu.memory_space<vmem>>) offsets(%dma_start3A_35 : memref<128xi32, #tpu.memory_space<vmem>>) semaphore(%arg12 : memref<!tpu.dma_semaphore, #tpu.memory_space<semaphore_mem>>)
      %dma_start3A_39 = arith.constant 2 : i32
      %dma_start3A_40 = arith.constant 2 : i32
      %dma_start3A_41 = arith.constant 0 : i32
      %dma_start3A_42 = arith.constant 0 : i32
      %dma_start3A_43 = tpu.memref_slice %arg9[%dma_start3A_40, %dma_start3A_41, %dma_start3A_42] : memref<8x128x16xf32, #tpu.memory_space<vmem>> -> memref<1x128x16xf32, #tpu.memory_space<vmem>>
      %dma_start3A_44 = tpu.memref_squeeze %dma_start3A_43 : memref<1x128x16xf32, #tpu.memory_space<vmem>> -> memref<128x16xf32, #tpu.memory_space<vmem>>
      %dma_start3A_45 = arith.constant 0 : i32
      %dma_start3A_46 = tpu.memref_slice %arg7[%dma_start3A_39, %dma_start3A_45] : memref<72x128xi32, #tpu.memory_space<vmem>> -> memref<1x128xi32, #tpu.memory_space<vmem>>
      %dma_start3A_47 = tpu.memref_squeeze %dma_start3A_46 : memref<1x128xi32, #tpu.memory_space<vmem>> -> memref<128xi32, #tpu.memory_space<vmem>>
      %dma_start3A_48 = arith.constant 0 : i32
      %dma_start3A_49 = arith.constant 0 : i32
      %dma_start3A_50 = tpu.memref_slice %arg2[%dma_start3A_48, %dma_start3A_49] : memref<10240x16xf32, #tpu.memory_space<hbm>> -> memref<10240x16xf32, #tpu.memory_space<hbm>>
      tpu.enqueue_indirect_dma source(%dma_start3A_50 : memref<10240x16xf32, #tpu.memory_space<hbm>>) target(%dma_start3A_44 : memref<128x16xf32, #tpu.memory_space<vmem>>) offsets(%dma_start3A_47 : memref<128xi32, #tpu.memory_space<vmem>>) semaphore(%arg13 : memref<!tpu.dma_semaphore, #tpu.memory_space<semaphore_mem>>)
      %dma_start3A_51 = arith.constant 3 : i32
      %dma_start3A_52 = arith.constant 3 : i32
      %dma_start3A_53 = arith.constant 0 : i32
      %dma_start3A_54 = arith.constant 0 : i32
      %dma_start3A_55 = tpu.memref_slice %arg9[%dma_start3A_52, %dma_start3A_53, %dma_start3A_54] : memref<8x128x16xf32, #tpu.memory_space<vmem>> -> memref<1x128x16xf32, #tpu.memory_space<vmem>>
      %dma_start3A_56 = tpu.memref_squeeze %dma_start3A_55 : memref<1x128x16xf32, #tpu.memory_space<vmem>> -> memref<128x16xf32, #tpu.memory_space<vmem>>
      %dma_start3A_57 = arith.constant 0 : i32
      %dma_start3A_58 = tpu.memref_slice %arg7[%dma_start3A_51, %dma_start3A_57] : memref<72x128xi32, #tpu.memory_space<vmem>> -> memref<1x128xi32, #tpu.memory_space<vmem>>
      %dma_start3A_59 = tpu.memref_squeeze %dma_start3A_58 : memref<1x128xi32, #tpu.memory_space<vmem>> -> memref<128xi32, #tpu.memory_space<vmem>>
      %dma_start3A_60 = arith.constant 0 : i32
      %dma_start3A_61 = arith.constant 0 : i32
      %dma_start3A_62 = tpu.memref_slice %arg2[%dma_start3A_60, %dma_start3A_61] : memref<10240x16xf32, #tpu.memory_space<hbm>> -> memref<10240x16xf32, #tpu.memory_space<hbm>>
      tpu.enqueue_indirect_dma source(%dma_start3A_62 : memref<10240x16xf32, #tpu.memory_space<hbm>>) target(%dma_start3A_56 : memref<128x16xf32, #tpu.memory_space<vmem>>) offsets(%dma_start3A_59 : memref<128xi32, #tpu.memory_space<vmem>>) semaphore(%arg14 : memref<!tpu.dma_semaphore, #tpu.memory_space<semaphore_mem>>)
      %dma_start3A_63 = arith.constant 4 : i32
      %dma_start3A_64 = arith.constant 4 : i32
      %dma_start3A_65 = arith.constant 0 : i32
      %dma_start3A_66 = arith.constant 0 : i32
      %dma_start3A_67 = tpu.memref_slice %arg9[%dma_start3A_64, %dma_start3A_65, %dma_start3A_66] : memref<8x128x16xf32, #tpu.memory_space<vmem>> -> memref<1x128x16xf32, #tpu.memory_space<vmem>>
      %dma_start3A_68 = tpu.memref_squeeze %dma_start3A_67 : memref<1x128x16xf32, #tpu.memory_space<vmem>> -> memref<128x16xf32, #tpu.memory_space<vmem>>
      %dma_start3A_69 = arith.constant 0 : i32
      %dma_start3A_70 = tpu.memref_slice %arg7[%dma_start3A_63, %dma_start3A_69] : memref<72x128xi32, #tpu.memory_space<vmem>> -> memref<1x128xi32, #tpu.memory_space<vmem>>
      %dma_start3A_71 = tpu.memref_squeeze %dma_start3A_70 : memref<1x128xi32, #tpu.memory_space<vmem>> -> memref<128xi32, #tpu.memory_space<vmem>>
      %dma_start3A_72 = arith.constant 0 : i32
      %dma_start3A_73 = arith.constant 0 : i32
      %dma_start3A_74 = tpu.memref_slice %arg2[%dma_start3A_72, %dma_start3A_73] : memref<10240x16xf32, #tpu.memory_space<hbm>> -> memref<10240x16xf32, #tpu.memory_space<hbm>>
      tpu.enqueue_indirect_dma source(%dma_start3A_74 : memref<10240x16xf32, #tpu.memory_space<hbm>>) target(%dma_start3A_68 : memref<128x16xf32, #tpu.memory_space<vmem>>) offsets(%dma_start3A_71 : memref<128xi32, #tpu.memory_space<vmem>>) semaphore(%arg15 : memref<!tpu.dma_semaphore, #tpu.memory_space<semaphore_mem>>)
      %dma_start3A_75 = arith.constant 5 : i32
      %dma_start3A_76 = arith.constant 5 : i32
      %dma_start3A_77 = arith.constant 0 : i32
      %dma_start3A_78 = arith.constant 0 : i32
      %dma_start3A_79 = tpu.memref_slice %arg9[%dma_start3A_76, %dma_start3A_77, %dma_start3A_78] : memref<8x128x16xf32, #tpu.memory_space<vmem>> -> memref<1x128x16xf32, #tpu.memory_space<vmem>>
      %dma_start3A_80 = tpu.memref_squeeze %dma_start3A_79 : memref<1x128x16xf32, #tpu.memory_space<vmem>> -> memref<128x16xf32, #tpu.memory_space<vmem>>
      %dma_start3A_81 = arith.constant 0 : i32
      %dma_start3A_82 = tpu.memref_slice %arg7[%dma_start3A_75, %dma_start3A_81] : memref<72x128xi32, #tpu.memory_space<vmem>> -> memref<1x128xi32, #tpu.memory_space<vmem>>
      %dma_start3A_83 = tpu.memref_squeeze %dma_start3A_82 : memref<1x128xi32, #tpu.memory_space<vmem>> -> memref<128xi32, #tpu.memory_space<vmem>>
      %dma_start3A_84 = arith.constant 0 : i32
      %dma_start3A_85 = arith.constant 0 : i32
      %dma_start3A_86 = tpu.memref_slice %arg2[%dma_start3A_84, %dma_start3A_85] : memref<10240x16xf32, #tpu.memory_space<hbm>> -> memref<10240x16xf32, #tpu.memory_space<hbm>>
      tpu.enqueue_indirect_dma source(%dma_start3A_86 : memref<10240x16xf32, #tpu.memory_space<hbm>>) target(%dma_start3A_80 : memref<128x16xf32, #tpu.memory_space<vmem>>) offsets(%dma_start3A_83 : memref<128xi32, #tpu.memory_space<vmem>>) semaphore(%arg16 : memref<!tpu.dma_semaphore, #tpu.memory_space<semaphore_mem>>)
      %dma_start3A_87 = arith.constant 6 : i32
      %dma_start3A_88 = arith.constant 6 : i32
      %dma_start3A_89 = arith.constant 0 : i32
      %dma_start3A_90 = arith.constant 0 : i32
      %dma_start3A_91 = tpu.memref_slice %arg9[%dma_start3A_88, %dma_start3A_89, %dma_start3A_90] : memref<8x128x16xf32, #tpu.memory_space<vmem>> -> memref<1x128x16xf32, #tpu.memory_space<vmem>>
      %dma_start3A_92 = tpu.memref_squeeze %dma_start3A_91 : memref<1x128x16xf32, #tpu.memory_space<vmem>> -> memref<128x16xf32, #tpu.memory_space<vmem>>
      %dma_start3A_93 = arith.constant 0 : i32
      %dma_start3A_94 = tpu.memref_slice %arg7[%dma_start3A_87, %dma_start3A_93] : memref<72x128xi32, #tpu.memory_space<vmem>> -> memref<1x128xi32, #tpu.memory_space<vmem>>
      %dma_start3A_95 = tpu.memref_squeeze %dma_start3A_94 : memref<1x128xi32, #tpu.memory_space<vmem>> -> memref<128xi32, #tpu.memory_space<vmem>>
      %dma_start3A_96 = arith.constant 0 : i32
      %dma_start3A_97 = arith.constant 0 : i32
      %dma_start3A_98 = tpu.memref_slice %arg2[%dma_start3A_96, %dma_start3A_97] : memref<10240x16xf32, #tpu.memory_space<hbm>> -> memref<10240x16xf32, #tpu.memory_space<hbm>>
      tpu.enqueue_indirect_dma source(%dma_start3A_98 : memref<10240x16xf32, #tpu.memory_space<hbm>>) target(%dma_start3A_92 : memref<128x16xf32, #tpu.memory_space<vmem>>) offsets(%dma_start3A_95 : memref<128xi32, #tpu.memory_space<vmem>>) semaphore(%arg17 : memref<!tpu.dma_semaphore, #tpu.memory_space<semaphore_mem>>)
      %dma_start3A_99 = arith.constant 7 : i32
      %dma_start3A_100 = arith.constant 7 : i32
      %dma_start3A_101 = arith.constant 0 : i32
      %dma_start3A_102 = arith.constant 0 : i32
      %dma_start3A_103 = tpu.memref_slice %arg9[%dma_start3A_100, %dma_start3A_101, %dma_start3A_102] : memref<8x128x16xf32, #tpu.memory_space<vmem>> -> memref<1x128x16xf32, #tpu.memory_space<vmem>>
      %dma_start3A_104 = tpu.memref_squeeze %dma_start3A_103 : memref<1x128x16xf32, #tpu.memory_space<vmem>> -> memref<128x16xf32, #tpu.memory_space<vmem>>
      %dma_start3A_105 = arith.constant 0 : i32
      %dma_start3A_106 = tpu.memref_slice %arg7[%dma_start3A_99, %dma_start3A_105] : memref<72x128xi32, #tpu.memory_space<vmem>> -> memref<1x128xi32, #tpu.memory_space<vmem>>
      %dma_start3A_107 = tpu.memref_squeeze %dma_start3A_106 : memref<1x128xi32, #tpu.memory_space<vmem>> -> memref<128xi32, #tpu.memory_space<vmem>>
      %dma_start3A_108 = arith.constant 0 : i32
      %dma_start3A_109 = arith.constant 0 : i32
      %dma_start3A_110 = tpu.memref_slice %arg2[%dma_start3A_108, %dma_start3A_109] : memref<10240x16xf32, #tpu.memory_space<hbm>> -> memref<10240x16xf32, #tpu.memory_space<hbm>>
      tpu.enqueue_indirect_dma source(%dma_start3A_110 : memref<10240x16xf32, #tpu.memory_space<hbm>>) target(%dma_start3A_104 : memref<128x16xf32, #tpu.memory_space<vmem>>) offsets(%dma_start3A_107 : memref<128xi32, #tpu.memory_space<vmem>>) semaphore(%arg18 : memref<!tpu.dma_semaphore, #tpu.memory_space<semaphore_mem>>)
      %scan3A = arith.constant 0 : i32
      %scan3A_111 = arith.constant 2 : i32
      %scan3A_112 = arith.addi %scan3A, %scan3A_111 : i32
      %scan3A_113 = arith.constant 1 : i32
      scf.for %scan3A_115 = %scan3A to %scan3A_112 step %scan3A_113  : i32 {
        %mul3A_116 = arith.constant 1 : i32
        %mul3A_117 = arith.muli %scan3A_115, %mul3A_116 : i32
        %add3A_118 = arith.constant 0 : i32
        %add3A_119 = arith.addi %add3A_118, %mul3A_117 : i32
        %mul3A_120 = arith.constant 8 : i32
        %mul3A_121 = arith.muli %add3A_119, %mul3A_120 : i32
        %add3A_122 = arith.constant 0 : i32
        %add3A_123 = arith.addi %mul3A_121, %add3A_122 : i32
        %dma_wait3A = arith.constant 0 : i32
        %dma_wait3A_124 = arith.constant 0 : i32
        %dma_wait3A_125 = arith.constant 0 : i32
        %dma_wait3A_126 = tpu.memref_slice %arg9[%dma_wait3A, %dma_wait3A_124, %dma_wait3A_125] : memref<8x128x16xf32, #tpu.memory_space<vmem>> -> memref<1x128x16xf32, #tpu.memory_space<vmem>>
        %dma_wait3A_127 = tpu.memref_squeeze %dma_wait3A_126 : memref<1x128x16xf32, #tpu.memory_space<vmem>> -> memref<128x16xf32, #tpu.memory_space<vmem>>
        %dma_wait3A_128 = arith.constant 0 : i32
        %dma_wait3A_129 = tpu.memref_slice %arg7[%add3A_123, %dma_wait3A_128] : memref<72x128xi32, #tpu.memory_space<vmem>> -> memref<1x128xi32, #tpu.memory_space<vmem>>
        %dma_wait3A_130 = tpu.memref_squeeze %dma_wait3A_129 : memref<1x128xi32, #tpu.memory_space<vmem>> -> memref<128xi32, #tpu.memory_space<vmem>>
        %dma_wait3A_131 = arith.constant 0 : i32
        %dma_wait3A_132 = arith.constant 0 : i32
        %dma_wait3A_133 = tpu.memref_slice %arg2[%dma_wait3A_131, %dma_wait3A_132] : memref<10240x16xf32, #tpu.memory_space<hbm>> -> memref<10240x16xf32, #tpu.memory_space<hbm>>
        tpu.wait_indirect_dma semaphore(%arg11 : memref<!tpu.dma_semaphore, #tpu.memory_space<semaphore_mem>>) src(%dma_wait3A_133 : memref<10240x16xf32, #tpu.memory_space<hbm>>) dst(%dma_wait3A_127 : memref<128x16xf32, #tpu.memory_space<vmem>>)
        %run_scoped3A = arith.constant 0 : i32
        "tpu.region"() ({
          %run_scoped3A_287 = tpu.sem_alloc : memref<!tpu.dma_semaphore, #tpu.memory_space<semaphore_mem>>
          %dma_start3A_288 = arith.constant 0 : i32
          %dma_start3A_289 = arith.constant 0 : i32
          %dma_start3A_290 = tpu.memref_slice %arg9[%run_scoped3A, %dma_start3A_288, %dma_start3A_289] : memref<8x128x16xf32, #tpu.memory_space<vmem>> -> memref<1x128x16xf32, #tpu.memory_space<vmem>>
          %dma_start3A_291 = tpu.memref_squeeze %dma_start3A_290 : memref<1x128x16xf32, #tpu.memory_space<vmem>> -> memref<128x16xf32, #tpu.memory_space<vmem>>
          %dma_start3A_292 = arith.constant 0 : i32
          %dma_start3A_293 = tpu.memref_slice %arg8[%add3A_123, %dma_start3A_292] : memref<72x128xi32, #tpu.memory_space<vmem>> -> memref<1x128xi32, #tpu.memory_space<vmem>>
          %dma_start3A_294 = tpu.memref_squeeze %dma_start3A_293 : memref<1x128xi32, #tpu.memory_space<vmem>> -> memref<128xi32, #tpu.memory_space<vmem>>
          %dma_start3A_295 = arith.constant 0 : i32
          %dma_start3A_296 = arith.constant 0 : i32
          %dma_start3A_297 = tpu.memref_slice %arg10[%dma_start3A_295, %dma_start3A_296] : memref<10240x16xf32, #tpu.memory_space<vmem_shared>> -> memref<10240x16xf32, #tpu.memory_space<vmem_shared>>
          tpu.enqueue_indirect_dma source(%dma_start3A_291 : memref<128x16xf32, #tpu.memory_space<vmem>>) target(%dma_start3A_297 : memref<10240x16xf32, #tpu.memory_space<vmem_shared>>) offsets(%dma_start3A_294 : memref<128xi32, #tpu.memory_space<vmem>>) semaphore(%run_scoped3A_287 : memref<!tpu.dma_semaphore, #tpu.memory_space<semaphore_mem>>) {add = true}
          %dma_wait3A_298 = arith.constant 0 : i32
          %dma_wait3A_299 = arith.constant 0 : i32
          %dma_wait3A_300 = tpu.memref_slice %arg9[%run_scoped3A, %dma_wait3A_298, %dma_wait3A_299] : memref<8x128x16xf32, #tpu.memory_space<vmem>> -> memref<1x128x16xf32, #tpu.memory_space<vmem>>
          %dma_wait3A_301 = tpu.memref_squeeze %dma_wait3A_300 : memref<1x128x16xf32, #tpu.memory_space<vmem>> -> memref<128x16xf32, #tpu.memory_space<vmem>>
          %dma_wait3A_302 = arith.constant 0 : i32
          %dma_wait3A_303 = tpu.memref_slice %arg8[%add3A_123, %dma_wait3A_302] : memref<72x128xi32, #tpu.memory_space<vmem>> -> memref<1x128xi32, #tpu.memory_space<vmem>>
          %dma_wait3A_304 = tpu.memref_squeeze %dma_wait3A_303 : memref<1x128xi32, #tpu.memory_space<vmem>> -> memref<128xi32, #tpu.memory_space<vmem>>
          %dma_wait3A_305 = arith.constant 0 : i32
          %dma_wait3A_306 = arith.constant 0 : i32
          %dma_wait3A_307 = tpu.memref_slice %arg10[%dma_wait3A_305, %dma_wait3A_306] : memref<10240x16xf32, #tpu.memory_space<vmem_shared>> -> memref<10240x16xf32, #tpu.memory_space<vmem_shared>>
          tpu.wait_indirect_dma semaphore(%run_scoped3A_287 : memref<!tpu.dma_semaphore, #tpu.memory_space<semaphore_mem>>) src(%dma_wait3A_301 : memref<128x16xf32, #tpu.memory_space<vmem>>) dst(%dma_wait3A_307 : memref<10240x16xf32, #tpu.memory_space<vmem_shared>>)
          tpu.yield
        }) : () -> ()
        %add3A_134 = arith.constant 8 : i32
        %add3A_135 = arith.addi %add3A_123, %add3A_134 : i32
        %lt3A = arith.constant 16 : i32
        %lt3A_136 = arith.cmpi slt, %add3A_135, %lt3A : i32
        %convert_element_type3A_137 = arith.extui %lt3A_136 : i1 to i32
        %cond3A_138 = arith.constant 0 : i32
        %cond3A_139 = arith.cmpi ne, %convert_element_type3A_137, %cond3A_138 : i32
        scf.if %cond3A_139 {
          %add3A_287 = arith.constant 8 : i32
          %add3A_288 = arith.addi %add3A_123, %add3A_287 : i32
          %dma_start3A_289 = arith.constant 0 : i32
          %dma_start3A_290 = arith.constant 0 : i32
          %dma_start3A_291 = arith.constant 0 : i32
          %dma_start3A_292 = tpu.memref_slice %arg9[%dma_start3A_289, %dma_start3A_290, %dma_start3A_291] : memref<8x128x16xf32, #tpu.memory_space<vmem>> -> memref<1x128x16xf32, #tpu.memory_space<vmem>>
          %dma_start3A_293 = tpu.memref_squeeze %dma_start3A_292 : memref<1x128x16xf32, #tpu.memory_space<vmem>> -> memref<128x16xf32, #tpu.memory_space<vmem>>
          %dma_start3A_294 = arith.constant 0 : i32
          %dma_start3A_295 = tpu.memref_slice %arg7[%add3A_288, %dma_start3A_294] : memref<72x128xi32, #tpu.memory_space<vmem>> -> memref<1x128xi32, #tpu.memory_space<vmem>>
          %dma_start3A_296 = tpu.memref_squeeze %dma_start3A_295 : memref<1x128xi32, #tpu.memory_space<vmem>> -> memref<128xi32, #tpu.memory_space<vmem>>
          %dma_start3A_297 = arith.constant 0 : i32
          %dma_start3A_298 = arith.constant 0 : i32
          %dma_start3A_299 = tpu.memref_slice %arg2[%dma_start3A_297, %dma_start3A_298] : memref<10240x16xf32, #tpu.memory_space<hbm>> -> memref<10240x16xf32, #tpu.memory_space<hbm>>
          tpu.enqueue_indirect_dma source(%dma_start3A_299 : memref<10240x16xf32, #tpu.memory_space<hbm>>) target(%dma_start3A_293 : memref<128x16xf32, #tpu.memory_space<vmem>>) offsets(%dma_start3A_296 : memref<128xi32, #tpu.memory_space<vmem>>) semaphore(%arg11 : memref<!tpu.dma_semaphore, #tpu.memory_space<semaphore_mem>>)
        } else {
        }
        %add3A_140 = arith.constant 1 : i32
        %add3A_141 = arith.addi %mul3A_121, %add3A_140 : i32
        %dma_wait3A_142 = arith.constant 1 : i32
        %dma_wait3A_143 = arith.constant 0 : i32
        %dma_wait3A_144 = arith.constant 0 : i32
        %dma_wait3A_145 = tpu.memref_slice %arg9[%dma_wait3A_142, %dma_wait3A_143, %dma_wait3A_144] : memref<8x128x16xf32, #tpu.memory_space<vmem>> -> memref<1x128x16xf32, #tpu.memory_space<vmem>>
        %dma_wait3A_146 = tpu.memref_squeeze %dma_wait3A_145 : memref<1x128x16xf32, #tpu.memory_space<vmem>> -> memref<128x16xf32, #tpu.memory_space<vmem>>
        %dma_wait3A_147 = arith.constant 0 : i32
        %dma_wait3A_148 = tpu.memref_slice %arg7[%add3A_141, %dma_wait3A_147] : memref<72x128xi32, #tpu.memory_space<vmem>> -> memref<1x128xi32, #tpu.memory_space<vmem>>
        %dma_wait3A_149 = tpu.memref_squeeze %dma_wait3A_148 : memref<1x128xi32, #tpu.memory_space<vmem>> -> memref<128xi32, #tpu.memory_space<vmem>>
        %dma_wait3A_150 = arith.constant 0 : i32
        %dma_wait3A_151 = arith.constant 0 : i32
        %dma_wait3A_152 = tpu.memref_slice %arg2[%dma_wait3A_150, %dma_wait3A_151] : memref<10240x16xf32, #tpu.memory_space<hbm>> -> memref<10240x16xf32, #tpu.memory_space<hbm>>
        tpu.wait_indirect_dma semaphore(%arg12 : memref<!tpu.dma_semaphore, #tpu.memory_space<semaphore_mem>>) src(%dma_wait3A_152 : memref<10240x16xf32, #tpu.memory_space<hbm>>) dst(%dma_wait3A_146 : memref<128x16xf32, #tpu.memory_space<vmem>>)
        %run_scoped3A_153 = arith.constant 1 : i32
        "tpu.region"() ({
          %run_scoped3A_287 = tpu.sem_alloc : memref<!tpu.dma_semaphore, #tpu.memory_space<semaphore_mem>>
          %dma_start3A_288 = arith.constant 0 : i32
          %dma_start3A_289 = arith.constant 0 : i32
          %dma_start3A_290 = tpu.memref_slice %arg9[%run_scoped3A_153, %dma_start3A_288, %dma_start3A_289] : memref<8x128x16xf32, #tpu.memory_space<vmem>> -> memref<1x128x16xf32, #tpu.memory_space<vmem>>
          %dma_start3A_291 = tpu.memref_squeeze %dma_start3A_290 : memref<1x128x16xf32, #tpu.memory_space<vmem>> -> memref<128x16xf32, #tpu.memory_space<vmem>>
          %dma_start3A_292 = arith.constant 0 : i32
          %dma_start3A_293 = tpu.memref_slice %arg8[%add3A_141, %dma_start3A_292] : memref<72x128xi32, #tpu.memory_space<vmem>> -> memref<1x128xi32, #tpu.memory_space<vmem>>
          %dma_start3A_294 = tpu.memref_squeeze %dma_start3A_293 : memref<1x128xi32, #tpu.memory_space<vmem>> -> memref<128xi32, #tpu.memory_space<vmem>>
          %dma_start3A_295 = arith.constant 0 : i32
          %dma_start3A_296 = arith.constant 0 : i32
          %dma_start3A_297 = tpu.memref_slice %arg10[%dma_start3A_295, %dma_start3A_296] : memref<10240x16xf32, #tpu.memory_space<vmem_shared>> -> memref<10240x16xf32, #tpu.memory_space<vmem_shared>>
          tpu.enqueue_indirect_dma source(%dma_start3A_291 : memref<128x16xf32, #tpu.memory_space<vmem>>) target(%dma_start3A_297 : memref<10240x16xf32, #tpu.memory_space<vmem_shared>>) offsets(%dma_start3A_294 : memref<128xi32, #tpu.memory_space<vmem>>) semaphore(%run_scoped3A_287 : memref<!tpu.dma_semaphore, #tpu.memory_space<semaphore_mem>>) {add = true}
          %dma_wait3A_298 = arith.constant 0 : i32
          %dma_wait3A_299 = arith.constant 0 : i32
          %dma_wait3A_300 = tpu.memref_slice %arg9[%run_scoped3A_153, %dma_wait3A_298, %dma_wait3A_299] : memref<8x128x16xf32, #tpu.memory_space<vmem>> -> memref<1x128x16xf32, #tpu.memory_space<vmem>>
          %dma_wait3A_301 = tpu.memref_squeeze %dma_wait3A_300 : memref<1x128x16xf32, #tpu.memory_space<vmem>> -> memref<128x16xf32, #tpu.memory_space<vmem>>
          %dma_wait3A_302 = arith.constant 0 : i32
          %dma_wait3A_303 = tpu.memref_slice %arg8[%add3A_141, %dma_wait3A_302] : memref<72x128xi32, #tpu.memory_space<vmem>> -> memref<1x128xi32, #tpu.memory_space<vmem>>
          %dma_wait3A_304 = tpu.memref_squeeze %dma_wait3A_303 : memref<1x128xi32, #tpu.memory_space<vmem>> -> memref<128xi32, #tpu.memory_space<vmem>>
          %dma_wait3A_305 = arith.constant 0 : i32
          %dma_wait3A_306 = arith.constant 0 : i32
          %dma_wait3A_307 = tpu.memref_slice %arg10[%dma_wait3A_305, %dma_wait3A_306] : memref<10240x16xf32, #tpu.memory_space<vmem_shared>> -> memref<10240x16xf32, #tpu.memory_space<vmem_shared>>
          tpu.wait_indirect_dma semaphore(%run_scoped3A_287 : memref<!tpu.dma_semaphore, #tpu.memory_space<semaphore_mem>>) src(%dma_wait3A_301 : memref<128x16xf32, #tpu.memory_space<vmem>>) dst(%dma_wait3A_307 : memref<10240x16xf32, #tpu.memory_space<vmem_shared>>)
          tpu.yield
        }) : () -> ()
        %add3A_154 = arith.constant 8 : i32
        %add3A_155 = arith.addi %add3A_141, %add3A_154 : i32
        %lt3A_156 = arith.constant 16 : i32
        %lt3A_157 = arith.cmpi slt, %add3A_155, %lt3A_156 : i32
        %convert_element_type3A_158 = arith.extui %lt3A_157 : i1 to i32
        %cond3A_159 = arith.constant 0 : i32
        %cond3A_160 = arith.cmpi ne, %convert_element_type3A_158, %cond3A_159 : i32
        scf.if %cond3A_160 {
          %add3A_287 = arith.constant 8 : i32
          %add3A_288 = arith.addi %add3A_141, %add3A_287 : i32
          %dma_start3A_289 = arith.constant 1 : i32
          %dma_start3A_290 = arith.constant 0 : i32
          %dma_start3A_291 = arith.constant 0 : i32
          %dma_start3A_292 = tpu.memref_slice %arg9[%dma_start3A_289, %dma_start3A_290, %dma_start3A_291] : memref<8x128x16xf32, #tpu.memory_space<vmem>> -> memref<1x128x16xf32, #tpu.memory_space<vmem>>
          %dma_start3A_293 = tpu.memref_squeeze %dma_start3A_292 : memref<1x128x16xf32, #tpu.memory_space<vmem>> -> memref<128x16xf32, #tpu.memory_space<vmem>>
          %dma_start3A_294 = arith.constant 0 : i32
          %dma_start3A_295 = tpu.memref_slice %arg7[%add3A_288, %dma_start3A_294] : memref<72x128xi32, #tpu.memory_space<vmem>> -> memref<1x128xi32, #tpu.memory_space<vmem>>
          %dma_start3A_296 = tpu.memref_squeeze %dma_start3A_295 : memref<1x128xi32, #tpu.memory_space<vmem>> -> memref<128xi32, #tpu.memory_space<vmem>>
          %dma_start3A_297 = arith.constant 0 : i32
          %dma_start3A_298 = arith.constant 0 : i32
          %dma_start3A_299 = tpu.memref_slice %arg2[%dma_start3A_297, %dma_start3A_298] : memref<10240x16xf32, #tpu.memory_space<hbm>> -> memref<10240x16xf32, #tpu.memory_space<hbm>>
          tpu.enqueue_indirect_dma source(%dma_start3A_299 : memref<10240x16xf32, #tpu.memory_space<hbm>>) target(%dma_start3A_293 : memref<128x16xf32, #tpu.memory_space<vmem>>) offsets(%dma_start3A_296 : memref<128xi32, #tpu.memory_space<vmem>>) semaphore(%arg12 : memref<!tpu.dma_semaphore, #tpu.memory_space<semaphore_mem>>)
        } else {
        }
        %add3A_161 = arith.constant 2 : i32
        %add3A_162 = arith.addi %mul3A_121, %add3A_161 : i32
        %dma_wait3A_163 = arith.constant 2 : i32
        %dma_wait3A_164 = arith.constant 0 : i32
        %dma_wait3A_165 = arith.constant 0 : i32
        %dma_wait3A_166 = tpu.memref_slice %arg9[%dma_wait3A_163, %dma_wait3A_164, %dma_wait3A_165] : memref<8x128x16xf32, #tpu.memory_space<vmem>> -> memref<1x128x16xf32, #tpu.memory_space<vmem>>
        %dma_wait3A_167 = tpu.memref_squeeze %dma_wait3A_166 : memref<1x128x16xf32, #tpu.memory_space<vmem>> -> memref<128x16xf32, #tpu.memory_space<vmem>>
        %dma_wait3A_168 = arith.constant 0 : i32
        %dma_wait3A_169 = tpu.memref_slice %arg7[%add3A_162, %dma_wait3A_168] : memref<72x128xi32, #tpu.memory_space<vmem>> -> memref<1x128xi32, #tpu.memory_space<vmem>>
        %dma_wait3A_170 = tpu.memref_squeeze %dma_wait3A_169 : memref<1x128xi32, #tpu.memory_space<vmem>> -> memref<128xi32, #tpu.memory_space<vmem>>
        %dma_wait3A_171 = arith.constant 0 : i32
        %dma_wait3A_172 = arith.constant 0 : i32
        %dma_wait3A_173 = tpu.memref_slice %arg2[%dma_wait3A_171, %dma_wait3A_172] : memref<10240x16xf32, #tpu.memory_space<hbm>> -> memref<10240x16xf32, #tpu.memory_space<hbm>>
        tpu.wait_indirect_dma semaphore(%arg13 : memref<!tpu.dma_semaphore, #tpu.memory_space<semaphore_mem>>) src(%dma_wait3A_173 : memref<10240x16xf32, #tpu.memory_space<hbm>>) dst(%dma_wait3A_167 : memref<128x16xf32, #tpu.memory_space<vmem>>)
        %run_scoped3A_174 = arith.constant 2 : i32
        "tpu.region"() ({
          %run_scoped3A_287 = tpu.sem_alloc : memref<!tpu.dma_semaphore, #tpu.memory_space<semaphore_mem>>
          %dma_start3A_288 = arith.constant 0 : i32
          %dma_start3A_289 = arith.constant 0 : i32
          %dma_start3A_290 = tpu.memref_slice %arg9[%run_scoped3A_174, %dma_start3A_288, %dma_start3A_289] : memref<8x128x16xf32, #tpu.memory_space<vmem>> -> memref<1x128x16xf32, #tpu.memory_space<vmem>>
          %dma_start3A_291 = tpu.memref_squeeze %dma_start3A_290 : memref<1x128x16xf32, #tpu.memory_space<vmem>> -> memref<128x16xf32, #tpu.memory_space<vmem>>
          %dma_start3A_292 = arith.constant 0 : i32
          %dma_start3A_293 = tpu.memref_slice %arg8[%add3A_162, %dma_start3A_292] : memref<72x128xi32, #tpu.memory_space<vmem>> -> memref<1x128xi32, #tpu.memory_space<vmem>>
          %dma_start3A_294 = tpu.memref_squeeze %dma_start3A_293 : memref<1x128xi32, #tpu.memory_space<vmem>> -> memref<128xi32, #tpu.memory_space<vmem>>
          %dma_start3A_295 = arith.constant 0 : i32
          %dma_start3A_296 = arith.constant 0 : i32
          %dma_start3A_297 = tpu.memref_slice %arg10[%dma_start3A_295, %dma_start3A_296] : memref<10240x16xf32, #tpu.memory_space<vmem_shared>> -> memref<10240x16xf32, #tpu.memory_space<vmem_shared>>
          tpu.enqueue_indirect_dma source(%dma_start3A_291 : memref<128x16xf32, #tpu.memory_space<vmem>>) target(%dma_start3A_297 : memref<10240x16xf32, #tpu.memory_space<vmem_shared>>) offsets(%dma_start3A_294 : memref<128xi32, #tpu.memory_space<vmem>>) semaphore(%run_scoped3A_287 : memref<!tpu.dma_semaphore, #tpu.memory_space<semaphore_mem>>) {add = true}
          %dma_wait3A_298 = arith.constant 0 : i32
          %dma_wait3A_299 = arith.constant 0 : i32
          %dma_wait3A_300 = tpu.memref_slice %arg9[%run_scoped3A_174, %dma_wait3A_298, %dma_wait3A_299] : memref<8x128x16xf32, #tpu.memory_space<vmem>> -> memref<1x128x16xf32, #tpu.memory_space<vmem>>
          %dma_wait3A_301 = tpu.memref_squeeze %dma_wait3A_300 : memref<1x128x16xf32, #tpu.memory_space<vmem>> -> memref<128x16xf32, #tpu.memory_space<vmem>>
          %dma_wait3A_302 = arith.constant 0 : i32
          %dma_wait3A_303 = tpu.memref_slice %arg8[%add3A_162, %dma_wait3A_302] : memref<72x128xi32, #tpu.memory_space<vmem>> -> memref<1x128xi32, #tpu.memory_space<vmem>>
          %dma_wait3A_304 = tpu.memref_squeeze %dma_wait3A_303 : memref<1x128xi32, #tpu.memory_space<vmem>> -> memref<128xi32, #tpu.memory_space<vmem>>
          %dma_wait3A_305 = arith.constant 0 : i32
          %dma_wait3A_306 = arith.constant 0 : i32
          %dma_wait3A_307 = tpu.memref_slice %arg10[%dma_wait3A_305, %dma_wait3A_306] : memref<10240x16xf32, #tpu.memory_space<vmem_shared>> -> memref<10240x16xf32, #tpu.memory_space<vmem_shared>>
          tpu.wait_indirect_dma semaphore(%run_scoped3A_287 : memref<!tpu.dma_semaphore, #tpu.memory_space<semaphore_mem>>) src(%dma_wait3A_301 : memref<128x16xf32, #tpu.memory_space<vmem>>) dst(%dma_wait3A_307 : memref<10240x16xf32, #tpu.memory_space<vmem_shared>>)
          tpu.yield
        }) : () -> ()
        %add3A_175 = arith.constant 8 : i32
        %add3A_176 = arith.addi %add3A_162, %add3A_175 : i32
        %lt3A_177 = arith.constant 16 : i32
        %lt3A_178 = arith.cmpi slt, %add3A_176, %lt3A_177 : i32
        %convert_element_type3A_179 = arith.extui %lt3A_178 : i1 to i32
        %cond3A_180 = arith.constant 0 : i32
        %cond3A_181 = arith.cmpi ne, %convert_element_type3A_179, %cond3A_180 : i32
        scf.if %cond3A_181 {
          %add3A_287 = arith.constant 8 : i32
          %add3A_288 = arith.addi %add3A_162, %add3A_287 : i32
          %dma_start3A_289 = arith.constant 2 : i32
          %dma_start3A_290 = arith.constant 0 : i32
          %dma_start3A_291 = arith.constant 0 : i32
          %dma_start3A_292 = tpu.memref_slice %arg9[%dma_start3A_289, %dma_start3A_290, %dma_start3A_291] : memref<8x128x16xf32, #tpu.memory_space<vmem>> -> memref<1x128x16xf32, #tpu.memory_space<vmem>>
          %dma_start3A_293 = tpu.memref_squeeze %dma_start3A_292 : memref<1x128x16xf32, #tpu.memory_space<vmem>> -> memref<128x16xf32, #tpu.memory_space<vmem>>
          %dma_start3A_294 = arith.constant 0 : i32
          %dma_start3A_295 = tpu.memref_slice %arg7[%add3A_288, %dma_start3A_294] : memref<72x128xi32, #tpu.memory_space<vmem>> -> memref<1x128xi32, #tpu.memory_space<vmem>>
          %dma_start3A_296 = tpu.memref_squeeze %dma_start3A_295 : memref<1x128xi32, #tpu.memory_space<vmem>> -> memref<128xi32, #tpu.memory_space<vmem>>
          %dma_start3A_297 = arith.constant 0 : i32
          %dma_start3A_298 = arith.constant 0 : i32
          %dma_start3A_299 = tpu.memref_slice %arg2[%dma_start3A_297, %dma_start3A_298] : memref<10240x16xf32, #tpu.memory_space<hbm>> -> memref<10240x16xf32, #tpu.memory_space<hbm>>
          tpu.enqueue_indirect_dma source(%dma_start3A_299 : memref<10240x16xf32, #tpu.memory_space<hbm>>) target(%dma_start3A_293 : memref<128x16xf32, #tpu.memory_space<vmem>>) offsets(%dma_start3A_296 : memref<128xi32, #tpu.memory_space<vmem>>) semaphore(%arg13 : memref<!tpu.dma_semaphore, #tpu.memory_space<semaphore_mem>>)
        } else {
        }
        %add3A_182 = arith.constant 3 : i32
        %add3A_183 = arith.addi %mul3A_121, %add3A_182 : i32
        %dma_wait3A_184 = arith.constant 3 : i32
        %dma_wait3A_185 = arith.constant 0 : i32
        %dma_wait3A_186 = arith.constant 0 : i32
        %dma_wait3A_187 = tpu.memref_slice %arg9[%dma_wait3A_184, %dma_wait3A_185, %dma_wait3A_186] : memref<8x128x16xf32, #tpu.memory_space<vmem>> -> memref<1x128x16xf32, #tpu.memory_space<vmem>>
        %dma_wait3A_188 = tpu.memref_squeeze %dma_wait3A_187 : memref<1x128x16xf32, #tpu.memory_space<vmem>> -> memref<128x16xf32, #tpu.memory_space<vmem>>
        %dma_wait3A_189 = arith.constant 0 : i32
        %dma_wait3A_190 = tpu.memref_slice %arg7[%add3A_183, %dma_wait3A_189] : memref<72x128xi32, #tpu.memory_space<vmem>> -> memref<1x128xi32, #tpu.memory_space<vmem>>
        %dma_wait3A_191 = tpu.memref_squeeze %dma_wait3A_190 : memref<1x128xi32, #tpu.memory_space<vmem>> -> memref<128xi32, #tpu.memory_space<vmem>>
        %dma_wait3A_192 = arith.constant 0 : i32
        %dma_wait3A_193 = arith.constant 0 : i32
        %dma_wait3A_194 = tpu.memref_slice %arg2[%dma_wait3A_192, %dma_wait3A_193] : memref<10240x16xf32, #tpu.memory_space<hbm>> -> memref<10240x16xf32, #tpu.memory_space<hbm>>
        tpu.wait_indirect_dma semaphore(%arg14 : memref<!tpu.dma_semaphore, #tpu.memory_space<semaphore_mem>>) src(%dma_wait3A_194 : memref<10240x16xf32, #tpu.memory_space<hbm>>) dst(%dma_wait3A_188 : memref<128x16xf32, #tpu.memory_space<vmem>>)
        %run_scoped3A_195 = arith.constant 3 : i32
        "tpu.region"() ({
          %run_scoped3A_287 = tpu.sem_alloc : memref<!tpu.dma_semaphore, #tpu.memory_space<semaphore_mem>>
          %dma_start3A_288 = arith.constant 0 : i32
          %dma_start3A_289 = arith.constant 0 : i32
          %dma_start3A_290 = tpu.memref_slice %arg9[%run_scoped3A_195, %dma_start3A_288, %dma_start3A_289] : memref<8x128x16xf32, #tpu.memory_space<vmem>> -> memref<1x128x16xf32, #tpu.memory_space<vmem>>
          %dma_start3A_291 = tpu.memref_squeeze %dma_start3A_290 : memref<1x128x16xf32, #tpu.memory_space<vmem>> -> memref<128x16xf32, #tpu.memory_space<vmem>>
          %dma_start3A_292 = arith.constant 0 : i32
          %dma_start3A_293 = tpu.memref_slice %arg8[%add3A_183, %dma_start3A_292] : memref<72x128xi32, #tpu.memory_space<vmem>> -> memref<1x128xi32, #tpu.memory_space<vmem>>
          %dma_start3A_294 = tpu.memref_squeeze %dma_start3A_293 : memref<1x128xi32, #tpu.memory_space<vmem>> -> memref<128xi32, #tpu.memory_space<vmem>>
          %dma_start3A_295 = arith.constant 0 : i32
          %dma_start3A_296 = arith.constant 0 : i32
          %dma_start3A_297 = tpu.memref_slice %arg10[%dma_start3A_295, %dma_start3A_296] : memref<10240x16xf32, #tpu.memory_space<vmem_shared>> -> memref<10240x16xf32, #tpu.memory_space<vmem_shared>>
          tpu.enqueue_indirect_dma source(%dma_start3A_291 : memref<128x16xf32, #tpu.memory_space<vmem>>) target(%dma_start3A_297 : memref<10240x16xf32, #tpu.memory_space<vmem_shared>>) offsets(%dma_start3A_294 : memref<128xi32, #tpu.memory_space<vmem>>) semaphore(%run_scoped3A_287 : memref<!tpu.dma_semaphore, #tpu.memory_space<semaphore_mem>>) {add = true}
          %dma_wait3A_298 = arith.constant 0 : i32
          %dma_wait3A_299 = arith.constant 0 : i32
          %dma_wait3A_300 = tpu.memref_slice %arg9[%run_scoped3A_195, %dma_wait3A_298, %dma_wait3A_299] : memref<8x128x16xf32, #tpu.memory_space<vmem>> -> memref<1x128x16xf32, #tpu.memory_space<vmem>>
          %dma_wait3A_301 = tpu.memref_squeeze %dma_wait3A_300 : memref<1x128x16xf32, #tpu.memory_space<vmem>> -> memref<128x16xf32, #tpu.memory_space<vmem>>
          %dma_wait3A_302 = arith.constant 0 : i32
          %dma_wait3A_303 = tpu.memref_slice %arg8[%add3A_183, %dma_wait3A_302] : memref<72x128xi32, #tpu.memory_space<vmem>> -> memref<1x128xi32, #tpu.memory_space<vmem>>
          %dma_wait3A_304 = tpu.memref_squeeze %dma_wait3A_303 : memref<1x128xi32, #tpu.memory_space<vmem>> -> memref<128xi32, #tpu.memory_space<vmem>>
          %dma_wait3A_305 = arith.constant 0 : i32
          %dma_wait3A_306 = arith.constant 0 : i32
          %dma_wait3A_307 = tpu.memref_slice %arg10[%dma_wait3A_305, %dma_wait3A_306] : memref<10240x16xf32, #tpu.memory_space<vmem_shared>> -> memref<10240x16xf32, #tpu.memory_space<vmem_shared>>
          tpu.wait_indirect_dma semaphore(%run_scoped3A_287 : memref<!tpu.dma_semaphore, #tpu.memory_space<semaphore_mem>>) src(%dma_wait3A_301 : memref<128x16xf32, #tpu.memory_space<vmem>>) dst(%dma_wait3A_307 : memref<10240x16xf32, #tpu.memory_space<vmem_shared>>)
          tpu.yield
        }) : () -> ()
        %add3A_196 = arith.constant 8 : i32
        %add3A_197 = arith.addi %add3A_183, %add3A_196 : i32
        %lt3A_198 = arith.constant 16 : i32
        %lt3A_199 = arith.cmpi slt, %add3A_197, %lt3A_198 : i32
        %convert_element_type3A_200 = arith.extui %lt3A_199 : i1 to i32
        %cond3A_201 = arith.constant 0 : i32
        %cond3A_202 = arith.cmpi ne, %convert_element_type3A_200, %cond3A_201 : i32
        scf.if %cond3A_202 {
          %add3A_287 = arith.constant 8 : i32
          %add3A_288 = arith.addi %add3A_183, %add3A_287 : i32
          %dma_start3A_289 = arith.constant 3 : i32
          %dma_start3A_290 = arith.constant 0 : i32
          %dma_start3A_291 = arith.constant 0 : i32
          %dma_start3A_292 = tpu.memref_slice %arg9[%dma_start3A_289, %dma_start3A_290, %dma_start3A_291] : memref<8x128x16xf32, #tpu.memory_space<vmem>> -> memref<1x128x16xf32, #tpu.memory_space<vmem>>
          %dma_start3A_293 = tpu.memref_squeeze %dma_start3A_292 : memref<1x128x16xf32, #tpu.memory_space<vmem>> -> memref<128x16xf32, #tpu.memory_space<vmem>>
          %dma_start3A_294 = arith.constant 0 : i32
          %dma_start3A_295 = tpu.memref_slice %arg7[%add3A_288, %dma_start3A_294] : memref<72x128xi32, #tpu.memory_space<vmem>> -> memref<1x128xi32, #tpu.memory_space<vmem>>
          %dma_start3A_296 = tpu.memref_squeeze %dma_start3A_295 : memref<1x128xi32, #tpu.memory_space<vmem>> -> memref<128xi32, #tpu.memory_space<vmem>>
          %dma_start3A_297 = arith.constant 0 : i32
          %dma_start3A_298 = arith.constant 0 : i32
          %dma_start3A_299 = tpu.memref_slice %arg2[%dma_start3A_297, %dma_start3A_298] : memref<10240x16xf32, #tpu.memory_space<hbm>> -> memref<10240x16xf32, #tpu.memory_space<hbm>>
          tpu.enqueue_indirect_dma source(%dma_start3A_299 : memref<10240x16xf32, #tpu.memory_space<hbm>>) target(%dma_start3A_293 : memref<128x16xf32, #tpu.memory_space<vmem>>) offsets(%dma_start3A_296 : memref<128xi32, #tpu.memory_space<vmem>>) semaphore(%arg14 : memref<!tpu.dma_semaphore, #tpu.memory_space<semaphore_mem>>)
        } else {
        }
        %add3A_203 = arith.constant 4 : i32
        %add3A_204 = arith.addi %mul3A_121, %add3A_203 : i32
        %dma_wait3A_205 = arith.constant 4 : i32
        %dma_wait3A_206 = arith.constant 0 : i32
        %dma_wait3A_207 = arith.constant 0 : i32
        %dma_wait3A_208 = tpu.memref_slice %arg9[%dma_wait3A_205, %dma_wait3A_206, %dma_wait3A_207] : memref<8x128x16xf32, #tpu.memory_space<vmem>> -> memref<1x128x16xf32, #tpu.memory_space<vmem>>
        %dma_wait3A_209 = tpu.memref_squeeze %dma_wait3A_208 : memref<1x128x16xf32, #tpu.memory_space<vmem>> -> memref<128x16xf32, #tpu.memory_space<vmem>>
        %dma_wait3A_210 = arith.constant 0 : i32
        %dma_wait3A_211 = tpu.memref_slice %arg7[%add3A_204, %dma_wait3A_210] : memref<72x128xi32, #tpu.memory_space<vmem>> -> memref<1x128xi32, #tpu.memory_space<vmem>>
        %dma_wait3A_212 = tpu.memref_squeeze %dma_wait3A_211 : memref<1x128xi32, #tpu.memory_space<vmem>> -> memref<128xi32, #tpu.memory_space<vmem>>
        %dma_wait3A_213 = arith.constant 0 : i32
        %dma_wait3A_214 = arith.constant 0 : i32
        %dma_wait3A_215 = tpu.memref_slice %arg2[%dma_wait3A_213, %dma_wait3A_214] : memref<10240x16xf32, #tpu.memory_space<hbm>> -> memref<10240x16xf32, #tpu.memory_space<hbm>>
        tpu.wait_indirect_dma semaphore(%arg15 : memref<!tpu.dma_semaphore, #tpu.memory_space<semaphore_mem>>) src(%dma_wait3A_215 : memref<10240x16xf32, #tpu.memory_space<hbm>>) dst(%dma_wait3A_209 : memref<128x16xf32, #tpu.memory_space<vmem>>)
        %run_scoped3A_216 = arith.constant 4 : i32
        "tpu.region"() ({
          %run_scoped3A_287 = tpu.sem_alloc : memref<!tpu.dma_semaphore, #tpu.memory_space<semaphore_mem>>
          %dma_start3A_288 = arith.constant 0 : i32
          %dma_start3A_289 = arith.constant 0 : i32
          %dma_start3A_290 = tpu.memref_slice %arg9[%run_scoped3A_216, %dma_start3A_288, %dma_start3A_289] : memref<8x128x16xf32, #tpu.memory_space<vmem>> -> memref<1x128x16xf32, #tpu.memory_space<vmem>>
          %dma_start3A_291 = tpu.memref_squeeze %dma_start3A_290 : memref<1x128x16xf32, #tpu.memory_space<vmem>> -> memref<128x16xf32, #tpu.memory_space<vmem>>
          %dma_start3A_292 = arith.constant 0 : i32
          %dma_start3A_293 = tpu.memref_slice %arg8[%add3A_204, %dma_start3A_292] : memref<72x128xi32, #tpu.memory_space<vmem>> -> memref<1x128xi32, #tpu.memory_space<vmem>>
          %dma_start3A_294 = tpu.memref_squeeze %dma_start3A_293 : memref<1x128xi32, #tpu.memory_space<vmem>> -> memref<128xi32, #tpu.memory_space<vmem>>
          %dma_start3A_295 = arith.constant 0 : i32
          %dma_start3A_296 = arith.constant 0 : i32
          %dma_start3A_297 = tpu.memref_slice %arg10[%dma_start3A_295, %dma_start3A_296] : memref<10240x16xf32, #tpu.memory_space<vmem_shared>> -> memref<10240x16xf32, #tpu.memory_space<vmem_shared>>
          tpu.enqueue_indirect_dma source(%dma_start3A_291 : memref<128x16xf32, #tpu.memory_space<vmem>>) target(%dma_start3A_297 : memref<10240x16xf32, #tpu.memory_space<vmem_shared>>) offsets(%dma_start3A_294 : memref<128xi32, #tpu.memory_space<vmem>>) semaphore(%run_scoped3A_287 : memref<!tpu.dma_semaphore, #tpu.memory_space<semaphore_mem>>) {add = true}
          %dma_wait3A_298 = arith.constant 0 : i32
          %dma_wait3A_299 = arith.constant 0 : i32
          %dma_wait3A_300 = tpu.memref_slice %arg9[%run_scoped3A_216, %dma_wait3A_298, %dma_wait3A_299] : memref<8x128x16xf32, #tpu.memory_space<vmem>> -> memref<1x128x16xf32, #tpu.memory_space<vmem>>
          %dma_wait3A_301 = tpu.memref_squeeze %dma_wait3A_300 : memref<1x128x16xf32, #tpu.memory_space<vmem>> -> memref<128x16xf32, #tpu.memory_space<vmem>>
          %dma_wait3A_302 = arith.constant 0 : i32
          %dma_wait3A_303 = tpu.memref_slice %arg8[%add3A_204, %dma_wait3A_302] : memref<72x128xi32, #tpu.memory_space<vmem>> -> memref<1x128xi32, #tpu.memory_space<vmem>>
          %dma_wait3A_304 = tpu.memref_squeeze %dma_wait3A_303 : memref<1x128xi32, #tpu.memory_space<vmem>> -> memref<128xi32, #tpu.memory_space<vmem>>
          %dma_wait3A_305 = arith.constant 0 : i32
          %dma_wait3A_306 = arith.constant 0 : i32
          %dma_wait3A_307 = tpu.memref_slice %arg10[%dma_wait3A_305, %dma_wait3A_306] : memref<10240x16xf32, #tpu.memory_space<vmem_shared>> -> memref<10240x16xf32, #tpu.memory_space<vmem_shared>>
          tpu.wait_indirect_dma semaphore(%run_scoped3A_287 : memref<!tpu.dma_semaphore, #tpu.memory_space<semaphore_mem>>) src(%dma_wait3A_301 : memref<128x16xf32, #tpu.memory_space<vmem>>) dst(%dma_wait3A_307 : memref<10240x16xf32, #tpu.memory_space<vmem_shared>>)
          tpu.yield
        }) : () -> ()
        %add3A_217 = arith.constant 8 : i32
        %add3A_218 = arith.addi %add3A_204, %add3A_217 : i32
        %lt3A_219 = arith.constant 16 : i32
        %lt3A_220 = arith.cmpi slt, %add3A_218, %lt3A_219 : i32
        %convert_element_type3A_221 = arith.extui %lt3A_220 : i1 to i32
        %cond3A_222 = arith.constant 0 : i32
        %cond3A_223 = arith.cmpi ne, %convert_element_type3A_221, %cond3A_222 : i32
        scf.if %cond3A_223 {
          %add3A_287 = arith.constant 8 : i32
          %add3A_288 = arith.addi %add3A_204, %add3A_287 : i32
          %dma_start3A_289 = arith.constant 4 : i32
          %dma_start3A_290 = arith.constant 0 : i32
          %dma_start3A_291 = arith.constant 0 : i32
          %dma_start3A_292 = tpu.memref_slice %arg9[%dma_start3A_289, %dma_start3A_290, %dma_start3A_291] : memref<8x128x16xf32, #tpu.memory_space<vmem>> -> memref<1x128x16xf32, #tpu.memory_space<vmem>>
          %dma_start3A_293 = tpu.memref_squeeze %dma_start3A_292 : memref<1x128x16xf32, #tpu.memory_space<vmem>> -> memref<128x16xf32, #tpu.memory_space<vmem>>
          %dma_start3A_294 = arith.constant 0 : i32
          %dma_start3A_295 = tpu.memref_slice %arg7[%add3A_288, %dma_start3A_294] : memref<72x128xi32, #tpu.memory_space<vmem>> -> memref<1x128xi32, #tpu.memory_space<vmem>>
          %dma_start3A_296 = tpu.memref_squeeze %dma_start3A_295 : memref<1x128xi32, #tpu.memory_space<vmem>> -> memref<128xi32, #tpu.memory_space<vmem>>
          %dma_start3A_297 = arith.constant 0 : i32
          %dma_start3A_298 = arith.constant 0 : i32
          %dma_start3A_299 = tpu.memref_slice %arg2[%dma_start3A_297, %dma_start3A_298] : memref<10240x16xf32, #tpu.memory_space<hbm>> -> memref<10240x16xf32, #tpu.memory_space<hbm>>
          tpu.enqueue_indirect_dma source(%dma_start3A_299 : memref<10240x16xf32, #tpu.memory_space<hbm>>) target(%dma_start3A_293 : memref<128x16xf32, #tpu.memory_space<vmem>>) offsets(%dma_start3A_296 : memref<128xi32, #tpu.memory_space<vmem>>) semaphore(%arg15 : memref<!tpu.dma_semaphore, #tpu.memory_space<semaphore_mem>>)
        } else {
        }
        %add3A_224 = arith.constant 5 : i32
        %add3A_225 = arith.addi %mul3A_121, %add3A_224 : i32
        %dma_wait3A_226 = arith.constant 5 : i32
        %dma_wait3A_227 = arith.constant 0 : i32
        %dma_wait3A_228 = arith.constant 0 : i32
        %dma_wait3A_229 = tpu.memref_slice %arg9[%dma_wait3A_226, %dma_wait3A_227, %dma_wait3A_228] : memref<8x128x16xf32, #tpu.memory_space<vmem>> -> memref<1x128x16xf32, #tpu.memory_space<vmem>>
        %dma_wait3A_230 = tpu.memref_squeeze %dma_wait3A_229 : memref<1x128x16xf32, #tpu.memory_space<vmem>> -> memref<128x16xf32, #tpu.memory_space<vmem>>
        %dma_wait3A_231 = arith.constant 0 : i32
        %dma_wait3A_232 = tpu.memref_slice %arg7[%add3A_225, %dma_wait3A_231] : memref<72x128xi32, #tpu.memory_space<vmem>> -> memref<1x128xi32, #tpu.memory_space<vmem>>
        %dma_wait3A_233 = tpu.memref_squeeze %dma_wait3A_232 : memref<1x128xi32, #tpu.memory_space<vmem>> -> memref<128xi32, #tpu.memory_space<vmem>>
        %dma_wait3A_234 = arith.constant 0 : i32
        %dma_wait3A_235 = arith.constant 0 : i32
        %dma_wait3A_236 = tpu.memref_slice %arg2[%dma_wait3A_234, %dma_wait3A_235] : memref<10240x16xf32, #tpu.memory_space<hbm>> -> memref<10240x16xf32, #tpu.memory_space<hbm>>
        tpu.wait_indirect_dma semaphore(%arg16 : memref<!tpu.dma_semaphore, #tpu.memory_space<semaphore_mem>>) src(%dma_wait3A_236 : memref<10240x16xf32, #tpu.memory_space<hbm>>) dst(%dma_wait3A_230 : memref<128x16xf32, #tpu.memory_space<vmem>>)
        %run_scoped3A_237 = arith.constant 5 : i32
        "tpu.region"() ({
          %run_scoped3A_287 = tpu.sem_alloc : memref<!tpu.dma_semaphore, #tpu.memory_space<semaphore_mem>>
          %dma_start3A_288 = arith.constant 0 : i32
          %dma_start3A_289 = arith.constant 0 : i32
          %dma_start3A_290 = tpu.memref_slice %arg9[%run_scoped3A_237, %dma_start3A_288, %dma_start3A_289] : memref<8x128x16xf32, #tpu.memory_space<vmem>> -> memref<1x128x16xf32, #tpu.memory_space<vmem>>
          %dma_start3A_291 = tpu.memref_squeeze %dma_start3A_290 : memref<1x128x16xf32, #tpu.memory_space<vmem>> -> memref<128x16xf32, #tpu.memory_space<vmem>>
          %dma_start3A_292 = arith.constant 0 : i32
          %dma_start3A_293 = tpu.memref_slice %arg8[%add3A_225, %dma_start3A_292] : memref<72x128xi32, #tpu.memory_space<vmem>> -> memref<1x128xi32, #tpu.memory_space<vmem>>
          %dma_start3A_294 = tpu.memref_squeeze %dma_start3A_293 : memref<1x128xi32, #tpu.memory_space<vmem>> -> memref<128xi32, #tpu.memory_space<vmem>>
          %dma_start3A_295 = arith.constant 0 : i32
          %dma_start3A_296 = arith.constant 0 : i32
          %dma_start3A_297 = tpu.memref_slice %arg10[%dma_start3A_295, %dma_start3A_296] : memref<10240x16xf32, #tpu.memory_space<vmem_shared>> -> memref<10240x16xf32, #tpu.memory_space<vmem_shared>>
          tpu.enqueue_indirect_dma source(%dma_start3A_291 : memref<128x16xf32, #tpu.memory_space<vmem>>) target(%dma_start3A_297 : memref<10240x16xf32, #tpu.memory_space<vmem_shared>>) offsets(%dma_start3A_294 : memref<128xi32, #tpu.memory_space<vmem>>) semaphore(%run_scoped3A_287 : memref<!tpu.dma_semaphore, #tpu.memory_space<semaphore_mem>>) {add = true}
          %dma_wait3A_298 = arith.constant 0 : i32
          %dma_wait3A_299 = arith.constant 0 : i32
          %dma_wait3A_300 = tpu.memref_slice %arg9[%run_scoped3A_237, %dma_wait3A_298, %dma_wait3A_299] : memref<8x128x16xf32, #tpu.memory_space<vmem>> -> memref<1x128x16xf32, #tpu.memory_space<vmem>>
          %dma_wait3A_301 = tpu.memref_squeeze %dma_wait3A_300 : memref<1x128x16xf32, #tpu.memory_space<vmem>> -> memref<128x16xf32, #tpu.memory_space<vmem>>
          %dma_wait3A_302 = arith.constant 0 : i32
          %dma_wait3A_303 = tpu.memref_slice %arg8[%add3A_225, %dma_wait3A_302] : memref<72x128xi32, #tpu.memory_space<vmem>> -> memref<1x128xi32, #tpu.memory_space<vmem>>
          %dma_wait3A_304 = tpu.memref_squeeze %dma_wait3A_303 : memref<1x128xi32, #tpu.memory_space<vmem>> -> memref<128xi32, #tpu.memory_space<vmem>>
          %dma_wait3A_305 = arith.constant 0 : i32
          %dma_wait3A_306 = arith.constant 0 : i32
          %dma_wait3A_307 = tpu.memref_slice %arg10[%dma_wait3A_305, %dma_wait3A_306] : memref<10240x16xf32, #tpu.memory_space<vmem_shared>> -> memref<10240x16xf32, #tpu.memory_space<vmem_shared>>
          tpu.wait_indirect_dma semaphore(%run_scoped3A_287 : memref<!tpu.dma_semaphore, #tpu.memory_space<semaphore_mem>>) src(%dma_wait3A_301 : memref<128x16xf32, #tpu.memory_space<vmem>>) dst(%dma_wait3A_307 : memref<10240x16xf32, #tpu.memory_space<vmem_shared>>)
          tpu.yield
        }) : () -> ()
        %add3A_238 = arith.constant 8 : i32
        %add3A_239 = arith.addi %add3A_225, %add3A_238 : i32
        %lt3A_240 = arith.constant 16 : i32
        %lt3A_241 = arith.cmpi slt, %add3A_239, %lt3A_240 : i32
        %convert_element_type3A_242 = arith.extui %lt3A_241 : i1 to i32
        %cond3A_243 = arith.constant 0 : i32
        %cond3A_244 = arith.cmpi ne, %convert_element_type3A_242, %cond3A_243 : i32
        scf.if %cond3A_244 {
          %add3A_287 = arith.constant 8 : i32
          %add3A_288 = arith.addi %add3A_225, %add3A_287 : i32
          %dma_start3A_289 = arith.constant 5 : i32
          %dma_start3A_290 = arith.constant 0 : i32
          %dma_start3A_291 = arith.constant 0 : i32
          %dma_start3A_292 = tpu.memref_slice %arg9[%dma_start3A_289, %dma_start3A_290, %dma_start3A_291] : memref<8x128x16xf32, #tpu.memory_space<vmem>> -> memref<1x128x16xf32, #tpu.memory_space<vmem>>
          %dma_start3A_293 = tpu.memref_squeeze %dma_start3A_292 : memref<1x128x16xf32, #tpu.memory_space<vmem>> -> memref<128x16xf32, #tpu.memory_space<vmem>>
          %dma_start3A_294 = arith.constant 0 : i32
          %dma_start3A_295 = tpu.memref_slice %arg7[%add3A_288, %dma_start3A_294] : memref<72x128xi32, #tpu.memory_space<vmem>> -> memref<1x128xi32, #tpu.memory_space<vmem>>
          %dma_start3A_296 = tpu.memref_squeeze %dma_start3A_295 : memref<1x128xi32, #tpu.memory_space<vmem>> -> memref<128xi32, #tpu.memory_space<vmem>>
          %dma_start3A_297 = arith.constant 0 : i32
          %dma_start3A_298 = arith.constant 0 : i32
          %dma_start3A_299 = tpu.memref_slice %arg2[%dma_start3A_297, %dma_start3A_298] : memref<10240x16xf32, #tpu.memory_space<hbm>> -> memref<10240x16xf32, #tpu.memory_space<hbm>>
          tpu.enqueue_indirect_dma source(%dma_start3A_299 : memref<10240x16xf32, #tpu.memory_space<hbm>>) target(%dma_start3A_293 : memref<128x16xf32, #tpu.memory_space<vmem>>) offsets(%dma_start3A_296 : memref<128xi32, #tpu.memory_space<vmem>>) semaphore(%arg16 : memref<!tpu.dma_semaphore, #tpu.memory_space<semaphore_mem>>)
        } else {
        }
        %add3A_245 = arith.constant 6 : i32
        %add3A_246 = arith.addi %mul3A_121, %add3A_245 : i32
        %dma_wait3A_247 = arith.constant 6 : i32
        %dma_wait3A_248 = arith.constant 0 : i32
        %dma_wait3A_249 = arith.constant 0 : i32
        %dma_wait3A_250 = tpu.memref_slice %arg9[%dma_wait3A_247, %dma_wait3A_248, %dma_wait3A_249] : memref<8x128x16xf32, #tpu.memory_space<vmem>> -> memref<1x128x16xf32, #tpu.memory_space<vmem>>
        %dma_wait3A_251 = tpu.memref_squeeze %dma_wait3A_250 : memref<1x128x16xf32, #tpu.memory_space<vmem>> -> memref<128x16xf32, #tpu.memory_space<vmem>>
        %dma_wait3A_252 = arith.constant 0 : i32
        %dma_wait3A_253 = tpu.memref_slice %arg7[%add3A_246, %dma_wait3A_252] : memref<72x128xi32, #tpu.memory_space<vmem>> -> memref<1x128xi32, #tpu.memory_space<vmem>>
        %dma_wait3A_254 = tpu.memref_squeeze %dma_wait3A_253 : memref<1x128xi32, #tpu.memory_space<vmem>> -> memref<128xi32, #tpu.memory_space<vmem>>
        %dma_wait3A_255 = arith.constant 0 : i32
        %dma_wait3A_256 = arith.constant 0 : i32
        %dma_wait3A_257 = tpu.memref_slice %arg2[%dma_wait3A_255, %dma_wait3A_256] : memref<10240x16xf32, #tpu.memory_space<hbm>> -> memref<10240x16xf32, #tpu.memory_space<hbm>>
        tpu.wait_indirect_dma semaphore(%arg17 : memref<!tpu.dma_semaphore, #tpu.memory_space<semaphore_mem>>) src(%dma_wait3A_257 : memref<10240x16xf32, #tpu.memory_space<hbm>>) dst(%dma_wait3A_251 : memref<128x16xf32, #tpu.memory_space<vmem>>)
        %run_scoped3A_258 = arith.constant 6 : i32
        "tpu.region"() ({
          %run_scoped3A_287 = tpu.sem_alloc : memref<!tpu.dma_semaphore, #tpu.memory_space<semaphore_mem>>
          %dma_start3A_288 = arith.constant 0 : i32
          %dma_start3A_289 = arith.constant 0 : i32
          %dma_start3A_290 = tpu.memref_slice %arg9[%run_scoped3A_258, %dma_start3A_288, %dma_start3A_289] : memref<8x128x16xf32, #tpu.memory_space<vmem>> -> memref<1x128x16xf32, #tpu.memory_space<vmem>>
          %dma_start3A_291 = tpu.memref_squeeze %dma_start3A_290 : memref<1x128x16xf32, #tpu.memory_space<vmem>> -> memref<128x16xf32, #tpu.memory_space<vmem>>
          %dma_start3A_292 = arith.constant 0 : i32
          %dma_start3A_293 = tpu.memref_slice %arg8[%add3A_246, %dma_start3A_292] : memref<72x128xi32, #tpu.memory_space<vmem>> -> memref<1x128xi32, #tpu.memory_space<vmem>>
          %dma_start3A_294 = tpu.memref_squeeze %dma_start3A_293 : memref<1x128xi32, #tpu.memory_space<vmem>> -> memref<128xi32, #tpu.memory_space<vmem>>
          %dma_start3A_295 = arith.constant 0 : i32
          %dma_start3A_296 = arith.constant 0 : i32
          %dma_start3A_297 = tpu.memref_slice %arg10[%dma_start3A_295, %dma_start3A_296] : memref<10240x16xf32, #tpu.memory_space<vmem_shared>> -> memref<10240x16xf32, #tpu.memory_space<vmem_shared>>
          tpu.enqueue_indirect_dma source(%dma_start3A_291 : memref<128x16xf32, #tpu.memory_space<vmem>>) target(%dma_start3A_297 : memref<10240x16xf32, #tpu.memory_space<vmem_shared>>) offsets(%dma_start3A_294 : memref<128xi32, #tpu.memory_space<vmem>>) semaphore(%run_scoped3A_287 : memref<!tpu.dma_semaphore, #tpu.memory_space<semaphore_mem>>) {add = true}
          %dma_wait3A_298 = arith.constant 0 : i32
          %dma_wait3A_299 = arith.constant 0 : i32
          %dma_wait3A_300 = tpu.memref_slice %arg9[%run_scoped3A_258, %dma_wait3A_298, %dma_wait3A_299] : memref<8x128x16xf32, #tpu.memory_space<vmem>> -> memref<1x128x16xf32, #tpu.memory_space<vmem>>
          %dma_wait3A_301 = tpu.memref_squeeze %dma_wait3A_300 : memref<1x128x16xf32, #tpu.memory_space<vmem>> -> memref<128x16xf32, #tpu.memory_space<vmem>>
          %dma_wait3A_302 = arith.constant 0 : i32
          %dma_wait3A_303 = tpu.memref_slice %arg8[%add3A_246, %dma_wait3A_302] : memref<72x128xi32, #tpu.memory_space<vmem>> -> memref<1x128xi32, #tpu.memory_space<vmem>>
          %dma_wait3A_304 = tpu.memref_squeeze %dma_wait3A_303 : memref<1x128xi32, #tpu.memory_space<vmem>> -> memref<128xi32, #tpu.memory_space<vmem>>
          %dma_wait3A_305 = arith.constant 0 : i32
          %dma_wait3A_306 = arith.constant 0 : i32
          %dma_wait3A_307 = tpu.memref_slice %arg10[%dma_wait3A_305, %dma_wait3A_306] : memref<10240x16xf32, #tpu.memory_space<vmem_shared>> -> memref<10240x16xf32, #tpu.memory_space<vmem_shared>>
          tpu.wait_indirect_dma semaphore(%run_scoped3A_287 : memref<!tpu.dma_semaphore, #tpu.memory_space<semaphore_mem>>) src(%dma_wait3A_301 : memref<128x16xf32, #tpu.memory_space<vmem>>) dst(%dma_wait3A_307 : memref<10240x16xf32, #tpu.memory_space<vmem_shared>>)
          tpu.yield
        }) : () -> ()
        %add3A_259 = arith.constant 8 : i32
        %add3A_260 = arith.addi %add3A_246, %add3A_259 : i32
        %lt3A_261 = arith.constant 16 : i32
        %lt3A_262 = arith.cmpi slt, %add3A_260, %lt3A_261 : i32
        %convert_element_type3A_263 = arith.extui %lt3A_262 : i1 to i32
        %cond3A_264 = arith.constant 0 : i32
        %cond3A_265 = arith.cmpi ne, %convert_element_type3A_263, %cond3A_264 : i32
        scf.if %cond3A_265 {
          %add3A_287 = arith.constant 8 : i32
          %add3A_288 = arith.addi %add3A_246, %add3A_287 : i32
          %dma_start3A_289 = arith.constant 6 : i32
          %dma_start3A_290 = arith.constant 0 : i32
          %dma_start3A_291 = arith.constant 0 : i32
          %dma_start3A_292 = tpu.memref_slice %arg9[%dma_start3A_289, %dma_start3A_290, %dma_start3A_291] : memref<8x128x16xf32, #tpu.memory_space<vmem>> -> memref<1x128x16xf32, #tpu.memory_space<vmem>>
          %dma_start3A_293 = tpu.memref_squeeze %dma_start3A_292 : memref<1x128x16xf32, #tpu.memory_space<vmem>> -> memref<128x16xf32, #tpu.memory_space<vmem>>
          %dma_start3A_294 = arith.constant 0 : i32
          %dma_start3A_295 = tpu.memref_slice %arg7[%add3A_288, %dma_start3A_294] : memref<72x128xi32, #tpu.memory_space<vmem>> -> memref<1x128xi32, #tpu.memory_space<vmem>>
          %dma_start3A_296 = tpu.memref_squeeze %dma_start3A_295 : memref<1x128xi32, #tpu.memory_space<vmem>> -> memref<128xi32, #tpu.memory_space<vmem>>
          %dma_start3A_297 = arith.constant 0 : i32
          %dma_start3A_298 = arith.constant 0 : i32
          %dma_start3A_299 = tpu.memref_slice %arg2[%dma_start3A_297, %dma_start3A_298] : memref<10240x16xf32, #tpu.memory_space<hbm>> -> memref<10240x16xf32, #tpu.memory_space<hbm>>
          tpu.enqueue_indirect_dma source(%dma_start3A_299 : memref<10240x16xf32, #tpu.memory_space<hbm>>) target(%dma_start3A_293 : memref<128x16xf32, #tpu.memory_space<vmem>>) offsets(%dma_start3A_296 : memref<128xi32, #tpu.memory_space<vmem>>) semaphore(%arg17 : memref<!tpu.dma_semaphore, #tpu.memory_space<semaphore_mem>>)
        } else {
        }
        %add3A_266 = arith.constant 7 : i32
        %add3A_267 = arith.addi %mul3A_121, %add3A_266 : i32
        %dma_wait3A_268 = arith.constant 7 : i32
        %dma_wait3A_269 = arith.constant 0 : i32
        %dma_wait3A_270 = arith.constant 0 : i32
        %dma_wait3A_271 = tpu.memref_slice %arg9[%dma_wait3A_268, %dma_wait3A_269, %dma_wait3A_270] : memref<8x128x16xf32, #tpu.memory_space<vmem>> -> memref<1x128x16xf32, #tpu.memory_space<vmem>>
        %dma_wait3A_272 = tpu.memref_squeeze %dma_wait3A_271 : memref<1x128x16xf32, #tpu.memory_space<vmem>> -> memref<128x16xf32, #tpu.memory_space<vmem>>
        %dma_wait3A_273 = arith.constant 0 : i32
        %dma_wait3A_274 = tpu.memref_slice %arg7[%add3A_267, %dma_wait3A_273] : memref<72x128xi32, #tpu.memory_space<vmem>> -> memref<1x128xi32, #tpu.memory_space<vmem>>
        %dma_wait3A_275 = tpu.memref_squeeze %dma_wait3A_274 : memref<1x128xi32, #tpu.memory_space<vmem>> -> memref<128xi32, #tpu.memory_space<vmem>>
        %dma_wait3A_276 = arith.constant 0 : i32
        %dma_wait3A_277 = arith.constant 0 : i32
        %dma_wait3A_278 = tpu.memref_slice %arg2[%dma_wait3A_276, %dma_wait3A_277] : memref<10240x16xf32, #tpu.memory_space<hbm>> -> memref<10240x16xf32, #tpu.memory_space<hbm>>
        tpu.wait_indirect_dma semaphore(%arg18 : memref<!tpu.dma_semaphore, #tpu.memory_space<semaphore_mem>>) src(%dma_wait3A_278 : memref<10240x16xf32, #tpu.memory_space<hbm>>) dst(%dma_wait3A_272 : memref<128x16xf32, #tpu.memory_space<vmem>>)
        %run_scoped3A_279 = arith.constant 7 : i32
        "tpu.region"() ({
          %run_scoped3A_287 = tpu.sem_alloc : memref<!tpu.dma_semaphore, #tpu.memory_space<semaphore_mem>>
          %dma_start3A_288 = arith.constant 0 : i32
          %dma_start3A_289 = arith.constant 0 : i32
          %dma_start3A_290 = tpu.memref_slice %arg9[%run_scoped3A_279, %dma_start3A_288, %dma_start3A_289] : memref<8x128x16xf32, #tpu.memory_space<vmem>> -> memref<1x128x16xf32, #tpu.memory_space<vmem>>
          %dma_start3A_291 = tpu.memref_squeeze %dma_start3A_290 : memref<1x128x16xf32, #tpu.memory_space<vmem>> -> memref<128x16xf32, #tpu.memory_space<vmem>>
          %dma_start3A_292 = arith.constant 0 : i32
          %dma_start3A_293 = tpu.memref_slice %arg8[%add3A_267, %dma_start3A_292] : memref<72x128xi32, #tpu.memory_space<vmem>> -> memref<1x128xi32, #tpu.memory_space<vmem>>
          %dma_start3A_294 = tpu.memref_squeeze %dma_start3A_293 : memref<1x128xi32, #tpu.memory_space<vmem>> -> memref<128xi32, #tpu.memory_space<vmem>>
          %dma_start3A_295 = arith.constant 0 : i32
          %dma_start3A_296 = arith.constant 0 : i32
          %dma_start3A_297 = tpu.memref_slice %arg10[%dma_start3A_295, %dma_start3A_296] : memref<10240x16xf32, #tpu.memory_space<vmem_shared>> -> memref<10240x16xf32, #tpu.memory_space<vmem_shared>>
          tpu.enqueue_indirect_dma source(%dma_start3A_291 : memref<128x16xf32, #tpu.memory_space<vmem>>) target(%dma_start3A_297 : memref<10240x16xf32, #tpu.memory_space<vmem_shared>>) offsets(%dma_start3A_294 : memref<128xi32, #tpu.memory_space<vmem>>) semaphore(%run_scoped3A_287 : memref<!tpu.dma_semaphore, #tpu.memory_space<semaphore_mem>>) {add = true}
          %dma_wait3A_298 = arith.constant 0 : i32
          %dma_wait3A_299 = arith.constant 0 : i32
          %dma_wait3A_300 = tpu.memref_slice %arg9[%run_scoped3A_279, %dma_wait3A_298, %dma_wait3A_299] : memref<8x128x16xf32, #tpu.memory_space<vmem>> -> memref<1x128x16xf32, #tpu.memory_space<vmem>>
          %dma_wait3A_301 = tpu.memref_squeeze %dma_wait3A_300 : memref<1x128x16xf32, #tpu.memory_space<vmem>> -> memref<128x16xf32, #tpu.memory_space<vmem>>
          %dma_wait3A_302 = arith.constant 0 : i32
          %dma_wait3A_303 = tpu.memref_slice %arg8[%add3A_267, %dma_wait3A_302] : memref<72x128xi32, #tpu.memory_space<vmem>> -> memref<1x128xi32, #tpu.memory_space<vmem>>
          %dma_wait3A_304 = tpu.memref_squeeze %dma_wait3A_303 : memref<1x128xi32, #tpu.memory_space<vmem>> -> memref<128xi32, #tpu.memory_space<vmem>>
          %dma_wait3A_305 = arith.constant 0 : i32
          %dma_wait3A_306 = arith.constant 0 : i32
          %dma_wait3A_307 = tpu.memref_slice %arg10[%dma_wait3A_305, %dma_wait3A_306] : memref<10240x16xf32, #tpu.memory_space<vmem_shared>> -> memref<10240x16xf32, #tpu.memory_space<vmem_shared>>
          tpu.wait_indirect_dma semaphore(%run_scoped3A_287 : memref<!tpu.dma_semaphore, #tpu.memory_space<semaphore_mem>>) src(%dma_wait3A_301 : memref<128x16xf32, #tpu.memory_space<vmem>>) dst(%dma_wait3A_307 : memref<10240x16xf32, #tpu.memory_space<vmem_shared>>)
          tpu.yield
        }) : () -> ()
        %add3A_280 = arith.constant 8 : i32
        %add3A_281 = arith.addi %add3A_267, %add3A_280 : i32
        %lt3A_282 = arith.constant 16 : i32
        %lt3A_283 = arith.cmpi slt, %add3A_281, %lt3A_282 : i32
        %convert_element_type3A_284 = arith.extui %lt3A_283 : i1 to i32
        %cond3A_285 = arith.constant 0 : i32
        %cond3A_286 = arith.cmpi ne, %convert_element_type3A_284, %cond3A_285 : i32
        scf.if %cond3A_286 {
          %add3A_287 = arith.constant 8 : i32
          %add3A_288 = arith.addi %add3A_267, %add3A_287 : i32
          %dma_start3A_289 = arith.constant 7 : i32
          %dma_start3A_290 = arith.constant 0 : i32
          %dma_start3A_291 = arith.constant 0 : i32
          %dma_start3A_292 = tpu.memref_slice %arg9[%dma_start3A_289, %dma_start3A_290, %dma_start3A_291] : memref<8x128x16xf32, #tpu.memory_space<vmem>> -> memref<1x128x16xf32, #tpu.memory_space<vmem>>
          %dma_start3A_293 = tpu.memref_squeeze %dma_start3A_292 : memref<1x128x16xf32, #tpu.memory_space<vmem>> -> memref<128x16xf32, #tpu.memory_space<vmem>>
          %dma_start3A_294 = arith.constant 0 : i32
          %dma_start3A_295 = tpu.memref_slice %arg7[%add3A_288, %dma_start3A_294] : memref<72x128xi32, #tpu.memory_space<vmem>> -> memref<1x128xi32, #tpu.memory_space<vmem>>
          %dma_start3A_296 = tpu.memref_squeeze %dma_start3A_295 : memref<1x128xi32, #tpu.memory_space<vmem>> -> memref<128xi32, #tpu.memory_space<vmem>>
          %dma_start3A_297 = arith.constant 0 : i32
          %dma_start3A_298 = arith.constant 0 : i32
          %dma_start3A_299 = tpu.memref_slice %arg2[%dma_start3A_297, %dma_start3A_298] : memref<10240x16xf32, #tpu.memory_space<hbm>> -> memref<10240x16xf32, #tpu.memory_space<hbm>>
          tpu.enqueue_indirect_dma source(%dma_start3A_299 : memref<10240x16xf32, #tpu.memory_space<hbm>>) target(%dma_start3A_293 : memref<128x16xf32, #tpu.memory_space<vmem>>) offsets(%dma_start3A_296 : memref<128xi32, #tpu.memory_space<vmem>>) semaphore(%arg18 : memref<!tpu.dma_semaphore, #tpu.memory_space<semaphore_mem>>)
        } else {
        }
      }
      %scan3A_114 = arith.constant 2 : i32
    } else {
    }
    %barrier3A_8 = arith.constant 0 : index
    tpu.barrier barrier_id(%barrier3A_8)
    %mul3A_9 = arith.constant 640 : i32
    %mul3A_10 = arith.muli %arg1, %mul3A_9 : i32
    %mul3A_11 = arith.constant 640 : i32
    %mul3A_12 = arith.muli %arg1, %mul3A_11 : i32
    "tpu.region"() ({
      %run_scoped3A = tpu.sem_alloc : memref<!tpu.dma_semaphore, #tpu.memory_space<semaphore_mem>>
      %dma_start3A = arith.constant 0 : i32
      %dma_start3A_13 = tpu.memref_slice %arg6[%arg0, %mul3A_12, %dma_start3A] : memref<2x10240x16xf32, #tpu.memory_space<hbm>> -> memref<1x640x16xf32, #tpu.memory_space<hbm>>
      %dma_start3A_14 = tpu.memref_squeeze %dma_start3A_13 : memref<1x640x16xf32, #tpu.memory_space<hbm>> -> memref<640x16xf32, #tpu.memory_space<hbm>>
      %dma_start3A_15 = arith.constant 0 : i32
      %dma_start3A_16 = tpu.memref_slice %arg10[%mul3A_10, %dma_start3A_15] : memref<10240x16xf32, #tpu.memory_space<vmem_shared>> -> memref<640x16xf32, #tpu.memory_space<vmem_shared>>
      tpu.enqueue_dma source(%dma_start3A_16 : memref<640x16xf32, #tpu.memory_space<vmem_shared>>) target(%dma_start3A_14 : memref<640x16xf32, #tpu.memory_space<hbm>>) target_semaphore(%run_scoped3A : memref<!tpu.dma_semaphore, #tpu.memory_space<semaphore_mem>>)
      %dma_wait3A = arith.constant 0 : i32
      %dma_wait3A_17 = tpu.memref_slice %arg6[%arg0, %mul3A_12, %dma_wait3A] : memref<2x10240x16xf32, #tpu.memory_space<hbm>> -> memref<1x640x16xf32, #tpu.memory_space<hbm>>
      %dma_wait3A_18 = tpu.memref_squeeze %dma_wait3A_17 : memref<1x640x16xf32, #tpu.memory_space<hbm>> -> memref<640x16xf32, #tpu.memory_space<hbm>>
      %dma_wait3A_19 = arith.constant 0 : i32
      %dma_wait3A_20 = tpu.memref_slice %arg10[%mul3A_10, %dma_wait3A_19] : memref<10240x16xf32, #tpu.memory_space<vmem_shared>> -> memref<640x16xf32, #tpu.memory_space<vmem_shared>>
      tpu.wait_dma2 semaphore(%run_scoped3A : memref<!tpu.dma_semaphore, #tpu.memory_space<semaphore_mem>>) src(%dma_wait3A_20 : memref<640x16xf32, #tpu.memory_space<vmem_shared>>) dst(%dma_wait3A_18 : memref<640x16xf32, #tpu.memory_space<hbm>>)
      tpu.yield
    }) : () -> ()
    return
  }
}

</mosaic_0001>

<sc_bundles>
// kernel: _sc_propagate.3.cloned.1.call-start
scs
__scs_entry_jumppad:
0x0: {  	(pc) =	sbr.rel $0x88, $3  }
0x1: {  	(tag) =	ssettag $0x0;
	lr =	simm.s32 $0x1  }
0x2: {  	[smem:$0x3F9D] =	sst lr;
	_ =	strace $0xD0000000  }
0x3: {  	_ = 	snop  }
0x4: {  	_ = 	snop  }
0x5: {  	_ = 	snop  }
0x6: {  	_ = 	snop  }
0x7: {  	_ = 	snop  }
__scs_overlays_trampoline_lowered:
0x8: {  	[smem:$0x3FAC] =	sst s0  }
0x9: {  	[smem:$0x3FAD] =	sst s1  }
0xa: {  	[smem:$0x3FAE] =	sst s2  }
0xb: {  	[smem:$0x3FAF] =	sst s3  }
0xc: {  	[smem:$0x3FB0] =	sst s4  }
0xd: {  	[smem:$0x3FB1] =	sst s5  }
0xe: {  	[smem:$0x3FB2] =	sst s6  }
0xf: {  	[smem:$0x3FB3] =	sst s7  }
0x10: {  	[smem:$0x3FB4] =	sst s8  }
0x11: {  	[smem:$0x3FB5] =	sst s9;
	s0 =	simm.s32 @!p0 $0x0  }
0x12: {  	s1 =	sld [smem:$0x3F9B];
	s0 =	simm.s32 @p0 $0x1  }
0x13: {  	[smem:$0x3FB6] =	sst s0;
	s0 =	simm.s32 @!p1 $0x0  }
0x14: {  	s2 =	sld [smem:$0x3F9A];
	s0 =	simm.s32 @p1 $0x1  }
0x15: {  	[smem:$0x3FB7] =	sst s0;
	s0 =	simm.s32 @!p2 $0x0  }
0x16: {  	s3 =	sld [smem:$0x3FDB];
	s0 =	simm.s32 @p2 $0x1  }
0x17: {  	s4 =	simm.s32 $0x1BF5;
	[smem:$0x3FB9] =	sst s0  }
0x18: {  	s0 =	sld [smem:$0x3F9C];
	_ =	swait.ge [sflag:s4], $0x0  }
0x19: {  	s7 =	sld [smem:$0x3F9D]  }
0x1a: {  	s8 =	sadd.s32 $0xFFFFE003, lr  }
0x1b: {  	s9 =	sadd.s32 $0xFFFFFEF7, lr;
	s5 =	simm.s32 $0xFFFFFFFF;
	p2 =	slt.u32 s8, $0xFFFFF086  }
0x1c: {  	p1 =	slt.u32 s9, $0xF7A;
	s5 =	simm.s32 @!p2 $0x0  }
0x1d: {  	s5 =	simm.s32 @p1 $0x1;
	p0 =	seq.s32 s7, s2  }
0x1e: {  	s7 =	smul.u32 @!p0 $0xF7A, s2;
	p2 =	seq.s32 @!p0 s5, $0x0  }
0x1f: {  	s9 =	smul.u32 $0xF7A, s1;
	s8 =	simm.s32 @!p0 $0x1BF5;
	p2 =	por !p2, p0  }
0x20: {  	[sflag:s8] =	ssyncset.s32 @!p0 $0xFFFFF086;
	s6 =	sadd.s32 @!p0 s3, s7;
	s7 =	simm.s32 @!p0 $0x108  }
0x21: {  	s3 =	sadd.s32 s3, s9;
	s6 =	sadd.s32 @!p0 $0x88, s6;
	s7 =	simm.s32 @p2 $0x1082  }
0x22: {  	[simem:s7], [sflag:s8] =	dma.local @!p0 [hbm:s6], $0xF7A  }
0x23: {  	s9 =	sor.u32 $0xD0000000, s2;
	s6 =	simm.s32 $0x108;
	_ =	swait.ge @!p0 [sflag:s8], $0x0  }
0x24: {  	s3 =	sadd.s32 $0x88, s3;
	s6 =	simm.s32 @!p1 $0x1082;
	[sflag:s4] =	ssyncset.s32 $0xFFFFF086  }
0x25: {  	[simem:s6], [sflag:s4] =	dma.local [hbm:s3], $0xF7A  }
0x26: {  	[smem:$0x3F9D] =	sst s1;
	(tag) =	ssettag s2;
	_ =	strace s9  }
0x27: {  	s1 =	sld [smem:$0x3FAD]  }
0x28: {  	s2 =	sld [smem:$0x3FAE]  }
0x29: {  	s4 =	sld [smem:$0x3FB0]  }
0x2a: {  	p0 =	seq.s32 s5, $0x0;
	s5 =	sld [smem:$0x3FB1]  }
0x2b: {  	s6 =	sld [smem:$0x3FB2]  }
0x2c: {  	s7 =	sld [smem:$0x3FB3]  }
0x2d: {  	s3 =	simm.s32 $0x108;
	s8 =	sld [smem:$0x3FB4]  }
0x2e: {  	s3 =	simm.s32 @!p0 $0x1082;
	s9 =	sld [smem:$0x3FB5]  }
0x2f: {  	lr =	sadd.s32 s0, s3;
	s0 =	sld [smem:$0x3FAC]  }
0x30: {  	s3 =	sld [smem:$0x3FAF]  }
0x31: {  	[smem:$0x3FB8] =	sst s10  }
0x32: {  	s10 =	sld [smem:$0x3FB6];
	_ =	sdelay $0x3  }
0x33: {  	p0 =	seq.s32 s10, $0x1;
	s10 =	sld [smem:$0x3FB8];
	_ =	sdelay $0x3  }
0x34: {  	[smem:$0x3FB8] =	sst s10  }
0x35: {  	s10 =	sld [smem:$0x3FB7];
	_ =	sdelay $0x3  }
0x36: {  	p1 =	seq.s32 s10, $0x1;
	s10 =	sld [smem:$0x3FB8];
	_ =	sdelay $0x3  }
0x37: {  	[smem:$0x3FB8] =	sst s10  }
0x38: {  	s10 =	sld [smem:$0x3FB9]  }
0x39: {  	_ = 	snop;
	(pc) =	sbr.ind lr, $3  }
0x3a: {  	_ = 	snop  }
0x3b: {  	_ = 	snop  }
0x3c: {  	p2 =	seq.s32 s10, $0x1;
	s10 =	sld [smem:$0x3FB8]  }
0x3d: {  	_ =	shalt  }
0x3e: {  	_ =	shalt  }
0x3f: {  	_ =	shalt  }
0x40: {  	_ =	shalt  }
0x41: {  	_ =	shalt  }
0x42: {  	_ =	shalt  }
0x43: {  	_ =	shalt  }
0x44: {  	_ =	shalt  }
0x45: {  	_ =	shalt  }
0x46: {  	_ =	shalt  }
0x47: {  	_ =	shalt  }
0x48: {  	_ =	shalt  }
0x49: {  	_ =	shalt  }
0x4a: {  	_ =	shalt  }
0x4b: {  	_ =	shalt  }
0x4c: {  	_ =	shalt  }
0x4d: {  	_ =	shalt  }
0x4e: {  	_ =	shalt  }
0x4f: {  	_ =	shalt  }
0x50: {  	_ =	shalt  }
0x51: {  	_ =	shalt  }
0x52: {  	_ =	shalt  }
0x53: {  	_ =	shalt  }
0x54: {  	_ =	shalt  }
0x55: {  	_ =	shalt  }
0x56: {  	_ =	shalt  }
0x57: {  	_ =	shalt  }
0x58: {  	_ =	shalt  }
0x59: {  	_ =	shalt  }
0x5a: {  	_ =	shalt  }
0x5b: {  	_ =	shalt  }
0x5c: {  	_ =	shalt  }
0x5d: {  	_ =	shalt  }
0x5e: {  	_ =	shalt  }
0x5f: {  	_ =	shalt  }
0x60: {  	_ =	shalt  }
0x61: {  	_ =	shalt  }
0x62: {  	_ =	shalt  }
0x63: {  	_ =	shalt  }
0x64: {  	_ =	shalt  }
0x65: {  	_ =	shalt  }
0x66: {  	_ =	shalt  }
0x67: {  	_ =	shalt  }
0x68: {  	_ =	shalt  }
0x69: {  	_ =	shalt  }
0x6a: {  	_ =	shalt  }
0x6b: {  	_ =	shalt  }
0x6c: {  	_ =	shalt  }
0x6d: {  	_ =	shalt  }
0x6e: {  	_ =	shalt  }
0x6f: {  	_ =	shalt  }
0x70: {  	_ =	shalt  }
0x71: {  	_ =	shalt  }
0x72: {  	_ =	shalt  }
0x73: {  	_ =	shalt  }
0x74: {  	_ =	shalt  }
0x75: {  	_ =	shalt  }
0x76: {  	_ =	shalt  }
0x77: {  	_ =	shalt  }
0x78: {  	_ =	shalt  }
0x79: {  	_ =	shalt  }
0x7a: {  	_ =	shalt  }
0x7b: {  	_ =	shalt  }
0x7c: {  	_ =	shalt  }
0x7d: {  	_ =	shalt  }
0x7e: {  	_ =	shalt  }
0x7f: {  	_ =	shalt  }
0x80: {  	_ =	shalt  }
0x81: {  	_ =	shalt  }
0x82: {  	_ =	shalt  }
0x83: {  	_ =	shalt  }
0x84: {  	_ =	shalt  }
0x85: {  	_ =	shalt  }
0x86: {  	_ =	shalt  }
0x87: {  	_ =	shalt  }
.Lfunc_end0:
.L_simem_size_0:
called_computation_lowered:
.L_overlay_start_0:
0x88: {  	s2 =	sld [smem:$0x3FD9]  }
0x89: {  	s3 =	sld [smem:$0x3FFE];
	_ =	sdelay $0x1  }
0x8a: {  	s1 =	srdreg.scid  }
0x8b: {  	s0 =	sand.u32 $0x1, s1  }
0x8c: {  	s17 =	sshll.u32 s0, $0xA;
	s2 =	sadd.s32 s3, s2  }
0x8d: {  	s2 =	sadd.s32 s2, s17  }
0x8e: {  	[smem:$0x3FC4] =	sst s2  }
0x8f: {  	_ = 	snop  }
0x90: {  	s2 =	sld [smem:$0x3FC7]  }
0x91: {  	s18 =	sld [smem:$0x3FC6]  }
0x92: {  	s4 =	sld [smem:$0x3FD0];
	(tm) =	ssettm $0x1  }
0x93: {  	s5 =	sld [smem:$0x3FFB];
	_ =	sdelay $0x3  }
0x94: {  	_ =	strace s5  }
0x95: {  	s5 =	sld [smem:$0x3FFC];
	_ =	sdelay $0x3  }
0x96: {  	_ =	strace s5  }
0x97: {  	s5 =	sld [smem:$0x3FFD];
	_ =	sdelay $0x3  }
0x98: {  	_ =	strace s5  }
0x99: {  	_ =	strace $0x8FFFFFFF  }
0x9a: {  	s19 =	sld [smem:$0x3FDB];
	_ =	sdelay $0x1  }
0x9b: {  	s6 =	simm.s32 $_scs_section_size  }
0x9c: {  	s7 =	simm.s32 $_size__tile_overlayer_lowered;
	s8 =	simm.s32 $_tile_overlayer_lowered  }
0x9d: {  	s22 =	simm.s32 $0x1BFF;
	s21 =	sshll.u32 s8, $0x1;
	s5 =	sadd.s32 s6, s19  }
0x9e: {  	s9 =	simm.s32 $0x0;
	s20 =	sshll.u32 s7, $0x1;
	s7 =	sadd.s32 s21, s5  }
0x9f: {  	[timem:s9], [sflag:s22] =	dma.local [hbm:s7], s20  }
0xa0: {  	_ =	swait.ge [sflag:s22], s20  }
0xa1: {  	s6 =	ssub.s32 $0x0, s20;
	[sflag:s22] =	ssyncset.done $0x0  }
0xa2: {  	[sflag:s22] =	ssyncadd.s32 s6;
	_ =	sdelay $0x1  }
0xa3: {  	s23 =	simm.s32 $0x1B8B  }
0xa4: {  	_ =	swait.ge [sflag:s23], $0x1  }
0xa5: {  	[sflag:s23] =	ssyncset.done $0x0  }
0xa6: {  	s25 =	simm.s32 $0x1B8E;
	s24 =	sld [smem:$0x3FFE];
	[sflag:s23] =	ssyncadd.s32 $0xFFFFFFFF  }
0xa7: {  	s26 =	simm.s32 $execute0_lowered;
	[smem:$0x3FD2] =	sst s25  }
0xa8: {  	s7 =	sshll.u32 s26, $0x1;
	_ =	strace $0x80000046;
	[dreg:$0x1] =	wrdreg $0xFFFFFFFF  }
0xa9: {  	s28 =	simm.s32 $_size_execute0_lowered;
	s5 =	sadd.s32 s5, s7;
	[dreg:$0x0] =	wrdreg $0x0  }
0xaa: {  	s7 =	sshll.u32 s28, $0x1;
	[dreg:$0x2] =	wrdreg s5  }
0xab: {  	[dreg:$0x3] =	wrdreg s7  }
0xac: {  	[dreg:$0x4] =	wrdreg $0xC0  }
0xad: {  	_ =	task [dreg:s9], $0x5FFFF  }
0xae: {  	[dreg:$0x1] =	wrdreg $0xFFFFFFFF  }
0xaf: {  	[dreg:$0x0] =	wrdreg $0x60  }
0xb0: {  	[dreg:$0x2] =	wrdreg s24  }
0xb1: {  	[dreg:$0x3] =	wrdreg s2  }
0xb2: {  	[dreg:$0x4] =	wrdreg s18  }
0xb3: {  	[dreg:$0x5] =	wrdreg s4  }
0xb4: {  	[dreg:$0x6] =	wrdreg $0x88000  }
0xb5: {  	[dreg:$0x7] =	wrdreg $0x9  }
0xb6: {  	_ =	task.clear_ibuf [dreg:s9], $0x8FFFF;
	_ =	strace $0x90000046  }
0xb7: {  	s29 =	simm.s32 $0x9;
	_ =	strace $0x80000048  }
0xb8: {  	_ =	swait.ge [sflag:s29], $0x1  }
0xb9: {  	[sflag:s29] =	ssyncadd.s32 $0xFFFFFFFF  }
0xba: {  	_ =	strace $0x90000048  }
0xbb: {  	_ =	sfence  }
0xbc: {  	s30 =	sld [smem:$0x0];
	_ =	sdelay $0x2  }
0xbd: {  	s31 =	sshll.u32 s1, $0xD;
	s1 =	sshrl.u32 s1, $0x2  }
0xbe: {  	s3 =	sand.u32 $0x4000, s31;
	s1 =	sadd.s32 s1, s30  }
0xbf: {  	s0 =	sor.u32 s3, s0;
	s1 =	sshll.u32 s1, $0x11  }
0xc0: {  	s0 =	sor.u32 s1, s0  }
0xc1: {  	s0 =	sadd.s32 $0x8F2B, s0  }
0xc2: {  	[sflag:s0] =	ssyncadd.remote.s32 $0x1  }
0xc3: {  	_ =	sfence.sel $0xFFFF  }
0xc4: {  	[dreg:$0x0] =	wrdreg $0xFFFFFFFF;
	(pc) =	sbr.abs _section_cstart, $3  }
0xc5: {  	[dreg:$0x1] =	wrdreg $0xFFFFFFFF  }
0xc6: {  	_ =	task.clear_ibuf [dreg:s9], $0x2FFFF;
	_ =	strace $0x9FFFFFFF  }
0xc7: {  	(tm) =	ssettm $0x7FFFFFFF  }
tec
execute0_lowered:
.L_overlay_start_1:
0x0: {  	(tag) =	ssettag $0x1  }
0x1: {  	s0 =	rddreg [dreg:$0x0]  }
0x2: {  	s2 =	rddreg [dreg:$0x1]  }
0x3: {  	s3 =	rddreg [dreg:$0x2]  }
0x4: {  	s5 =	rddreg [dreg:$0x3]  }
0x5: {  	s1 =	rddreg [dreg:$0x4]  }
0x6: {  	s6 =	simm.s32 $0x0;
	s4 =	srdreg.scid;
	s12 =	stileid.u32  }
0x7: {  	s16 =	simm.s32 $0x9;
	s18 =	simm.s32 $0x80;
	s19 =	simm.s32 $0x4800  }
0x8: {  	s31 =	simm.s32 $0x7800;
	[smem:$0x7FF] =	sst s6;
	s9 =	smul.u32 $0x2800, s12  }
0x9: {  	s7 =	sand.u32 $0x1, s4;
	s4 =	sadd.s32 $0xA00, s0;
	s22 =	smul.u32 $0x4800, s12  }
0xa: {  	s29 =	sadd.s32 $0x400, s0;
	s23 =	sshll.u32 s12, $0x6;
	s11 =	smul.u32 $0x900, s12  }
0xb: {  	s25 =	sshll.u32 s12, $0x8;
	s12 =	simm.s32 $0x7000;
	_ =	strace $0x80000047  }
0xc: {  	s20 =	ssub.s32 $0x2, s7;
	s6 =	sor.u32 $0x1C09, s23;
	p0 =	seq.s32 s7, $0x1  }
0xd: {  	s7 =	smul.u32 $0x28000, s7;
	s26 =	sor.u32 $0x9000, s25;
	s23 =	simm.s32 $0x0  }
0xe: {  	s8 =	sshrl.u32 s20, $0x1;
	s10 =	sadd.s32 s9, s1;
	s13 =	sadd.s32 s2, s11  }
0xf: {  	s11 =	sadd.s32 s3, s11;
	s28 =	sadd.s32 s3, s26;
	[dreg:$0x6] =	wrdreg s13  }
0x10: {  	s21 =	ssub.s32 s20, s8;
	s8 =	sshrl.u32 s22, $0x3;
	[dreg:$0x7] =	wrdreg s11  }
0x11: {  	s7 =	sadd.s32 s9, s7;
	[dreg:$0xb] =	wrdreg s28;
	s15 =	sshrl.u32 s10, $0x3  }
0x12: {  	s22 =	simm.s32 $0x5800;
	s10 =	simm.s32 $0x6000;
	s9 =	simm.s32 $0x3  }
0x13: {  	s11 =	simm.s32 $0x5;
	s8 =	sadd.s32 $0x480, s8;
	s30 =	sshrl.u32 s7, $0x3  }
.Ltmp0:
0x14: {  	s13 =	smax.u32 s21, $0x1;
	s7 =	simm.s32 $0x1;
	(pc) =	sbr.rel .LBB2_1-.Ltmp0, $4  }
0x15: {  	s21 =	simm.s32 $0x8;
	s24 =	sadd.s32 s2, s8;
	[dreg:$0xc] =	wrdreg s13  }
0x16: {  	s8 =	sadd.s32 s3, s8;
	s2 =	sadd.s32 s2, s26;
	[dreg:$0x8] =	wrdreg s24  }
0x17: {  	s26 =	simm.s32 $0x6800;
	s3 =	simm.s32 $0x8000;
	[dreg:$0x9] =	wrdreg s8  }
0x18: {  	[dreg:$0xa] =	wrdreg s2;
	s8 =	sadd.s32 s5, s30;
	s2 =	simm.s32 $0x7  }
.LBB2_9:
0x19: {  	_ =	swait.ge [sflag:s21], $0x800  }
0x1a: {  	[sflag:s21] =	ssyncset.done $0x0  }
0x1b: {  	s13 =	rddreg [dreg:$0xc];
	[sflag:s21] =	ssyncadd.s32 $0xFFFFF800  }
.LBB2_10:
0x1c: {  	[spmem:s1] =	stream.indirect.scatter.add.f32 [tilespmem:s3], [sflag:$0x9], $0x10, s0, s18, $0xb8;
	[tilespmem:$0xB000] =	vst v63  }
0x1d: {  	_ =	swait.ge [sflag:s16], $0x800  }
0x1e: {  	s23 =	sadd.s32 $0x1, s23;
	[sflag:s16] =	ssyncset.done $0x0  }
0x1f: {  	p1 =	sne.s32 s23, s13;
	[sflag:s16] =	ssyncadd.s32 $0xFFFFF800  }
.Ltmp1:
0x20: {  	[bflag:$0x0] =	sbarrier.arrive $0xFFFF;
	(pc) =	sbr.rel @!p1 .LBB2_11-.Ltmp1, $4  }
0x21: {  	[hbm:s8], [sflag:s6] =	dma.local [spmem:s15], $0x500  }
0x22: {  	_ =	swait.ge [sflag:s16], $0x500  }
0x23: {  	[sflag:s16] =	ssyncset.done $0x0  }
0x24: {  	[sflag:s16] =	ssyncadd.s32 $0xFFFFFB00  }
.LBB2_1:
0x25: {  	[spmem:s15], [sflag:s6] =	dma.local [hbm:s29], $0x500  }
.Ltmp2:
0x26: {  	_ =	swait.ge [sflag:s16], $0x500;
	(pc) =	sbr.rel @!p0 .LBB2_2-.Ltmp2, $3  }
0x27: {  	[sflag:s16] =	ssyncset.done $0x0  }
0x28: {  	[sflag:s16] =	ssyncadd.s32 $0xFFFFFB00  }
0x29: {  	[bflag:$0x0] =	sbarrier.arrive $0xFFFF;
	_ =	sdelay $0x1  }
0x2a: {  	s0 =	simm.s32 $0x0;
	s5 =	rddreg [dreg:$0xa]  }
0x2b: {  	[tilespmem:s0], [sflag:$0x9] =	stream.linear.gather [hbm4b:s5+s0], $0x800, $0x38;
	[tilespmem:$0xB000] =	vst v63  }
0x2c: {  	_ =	swait.ge [sflag:s16], $0x800  }
0x2d: {  	[sflag:s16] =	ssyncset.done $0x0  }
0x2e: {  	s10 =	simm.s32 $0x2400;
	s14 =	rddreg [dreg:$0xb];
	[sflag:s16] =	ssyncadd.s32 $0xFFFFF800  }
0x2f: {  	[tilespmem:s10], [sflag:$0x9] =	stream.linear.gather [hbm4b:s14+s0], $0x800, $0x38;
	[tilespmem:$0xB000] =	vst v63  }
0x30: {  	_ =	swait.ge [sflag:s16], $0x800  }
0x31: {  	[sflag:s16] =	ssyncset.done $0x0  }
0x32: {  	[sflag:s16] =	ssyncadd.s32 $0xFFFFF800  }
0x33: {  	[tilespmem:s19], [sflag:$0x1] =	stream.indirect.gather [hbm4b:s4+s18], $0x10, s0, s18, $0xb8;
	[tilespmem:$0xB000] =	vst v63  }
0x34: {  	s0 =	simm.s32 $0x5000  }
0x35: {  	[tilespmem:s0], [sflag:$0x2] =	stream.indirect.gather [hbm4b:s4+s18], $0x10, s18, s18, $0xb8;
	[tilespmem:$0xB000] =	vst v63  }
0x36: {  	s17 =	simm.s32 $0x100  }
0x37: {  	[tilespmem:s22], [sflag:$0x3] =	stream.indirect.gather [hbm4b:s4+s18], $0x10, s17, s18, $0xb8;
	[tilespmem:$0xB000] =	vst v63  }
0x38: {  	s20 =	simm.s32 $0x180;
	s14 =	simm.s32 $0x6000  }
0x39: {  	[tilespmem:s14], [sflag:$0x4] =	stream.indirect.gather [hbm4b:s4+s18], $0x10, s20, s18, $0xb8;
	[tilespmem:$0xB000] =	vst v63  }
0x3a: {  	s24 =	simm.s32 $0x200  }
0x3b: {  	[tilespmem:s26], [sflag:$0x5] =	stream.indirect.gather [hbm4b:s4+s18], $0x10, s24, s18, $0xb8;
	[tilespmem:$0xB000] =	vst v63  }
0x3c: {  	s25 =	simm.s32 $0x280;
	s17 =	simm.s32 $0x7000  }
0x3d: {  	[tilespmem:s17], [sflag:$0x6] =	stream.indirect.gather [hbm4b:s4+s18], $0x10, s25, s18, $0xb8;
	[tilespmem:$0xB000] =	vst v63  }
0x3e: {  	s28 =	simm.s32 $0x300  }
0x3f: {  	[tilespmem:s31], [sflag:$0x7] =	stream.indirect.gather [hbm4b:s4+s18], $0x10, s28, s18, $0xb8;
	[tilespmem:$0xB000] =	vst v63  }
0x40: {  	s30 =	simm.s32 $0x380  }
0x41: {  	[tilespmem:s3], [sflag:$0x8] =	stream.indirect.gather [hbm4b:s4+s18], $0x10, s30, s18, $0xb8;
	[tilespmem:$0xB000] =	vst v63  }
0x42: {  	_ =	swait.ge [sflag:s7], $0x800  }
0x43: {  	[sflag:s7] =	ssyncset.done $0x0  }
0x44: {  	[sflag:s7] =	ssyncadd.s32 $0xFFFFF800  }
0x45: {  	[spmem:s1] =	stream.indirect.scatter.add.f32 [tilespmem:s19], [sflag:$0x9], $0x10, s10, s18, $0xb8;
	[tilespmem:$0xB000] =	vst v63  }
0x46: {  	_ =	swait.ge [sflag:s16], $0x800  }
0x47: {  	[sflag:s16] =	ssyncset.done $0x0  }
0x48: {  	s12 =	simm.s32 $0x400;
	s5 =	simm.s32 $0x2;
	[sflag:s16] =	ssyncadd.s32 $0xFFFFF800  }
0x49: {  	[tilespmem:s19], [sflag:$0x1] =	stream.indirect.gather [hbm4b:s4+s18], $0x10, s12, s18, $0xb8;
	[tilespmem:$0xB000] =	vst v63  }
0x4a: {  	_ =	swait.ge [sflag:s5], $0x800  }
0x4b: {  	[sflag:s5] =	ssyncset.done $0x0  }
0x4c: {  	s20 =	simm.s32 $0x2480;
	[sflag:s5] =	ssyncadd.s32 $0xFFFFF800  }
0x4d: {  	[spmem:s1] =	stream.indirect.scatter.add.f32 [tilespmem:s0], [sflag:$0x9], $0x10, s20, s18, $0xb8;
	[tilespmem:$0xB000] =	vst v63  }
0x4e: {  	_ =	swait.ge [sflag:s16], $0x800  }
0x4f: {  	[sflag:s16] =	ssyncset.done $0x0  }
0x50: {  	s24 =	simm.s32 $0x480;
	[sflag:s16] =	ssyncadd.s32 $0xFFFFF800  }
0x51: {  	[tilespmem:s0], [sflag:$0x2] =	stream.indirect.gather [hbm4b:s4+s18], $0x10, s24, s18, $0xb8;
	[tilespmem:$0xB000] =	vst v63  }
0x52: {  	_ =	swait.ge [sflag:s9], $0x800  }
0x53: {  	[sflag:s9] =	ssyncset.done $0x0  }
0x54: {  	s25 =	simm.s32 $0x2500;
	[sflag:s9] =	ssyncadd.s32 $0xFFFFF800  }
0x55: {  	[spmem:s1] =	stream.indirect.scatter.add.f32 [tilespmem:s22], [sflag:$0x9], $0x10, s25, s18, $0xb8;
	[tilespmem:$0xB000] =	vst v63  }
0x56: {  	_ =	swait.ge [sflag:s16], $0x800  }
0x57: {  	[sflag:s16] =	ssyncset.done $0x0  }
0x58: {  	s28 =	simm.s32 $0x500;
	s10 =	simm.s32 $0x4;
	[sflag:s16] =	ssyncadd.s32 $0xFFFFF800  }
0x59: {  	[tilespmem:s22], [sflag:$0x3] =	stream.indirect.gather [hbm4b:s4+s18], $0x10, s28, s18, $0xb8;
	[tilespmem:$0xB000] =	vst v63  }
0x5a: {  	_ =	swait.ge [sflag:s10], $0x800  }
0x5b: {  	[sflag:s10] =	ssyncset.done $0x0  }
0x5c: {  	s12 =	simm.s32 $0x2580;
	[sflag:s10] =	ssyncadd.s32 $0xFFFFF800  }
0x5d: {  	[spmem:s1] =	stream.indirect.scatter.add.f32 [tilespmem:s14], [sflag:$0x9], $0x10, s12, s18, $0xb8;
	[tilespmem:$0xB000] =	vst v63  }
0x5e: {  	_ =	swait.ge [sflag:s16], $0x800  }
0x5f: {  	[sflag:s16] =	ssyncset.done $0x0  }
0x60: {  	s30 =	simm.s32 $0x580;
	[sflag:s16] =	ssyncadd.s32 $0xFFFFF800  }
0x61: {  	[tilespmem:s14], [sflag:$0x4] =	stream.indirect.gather [hbm4b:s4+s18], $0x10, s30, s18, $0xb8;
	[tilespmem:$0xB000] =	vst v63  }
0x62: {  	_ =	swait.ge [sflag:s11], $0x800  }
0x63: {  	[sflag:s11] =	ssyncset.done $0x0  }
0x64: {  	s20 =	simm.s32 $0x2600;
	[sflag:s11] =	ssyncadd.s32 $0xFFFFF800  }
0x65: {  	[spmem:s1] =	stream.indirect.scatter.add.f32 [tilespmem:s26], [sflag:$0x9], $0x10, s20, s18, $0xb8;
	[tilespmem:$0xB000] =	vst v63  }
0x66: {  	_ =	swait.ge [sflag:s16], $0x800  }
0x67: {  	[sflag:s16] =	ssyncset.done $0x0  }
0x68: {  	s24 =	simm.s32 $0x600;
	s12 =	simm.s32 $0x6;
	[sflag:s16] =	ssyncadd.s32 $0xFFFFF800  }
0x69: {  	[tilespmem:s26], [sflag:$0x5] =	stream.indirect.gather [hbm4b:s4+s18], $0x10, s24, s18, $0xb8;
	[tilespmem:$0xB000] =	vst v63  }
0x6a: {  	_ =	swait.ge [sflag:s12], $0x800  }
0x6b: {  	[sflag:s12] =	ssyncset.done $0x0  }
0x6c: {  	s20 =	simm.s32 $0x2680;
	[sflag:s12] =	ssyncadd.s32 $0xFFFFF800  }
0x6d: {  	[spmem:s1] =	stream.indirect.scatter.add.f32 [tilespmem:s17], [sflag:$0x9], $0x10, s20, s18, $0xb8;
	[tilespmem:$0xB000] =	vst v63  }
0x6e: {  	_ =	swait.ge [sflag:s16], $0x800  }
0x6f: {  	[sflag:s16] =	ssyncset.done $0x0  }
0x70: {  	s25 =	simm.s32 $0x680;
	[sflag:s16] =	ssyncadd.s32 $0xFFFFF800  }
0x71: {  	[tilespmem:s17], [sflag:$0x6] =	stream.indirect.gather [hbm4b:s4+s18], $0x10, s25, s18, $0xb8;
	[tilespmem:$0xB000] =	vst v63  }
0x72: {  	_ =	swait.ge [sflag:s2], $0x800  }
0x73: {  	[sflag:s2] =	ssyncset.done $0x0  }
0x74: {  	s28 =	simm.s32 $0x2700;
	[sflag:s2] =	ssyncadd.s32 $0xFFFFF800  }
0x75: {  	[spmem:s1] =	stream.indirect.scatter.add.f32 [tilespmem:s31], [sflag:$0x9], $0x10, s28, s18, $0xb8;
	[tilespmem:$0xB000] =	vst v63  }
0x76: {  	_ =	swait.ge [sflag:s16], $0x800  }
0x77: {  	[sflag:s16] =	ssyncset.done $0x0  }
0x78: {  	s30 =	simm.s32 $0x700;
	[sflag:s16] =	ssyncadd.s32 $0xFFFFF800  }
0x79: {  	[tilespmem:s31], [sflag:$0x7] =	stream.indirect.gather [hbm4b:s4+s18], $0x10, s30, s18, $0xb8;
	[tilespmem:$0xB000] =	vst v63  }
0x7a: {  	_ =	swait.ge [sflag:s21], $0x800  }
0x7b: {  	[sflag:s21] =	ssyncset.done $0x0  }
0x7c: {  	s24 =	simm.s32 $0x2780;
	[sflag:s21] =	ssyncadd.s32 $0xFFFFF800  }
0x7d: {  	[spmem:s1] =	stream.indirect.scatter.add.f32 [tilespmem:s3], [sflag:$0x9], $0x10, s24, s18, $0xb8;
	[tilespmem:$0xB000] =	vst v63  }
0x7e: {  	_ =	swait.ge [sflag:s16], $0x800  }
0x7f: {  	[sflag:s16] =	ssyncset.done $0x0  }
0x80: {  	s25 =	simm.s32 $0x780;
	[sflag:s16] =	ssyncadd.s32 $0xFFFFF800  }
0x81: {  	[tilespmem:s3], [sflag:$0x8] =	stream.indirect.gather [hbm4b:s4+s18], $0x10, s25, s18, $0xb8;
	[tilespmem:$0xB000] =	vst v63  }
0x82: {  	_ =	swait.ge [sflag:s7], $0x800  }
0x83: {  	[sflag:s7] =	ssyncset.done $0x0  }
0x84: {  	s28 =	simm.s32 $0x2800;
	[sflag:s7] =	ssyncadd.s32 $0xFFFFF800  }
0x85: {  	[spmem:s1] =	stream.indirect.scatter.add.f32 [tilespmem:s19], [sflag:$0x9], $0x10, s28, s18, $0xb8;
	[tilespmem:$0xB000] =	vst v63  }
0x86: {  	_ =	swait.ge [sflag:s16], $0x800  }
0x87: {  	[sflag:s16] =	ssyncset.done $0x0  }
0x88: {  	[sflag:s16] =	ssyncadd.s32 $0xFFFFF800  }
0x89: {  	_ =	swait.ge [sflag:s5], $0x800  }
0x8a: {  	[sflag:s5] =	ssyncset.done $0x0  }
0x8b: {  	s30 =	simm.s32 $0x2880;
	[sflag:s5] =	ssyncadd.s32 $0xFFFFF800  }
0x8c: {  	[spmem:s1] =	stream.indirect.scatter.add.f32 [tilespmem:s0], [sflag:$0x9], $0x10, s30, s18, $0xb8;
	[tilespmem:$0xB000] =	vst v63  }
0x8d: {  	_ =	swait.ge [sflag:s16], $0x800  }
0x8e: {  	[sflag:s16] =	ssyncset.done $0x0  }
0x8f: {  	[sflag:s16] =	ssyncadd.s32 $0xFFFFF800  }
0x90: {  	_ =	swait.ge [sflag:s9], $0x800  }
0x91: {  	[sflag:s9] =	ssyncset.done $0x0  }
0x92: {  	s20 =	simm.s32 $0x2900;
	[sflag:s9] =	ssyncadd.s32 $0xFFFFF800  }
0x93: {  	[spmem:s1] =	stream.indirect.scatter.add.f32 [tilespmem:s22], [sflag:$0x9], $0x10, s20, s18, $0xb8;
	[tilespmem:$0xB000] =	vst v63  }
0x94: {  	_ =	swait.ge [sflag:s16], $0x800  }
0x95: {  	[sflag:s16] =	ssyncset.done $0x0  }
0x96: {  	[sflag:s16] =	ssyncadd.s32 $0xFFFFF800  }
0x97: {  	_ =	swait.ge [sflag:s10], $0x800  }
0x98: {  	[sflag:s10] =	ssyncset.done $0x0  }
0x99: {  	s24 =	simm.s32 $0x2980;
	[sflag:s10] =	ssyncadd.s32 $0xFFFFF800  }
0x9a: {  	[spmem:s1] =	stream.indirect.scatter.add.f32 [tilespmem:s14], [sflag:$0x9], $0x10, s24, s18, $0xb8;
	[tilespmem:$0xB000] =	vst v63  }
0x9b: {  	_ =	swait.ge [sflag:s16], $0x800  }
0x9c: {  	[sflag:s16] =	ssyncset.done $0x0  }
0x9d: {  	[sflag:s16] =	ssyncadd.s32 $0xFFFFF800  }
0x9e: {  	_ =	swait.ge [sflag:s11], $0x800  }
0x9f: {  	[sflag:s11] =	ssyncset.done $0x0  }
0xa0: {  	s25 =	simm.s32 $0x2A00;
	[sflag:s11] =	ssyncadd.s32 $0xFFFFF800  }
0xa1: {  	[spmem:s1] =	stream.indirect.scatter.add.f32 [tilespmem:s26], [sflag:$0x9], $0x10, s25, s18, $0xb8;
	[tilespmem:$0xB000] =	vst v63  }
0xa2: {  	_ =	swait.ge [sflag:s16], $0x800  }
0xa3: {  	[sflag:s16] =	ssyncset.done $0x0  }
0xa4: {  	[sflag:s16] =	ssyncadd.s32 $0xFFFFF800  }
0xa5: {  	_ =	swait.ge [sflag:s12], $0x800  }
0xa6: {  	[sflag:s12] =	ssyncset.done $0x0  }
0xa7: {  	s28 =	simm.s32 $0x2A80;
	[sflag:s12] =	ssyncadd.s32 $0xFFFFF800  }
0xa8: {  	[spmem:s1] =	stream.indirect.scatter.add.f32 [tilespmem:s17], [sflag:$0x9], $0x10, s28, s18, $0xb8;
	[tilespmem:$0xB000] =	vst v63  }
0xa9: {  	_ =	swait.ge [sflag:s16], $0x800  }
0xaa: {  	[sflag:s16] =	ssyncset.done $0x0  }
0xab: {  	[sflag:s16] =	ssyncadd.s32 $0xFFFFF800  }
0xac: {  	_ =	swait.ge [sflag:s2], $0x800  }
0xad: {  	[sflag:s2] =	ssyncset.done $0x0  }
0xae: {  	s30 =	simm.s32 $0x2B00;
	[sflag:s2] =	ssyncadd.s32 $0xFFFFF800  }
0xaf: {  	[spmem:s1] =	stream.indirect.scatter.add.f32 [tilespmem:s31], [sflag:$0x9], $0x10, s30, s18, $0xb8;
	[tilespmem:$0xB000] =	vst v63  }
0xb0: {  	_ =	swait.ge [sflag:s16], $0x800  }
.Ltmp3:
0xb1: {  	[sflag:s16] =	ssyncset.done $0x0;
	(pc) =	sbr.rel .LBB2_10-.Ltmp3, $4  }
0xb2: {  	[sflag:s16] =	ssyncadd.s32 $0xFFFFF800  }
0xb3: {  	_ =	swait.ge [sflag:s21], $0x800  }
0xb4: {  	s0 =	simm.s32 $0x2B80;
	[sflag:s21] =	ssyncset.done $0x0  }
0xb5: {  	s10 =	simm.s32 $0x6000;
	s12 =	simm.s32 $0x7000;
	[sflag:s21] =	ssyncadd.s32 $0xFFFFF800  }
.LBB2_2:
0xb6: {  	s25 =	simm.s32 $0x0;
	s0 =	rddreg [dreg:$0x6]  }
0xb7: {  	[tilespmem:s25], [sflag:$0x9] =	stream.linear.gather [hbm4b:s0+s25], $0x2400, $0x38;
	[tilespmem:$0xB000] =	vst v63  }
0xb8: {  	_ =	swait.ge [sflag:s16], $0x2400  }
0xb9: {  	[sflag:s16] =	ssyncset.done $0x0  }
0xba: {  	s5 =	simm.s32 $0x2400;
	s30 =	rddreg [dreg:$0x7];
	[sflag:s16] =	ssyncadd.s32 $0xFFFFDC00  }
0xbb: {  	[tilespmem:s5], [sflag:$0x9] =	stream.linear.gather [hbm4b:s30+s25], $0x2400, $0x38;
	[tilespmem:$0xB000] =	vst v63  }
0xbc: {  	_ =	swait.ge [sflag:s16], $0x2400  }
0xbd: {  	[sflag:s16] =	ssyncset.done $0x0  }
0xbe: {  	[sflag:s16] =	ssyncadd.s32 $0xFFFFDC00  }
0xbf: {  	[tilespmem:s19], [sflag:$0x1] =	stream.indirect.gather [hbm4b:s4+s18], $0x10, s25, s18, $0xb8;
	[tilespmem:$0xB000] =	vst v63  }
0xc0: {  	s13 =	simm.s32 $0x5000  }
0xc1: {  	[tilespmem:s13], [sflag:$0x2] =	stream.indirect.gather [hbm4b:s4+s18], $0x10, s18, s18, $0xb8;
	[tilespmem:$0xB000] =	vst v63  }
0xc2: {  	s14 =	simm.s32 $0x100  }
0xc3: {  	[tilespmem:s22], [sflag:$0x3] =	stream.indirect.gather [hbm4b:s4+s18], $0x10, s14, s18, $0xb8;
	[tilespmem:$0xB000] =	vst v63  }
0xc4: {  	s17 =	simm.s32 $0x180  }
0xc5: {  	[tilespmem:s10], [sflag:$0x4] =	stream.indirect.gather [hbm4b:s4+s18], $0x10, s17, s18, $0xb8;
	[tilespmem:$0xB000] =	vst v63  }
0xc6: {  	s20 =	simm.s32 $0x200  }
0xc7: {  	[tilespmem:s26], [sflag:$0x5] =	stream.indirect.gather [hbm4b:s4+s18], $0x10, s20, s18, $0xb8;
	[tilespmem:$0xB000] =	vst v63  }
0xc8: {  	s24 =	simm.s32 $0x280  }
0xc9: {  	[tilespmem:s12], [sflag:$0x6] =	stream.indirect.gather [hbm4b:s4+s18], $0x10, s24, s18, $0xb8;
	[tilespmem:$0xB000] =	vst v63  }
0xca: {  	s28 =	simm.s32 $0x300  }
0xcb: {  	[tilespmem:s31], [sflag:$0x7] =	stream.indirect.gather [hbm4b:s4+s18], $0x10, s28, s18, $0xb8;
	[tilespmem:$0xB000] =	vst v63  }
0xcc: {  	s30 =	simm.s32 $0x380  }
0xcd: {  	[tilespmem:s3], [sflag:$0x8] =	stream.indirect.gather [hbm4b:s4+s18], $0x10, s30, s18, $0xb8;
	[tilespmem:$0xB000] =	vst v63  }
.LBB2_3:
0xce: {  	_ =	swait.ge [sflag:s7], $0x800  }
0xcf: {  	s28 =	sshra.s32 s25, $0x2;
	[sflag:s7] =	ssyncset.done $0x0  }
0xd0: {  	s0 =	sadd.s32 $0x2400, s28;
	[sflag:s7] =	ssyncadd.s32 $0xFFFFF800  }
0xd1: {  	[spmem:s1] =	stream.indirect.scatter.add.f32 [tilespmem:s19], [sflag:$0x9], $0x10, s0, s18, $0xb8;
	[tilespmem:$0xB000] =	vst v63  }
0xd2: {  	_ =	swait.ge [sflag:s16], $0x800  }
0xd3: {  	p1 =	seq.s32 s25, $0x8000;
	[sflag:s16] =	ssyncset.done $0x0  }
0xd4: {  	s0 =	simm.s32 @p1 $0x2;
	[sflag:s16] =	ssyncadd.s32 $0xFFFFF800  }
0xd5: {  	_ =	swait.ge @p1 [sflag:s0], $0x800  }
0xd6: {  	s5 =	sshra.s32 @p1 s25, $0x2;
	s17 =	simm.s32 @p1 $0x80;
	[sflag:s0] =	ssyncset.done @p1 $0x0  }
0xd7: {  	s13 =	simm.s32 @p1 $0x5000;
	[sflag:s0] =	ssyncadd.s32 @p1 $0xFFFFF800;
	s0 =	sadd.s32 @p1 $0x2480, s5  }
0xd8: {  	[spmem:s1] =	stream.indirect.scatter.add.f32 @p1 [tilespmem:s13], [sflag:$0x9], $0x10, s0, s17, $0xb8;
	[tilespmem:$0xB000] =	vst v63  }
0xd9: {  	s13 =	simm.s32 @p1 $0x9  }
0xda: {  	_ =	swait.ge @p1 [sflag:s13], $0x800  }
0xdb: {  	s30 =	sshra.s32 @!p1 s25, $0x2;
	s20 =	simm.s32 @!p1 $0x4800;
	[sflag:s13] =	ssyncset.done @p1 $0x0  }
0xdc: {  	s14 =	sadd.s32 @!p1 $0x400, s30;
	s0 =	simm.s32 @!p1 $0x80;
	[sflag:s13] =	ssyncadd.s32 @p1 $0xFFFFF800  }
0xdd: {  	[tilespmem:s20], [sflag:$0x1] =	stream.indirect.gather @!p1 [hbm4b:s4+s0], $0x10, s14, s0, $0xb8;
	[tilespmem:$0xB000] =	vst v63  }
0xde: {  	s14 =	simm.s32 @!p1 $0x2  }
0xdf: {  	_ =	swait.ge @!p1 [sflag:s14], $0x800  }
0xe0: {  	[sflag:s14] =	ssyncset.done @!p1 $0x0  }
0xe1: {  	s20 =	simm.s32 @!p1 $0x5000;
	[sflag:s14] =	ssyncadd.s32 @!p1 $0xFFFFF800;
	s14 =	sadd.s32 @!p1 $0x2480, s30  }
0xe2: {  	[spmem:s1] =	stream.indirect.scatter.add.f32 @!p1 [tilespmem:s20], [sflag:$0x9], $0x10, s14, s0, $0xb8;
	[tilespmem:$0xB000] =	vst v63  }
0xe3: {  	s14 =	simm.s32 @!p1 $0x9  }
0xe4: {  	_ =	swait.ge @!p1 [sflag:s14], $0x800  }
0xe5: {  	[sflag:s14] =	ssyncset.done @!p1 $0x0  }
0xe6: {  	s24 =	sadd.s32 @!p1 $0x480, s30;
	[sflag:s14] =	ssyncadd.s32 @!p1 $0xFFFFF800  }
0xe7: {  	[tilespmem:s20], [sflag:$0x2] =	stream.indirect.gather @!p1 [hbm4b:s4+s0], $0x10, s24, s0, $0xb8;
	[tilespmem:$0xB000] =	vst v63  }
0xe8: {  	_ =	swait.ge [sflag:s9], $0x800  }
0xe9: {  	[sflag:s9] =	ssyncset.done $0x0  }
0xea: {  	s24 =	sadd.s32 $0x2500, s28;
	[sflag:s9] =	ssyncadd.s32 $0xFFFFF800  }
0xeb: {  	[spmem:s1] =	stream.indirect.scatter.add.f32 [tilespmem:s22], [sflag:$0x9], $0x10, s24, s18, $0xb8;
	[tilespmem:$0xB000] =	vst v63  }
0xec: {  	_ =	swait.ge [sflag:s16], $0x800  }
0xed: {  	[sflag:s16] =	ssyncset.done $0x0  }
0xee: {  	s20 =	simm.s32 @p1 $0x4;
	[sflag:s16] =	ssyncadd.s32 $0xFFFFF800  }
0xef: {  	_ =	swait.ge @p1 [sflag:s20], $0x800  }
0xf0: {  	[sflag:s20] =	ssyncset.done @p1 $0x0  }
0xf1: {  	s24 =	simm.s32 @p1 $0x6000;
	[sflag:s20] =	ssyncadd.s32 @p1 $0xFFFFF800;
	s20 =	sadd.s32 @p1 $0x2580, s5  }
0xf2: {  	[spmem:s1] =	stream.indirect.scatter.add.f32 @p1 [tilespmem:s24], [sflag:$0x9], $0x10, s20, s17, $0xb8;
	[tilespmem:$0xB000] =	vst v63  }
0xf3: {  	_ =	swait.ge @p1 [sflag:s13], $0x800  }
0xf4: {  	[sflag:s13] =	ssyncset.done @p1 $0x0  }
0xf5: {  	s20 =	sadd.s32 @!p1 $0x500, s30;
	s24 =	simm.s32 @!p1 $0x5800;
	[sflag:s13] =	ssyncadd.s32 @p1 $0xFFFFF800  }
0xf6: {  	[tilespmem:s24], [sflag:$0x3] =	stream.indirect.gather @!p1 [hbm4b:s4+s0], $0x10, s20, s0, $0xb8;
	[tilespmem:$0xB000] =	vst v63  }
0xf7: {  	s20 =	simm.s32 @!p1 $0x4  }
0xf8: {  	_ =	swait.ge @!p1 [sflag:s20], $0x800  }
0xf9: {  	[sflag:s20] =	ssyncset.done @!p1 $0x0  }
0xfa: {  	s24 =	simm.s32 @!p1 $0x6000;
	[sflag:s20] =	ssyncadd.s32 @!p1 $0xFFFFF800;
	s20 =	sadd.s32 @!p1 $0x2580, s30  }
0xfb: {  	[spmem:s1] =	stream.indirect.scatter.add.f32 @!p1 [tilespmem:s24], [sflag:$0x9], $0x10, s20, s0, $0xb8;
	[tilespmem:$0xB000] =	vst v63  }
0xfc: {  	_ =	swait.ge @!p1 [sflag:s14], $0x800  }
0xfd: {  	[sflag:s14] =	ssyncset.done @!p1 $0x0  }
0xfe: {  	s20 =	sadd.s32 @!p1 $0x580, s30;
	[sflag:s14] =	ssyncadd.s32 @!p1 $0xFFFFF800  }
0xff: {  	[tilespmem:s24], [sflag:$0x4] =	stream.indirect.gather @!p1 [hbm4b:s4+s0], $0x10, s20, s0, $0xb8;
	[tilespmem:$0xB000] =	vst v63  }
0x100: {  	_ =	swait.ge [sflag:s11], $0x800  }
0x101: {  	[sflag:s11] =	ssyncset.done $0x0  }
0x102: {  	s24 =	sadd.s32 $0x2600, s28;
	[sflag:s11] =	ssyncadd.s32 $0xFFFFF800  }
0x103: {  	[spmem:s1] =	stream.indirect.scatter.add.f32 [tilespmem:s26], [sflag:$0x9], $0x10, s24, s18, $0xb8;
	[tilespmem:$0xB000] =	vst v63  }
0x104: {  	_ =	swait.ge [sflag:s16], $0x800  }
0x105: {  	[sflag:s16] =	ssyncset.done $0x0  }
0x106: {  	s20 =	simm.s32 @p1 $0x6;
	[sflag:s16] =	ssyncadd.s32 $0xFFFFF800  }
0x107: {  	_ =	swait.ge @p1 [sflag:s20], $0x800  }
0x108: {  	[sflag:s20] =	ssyncset.done @p1 $0x0  }
0x109: {  	s5 =	sadd.s32 @p1 $0x2680, s5;
	[sflag:s20] =	ssyncadd.s32 @p1 $0xFFFFF800;
	s20 =	simm.s32 @p1 $0x7000  }
0x10a: {  	[spmem:s1] =	stream.indirect.scatter.add.f32 @p1 [tilespmem:s20], [sflag:$0x9], $0x10, s5, s17, $0xb8;
	[tilespmem:$0xB000] =	vst v63  }
0x10b: {  	_ =	swait.ge @p1 [sflag:s13], $0x800  }
0x10c: {  	[sflag:s13] =	ssyncset.done @p1 $0x0  }
0x10d: {  	s5 =	sadd.s32 @!p1 $0x600, s30;
	[sflag:s13] =	ssyncadd.s32 @p1 $0xFFFFF800;
	s13 =	simm.s32 @!p1 $0x6800  }
0x10e: {  	[tilespmem:s13], [sflag:$0x5] =	stream.indirect.gather @!p1 [hbm4b:s4+s0], $0x10, s5, s0, $0xb8;
	[tilespmem:$0xB000] =	vst v63  }
0x10f: {  	s5 =	simm.s32 @!p1 $0x6  }
0x110: {  	_ =	swait.ge @!p1 [sflag:s5], $0x800  }
0x111: {  	[sflag:s5] =	ssyncset.done @!p1 $0x0  }
0x112: {  	s13 =	simm.s32 @!p1 $0x7000;
	[sflag:s5] =	ssyncadd.s32 @!p1 $0xFFFFF800;
	s5 =	sadd.s32 @!p1 $0x2680, s30  }
0x113: {  	[spmem:s1] =	stream.indirect.scatter.add.f32 @!p1 [tilespmem:s13], [sflag:$0x9], $0x10, s5, s0, $0xb8;
	[tilespmem:$0xB000] =	vst v63  }
0x114: {  	_ =	swait.ge @!p1 [sflag:s14], $0x800  }
0x115: {  	[sflag:s14] =	ssyncset.done @!p1 $0x0  }
0x116: {  	s5 =	sadd.s32 @!p1 $0x680, s30;
	[sflag:s14] =	ssyncadd.s32 @!p1 $0xFFFFF800  }
0x117: {  	[tilespmem:s13], [sflag:$0x6] =	stream.indirect.gather @!p1 [hbm4b:s4+s0], $0x10, s5, s0, $0xb8;
	[tilespmem:$0xB000] =	vst v63  }
0x118: {  	_ =	swait.ge [sflag:s2], $0x800  }
0x119: {  	[sflag:s2] =	ssyncset.done $0x0  }
.Ltmp4:
0x11a: {  	s30 =	sadd.s32 $0x2700, s28;
	[sflag:s2] =	ssyncadd.s32 $0xFFFFF800;
	(pc) =	sbr.rel @p1 .LBB2_5-.Ltmp4, $4  }
0x11b: {  	[spmem:s1] =	stream.indirect.scatter.add.f32 [tilespmem:s31], [sflag:$0x9], $0x10, s30, s18, $0xb8;
	[tilespmem:$0xB000] =	vst v63  }
0x11c: {  	_ =	swait.ge [sflag:s16], $0x800  }
0x11d: {  	[sflag:s16] =	ssyncset.done $0x0  }
0x11e: {  	s0 =	sadd.s32 $0x2780, s28;
	[sflag:s16] =	ssyncadd.s32 $0xFFFFF800  }
0x11f: {  	s5 =	sadd.s32 $0x700, s28  }
0x120: {  	[tilespmem:s31], [sflag:$0x7] =	stream.indirect.gather [hbm4b:s4+s18], $0x10, s5, s18, $0xb8;
	[tilespmem:$0xB000] =	vst v63  }
0x121: {  	_ =	swait.ge [sflag:s21], $0x800  }
0x122: {  	[sflag:s21] =	ssyncset.done $0x0  }
0x123: {  	[sflag:s21] =	ssyncadd.s32 $0xFFFFF800  }
0x124: {  	[spmem:s1] =	stream.indirect.scatter.add.f32 [tilespmem:s3], [sflag:$0x9], $0x10, s0, s18, $0xb8;
	[tilespmem:$0xB000] =	vst v63  }
.Ltmp5:
0x125: {  	_ = 	snop;
	(pc) =	sbr.rel .LBB2_3-.Ltmp5, $4  }
0x126: {  	_ =	swait.ge [sflag:s16], $0x800  }
0x127: {  	[sflag:s16] =	ssyncset.done $0x0  }
0x128: {  	s30 =	sadd.s32 $0x780, s28;
	s25 =	sadd.s32 $0x1000, s25;
	[sflag:s16] =	ssyncadd.s32 $0xFFFFF800  }
0x129: {  	[tilespmem:s3], [sflag:$0x8] =	stream.indirect.gather [hbm4b:s4+s18], $0x10, s30, s18, $0xb8;
	[tilespmem:$0xB000] =	vst v63  }
.LBB2_5:
0x12a: {  	_ =	swait.ge [sflag:s21], $0x800  }
0x12b: {  	[sflag:s21] =	ssyncset.done $0x0  }
0x12c: {  	[sflag:s21] =	ssyncadd.s32 $0xFFFFF800  }
0x12d: {  	[spmem:s1] =	stream.indirect.scatter.add.f32 [tilespmem:s3], [sflag:$0x9], $0x10, s0, s18, $0xb8;
	[tilespmem:$0xB000] =	vst v63  }
0x12e: {  	_ =	swait.ge [sflag:s16], $0x800  }
0x12f: {  	[sflag:s16] =	ssyncset.done $0x0  }
0x130: {  	s25 =	simm.s32 $0x0;
	s28 =	rddreg [dreg:$0x8];
	[sflag:s16] =	ssyncadd.s32 $0xFFFFF800  }
0x131: {  	[tilespmem:s25], [sflag:$0x9] =	stream.linear.gather [hbm4b:s28+s25], $0x2400, $0x38;
	[tilespmem:$0xB000] =	vst v63  }
0x132: {  	_ =	swait.ge [sflag:s16], $0x2400  }
0x133: {  	[sflag:s16] =	ssyncset.done $0x0  }
0x134: {  	s5 =	simm.s32 $0x2400;
	s30 =	rddreg [dreg:$0x9];
	[sflag:s16] =	ssyncadd.s32 $0xFFFFDC00  }
0x135: {  	[tilespmem:s5], [sflag:$0x9] =	stream.linear.gather [hbm4b:s30+s25], $0x2400, $0x38;
	[tilespmem:$0xB000] =	vst v63  }
0x136: {  	_ =	swait.ge [sflag:s16], $0x2400  }
0x137: {  	[sflag:s16] =	ssyncset.done $0x0  }
0x138: {  	[sflag:s16] =	ssyncadd.s32 $0xFFFFDC00  }
0x139: {  	[tilespmem:s19], [sflag:$0x1] =	stream.indirect.gather [hbm4b:s4+s18], $0x10, s25, s18, $0xb8;
	[tilespmem:$0xB000] =	vst v63  }
0x13a: {  	s13 =	simm.s32 $0x5000  }
0x13b: {  	[tilespmem:s13], [sflag:$0x2] =	stream.indirect.gather [hbm4b:s4+s18], $0x10, s18, s18, $0xb8;
	[tilespmem:$0xB000] =	vst v63  }
0x13c: {  	s14 =	simm.s32 $0x100  }
0x13d: {  	[tilespmem:s22], [sflag:$0x3] =	stream.indirect.gather [hbm4b:s4+s18], $0x10, s14, s18, $0xb8;
	[tilespmem:$0xB000] =	vst v63  }
0x13e: {  	s17 =	simm.s32 $0x180  }
0x13f: {  	[tilespmem:s10], [sflag:$0x4] =	stream.indirect.gather [hbm4b:s4+s18], $0x10, s17, s18, $0xb8;
	[tilespmem:$0xB000] =	vst v63  }
0x140: {  	s20 =	simm.s32 $0x200  }
0x141: {  	[tilespmem:s26], [sflag:$0x5] =	stream.indirect.gather [hbm4b:s4+s18], $0x10, s20, s18, $0xb8;
	[tilespmem:$0xB000] =	vst v63  }
0x142: {  	s24 =	simm.s32 $0x280  }
0x143: {  	[tilespmem:s12], [sflag:$0x6] =	stream.indirect.gather [hbm4b:s4+s18], $0x10, s24, s18, $0xb8;
	[tilespmem:$0xB000] =	vst v63  }
0x144: {  	s28 =	simm.s32 $0x300  }
0x145: {  	[tilespmem:s31], [sflag:$0x7] =	stream.indirect.gather [hbm4b:s4+s18], $0x10, s28, s18, $0xb8;
	[tilespmem:$0xB000] =	vst v63  }
0x146: {  	s30 =	simm.s32 $0x380  }
0x147: {  	[tilespmem:s3], [sflag:$0x8] =	stream.indirect.gather [hbm4b:s4+s18], $0x10, s30, s18, $0xb8;
	[tilespmem:$0xB000] =	vst v63  }
.LBB2_6:
0x148: {  	_ =	swait.ge [sflag:s7], $0x800  }
0x149: {  	s28 =	sshra.s32 s25, $0x2;
	[sflag:s7] =	ssyncset.done $0x0  }
0x14a: {  	s0 =	sadd.s32 $0x2400, s28;
	[sflag:s7] =	ssyncadd.s32 $0xFFFFF800  }
0x14b: {  	[spmem:s1] =	stream.indirect.scatter.add.f32 [tilespmem:s19], [sflag:$0x9], $0x10, s0, s18, $0xb8;
	[tilespmem:$0xB000] =	vst v63  }
0x14c: {  	_ =	swait.ge [sflag:s16], $0x800  }
0x14d: {  	p1 =	seq.s32 s25, $0x8000;
	[sflag:s16] =	ssyncset.done $0x0  }
0x14e: {  	s0 =	simm.s32 @p1 $0x2;
	[sflag:s16] =	ssyncadd.s32 $0xFFFFF800  }
0x14f: {  	s5 =	sshra.s32 @p1 s25, $0x2;
	_ =	swait.ge @p1 [sflag:s0], $0x800  }
0x150: {  	s13 =	simm.s32 @p1 $0x80;
	s14 =	simm.s32 @p1 $0x5000;
	[sflag:s0] =	ssyncset.done @p1 $0x0  }
0x151: {  	s17 =	simm.s32 @p1 $0x9;
	[sflag:s0] =	ssyncadd.s32 @p1 $0xFFFFF800;
	s0 =	sadd.s32 @p1 $0x2480, s5  }
0x152: {  	[spmem:s1] =	stream.indirect.scatter.add.f32 @p1 [tilespmem:s14], [sflag:$0x9], $0x10, s0, s13, $0xb8;
	[tilespmem:$0xB000] =	vst v63  }
0x153: {  	_ =	swait.ge @p1 [sflag:s17], $0x800  }
0x154: {  	s30 =	sshra.s32 @!p1 s25, $0x2;
	s20 =	simm.s32 @!p1 $0x4800;
	[sflag:s17] =	ssyncset.done @p1 $0x0  }
0x155: {  	s14 =	sadd.s32 @!p1 $0x400, s30;
	s0 =	simm.s32 @!p1 $0x80;
	[sflag:s17] =	ssyncadd.s32 @p1 $0xFFFFF800  }
0x156: {  	[tilespmem:s20], [sflag:$0x1] =	stream.indirect.gather @!p1 [hbm4b:s4+s0], $0x10, s14, s0, $0xb8;
	[tilespmem:$0xB000] =	vst v63  }
0x157: {  	s14 =	simm.s32 @!p1 $0x2  }
0x158: {  	_ =	swait.ge @!p1 [sflag:s14], $0x800  }
0x159: {  	[sflag:s14] =	ssyncset.done @!p1 $0x0  }
0x15a: {  	s20 =	simm.s32 @!p1 $0x5000;
	[sflag:s14] =	ssyncadd.s32 @!p1 $0xFFFFF800;
	s14 =	sadd.s32 @!p1 $0x2480, s30  }
0x15b: {  	[spmem:s1] =	stream.indirect.scatter.add.f32 @!p1 [tilespmem:s20], [sflag:$0x9], $0x10, s14, s0, $0xb8;
	[tilespmem:$0xB000] =	vst v63  }
0x15c: {  	s14 =	simm.s32 @!p1 $0x9  }
0x15d: {  	_ =	swait.ge @!p1 [sflag:s14], $0x800  }
0x15e: {  	[sflag:s14] =	ssyncset.done @!p1 $0x0  }
0x15f: {  	s24 =	sadd.s32 @!p1 $0x480, s30;
	[sflag:s14] =	ssyncadd.s32 @!p1 $0xFFFFF800  }
0x160: {  	[tilespmem:s20], [sflag:$0x2] =	stream.indirect.gather @!p1 [hbm4b:s4+s0], $0x10, s24, s0, $0xb8;
	[tilespmem:$0xB000] =	vst v63  }
0x161: {  	_ =	swait.ge [sflag:s9], $0x800  }
0x162: {  	[sflag:s9] =	ssyncset.done $0x0  }
0x163: {  	s24 =	sadd.s32 $0x2500, s28;
	[sflag:s9] =	ssyncadd.s32 $0xFFFFF800  }
0x164: {  	[spmem:s1] =	stream.indirect.scatter.add.f32 [tilespmem:s22], [sflag:$0x9], $0x10, s24, s18, $0xb8;
	[tilespmem:$0xB000] =	vst v63  }
0x165: {  	_ =	swait.ge [sflag:s16], $0x800  }
0x166: {  	[sflag:s16] =	ssyncset.done $0x0  }
0x167: {  	s20 =	simm.s32 @p1 $0x4;
	[sflag:s16] =	ssyncadd.s32 $0xFFFFF800  }
0x168: {  	_ =	swait.ge @p1 [sflag:s20], $0x800  }
0x169: {  	[sflag:s20] =	ssyncset.done @p1 $0x0  }
0x16a: {  	s24 =	simm.s32 @p1 $0x6000;
	[sflag:s20] =	ssyncadd.s32 @p1 $0xFFFFF800;
	s20 =	sadd.s32 @p1 $0x2580, s5  }
0x16b: {  	[spmem:s1] =	stream.indirect.scatter.add.f32 @p1 [tilespmem:s24], [sflag:$0x9], $0x10, s20, s13, $0xb8;
	[tilespmem:$0xB000] =	vst v63  }
0x16c: {  	_ =	swait.ge @p1 [sflag:s17], $0x800  }
0x16d: {  	[sflag:s17] =	ssyncset.done @p1 $0x0  }
0x16e: {  	s20 =	sadd.s32 @!p1 $0x500, s30;
	s24 =	simm.s32 @!p1 $0x5800;
	[sflag:s17] =	ssyncadd.s32 @p1 $0xFFFFF800  }
0x16f: {  	[tilespmem:s24], [sflag:$0x3] =	stream.indirect.gather @!p1 [hbm4b:s4+s0], $0x10, s20, s0, $0xb8;
	[tilespmem:$0xB000] =	vst v63  }
0x170: {  	s20 =	simm.s32 @!p1 $0x4  }
0x171: {  	_ =	swait.ge @!p1 [sflag:s20], $0x800  }
0x172: {  	[sflag:s20] =	ssyncset.done @!p1 $0x0  }
0x173: {  	s24 =	simm.s32 @!p1 $0x6000;
	[sflag:s20] =	ssyncadd.s32 @!p1 $0xFFFFF800;
	s20 =	sadd.s32 @!p1 $0x2580, s30  }
0x174: {  	[spmem:s1] =	stream.indirect.scatter.add.f32 @!p1 [tilespmem:s24], [sflag:$0x9], $0x10, s20, s0, $0xb8;
	[tilespmem:$0xB000] =	vst v63  }
0x175: {  	_ =	swait.ge @!p1 [sflag:s14], $0x800  }
0x176: {  	[sflag:s14] =	ssyncset.done @!p1 $0x0  }
0x177: {  	s20 =	sadd.s32 @!p1 $0x580, s30;
	[sflag:s14] =	ssyncadd.s32 @!p1 $0xFFFFF800  }
0x178: {  	[tilespmem:s24], [sflag:$0x4] =	stream.indirect.gather @!p1 [hbm4b:s4+s0], $0x10, s20, s0, $0xb8;
	[tilespmem:$0xB000] =	vst v63  }
0x179: {  	_ =	swait.ge [sflag:s11], $0x800  }
0x17a: {  	[sflag:s11] =	ssyncset.done $0x0  }
0x17b: {  	s24 =	sadd.s32 $0x2600, s28;
	[sflag:s11] =	ssyncadd.s32 $0xFFFFF800  }
0x17c: {  	[spmem:s1] =	stream.indirect.scatter.add.f32 [tilespmem:s26], [sflag:$0x9], $0x10, s24, s18, $0xb8;
	[tilespmem:$0xB000] =	vst v63  }
0x17d: {  	_ =	swait.ge [sflag:s16], $0x800  }
0x17e: {  	[sflag:s16] =	ssyncset.done $0x0  }
0x17f: {  	s20 =	simm.s32 @p1 $0x6;
	[sflag:s16] =	ssyncadd.s32 $0xFFFFF800  }
0x180: {  	_ =	swait.ge @p1 [sflag:s20], $0x800  }
0x181: {  	[sflag:s20] =	ssyncset.done @p1 $0x0  }
0x182: {  	s5 =	sadd.s32 @p1 $0x2680, s5;
	[sflag:s20] =	ssyncadd.s32 @p1 $0xFFFFF800;
	s20 =	simm.s32 @p1 $0x7000  }
0x183: {  	[spmem:s1] =	stream.indirect.scatter.add.f32 @p1 [tilespmem:s20], [sflag:$0x9], $0x10, s5, s13, $0xb8;
	[tilespmem:$0xB000] =	vst v63  }
0x184: {  	_ =	swait.ge @p1 [sflag:s17], $0x800  }
0x185: {  	[sflag:s17] =	ssyncset.done @p1 $0x0  }
0x186: {  	s5 =	sadd.s32 @!p1 $0x600, s30;
	s13 =	simm.s32 @!p1 $0x6800;
	[sflag:s17] =	ssyncadd.s32 @p1 $0xFFFFF800  }
0x187: {  	[tilespmem:s13], [sflag:$0x5] =	stream.indirect.gather @!p1 [hbm4b:s4+s0], $0x10, s5, s0, $0xb8;
	[tilespmem:$0xB000] =	vst v63  }
0x188: {  	s5 =	simm.s32 @!p1 $0x6  }
0x189: {  	_ =	swait.ge @!p1 [sflag:s5], $0x800  }
0x18a: {  	[sflag:s5] =	ssyncset.done @!p1 $0x0  }
0x18b: {  	s13 =	simm.s32 @!p1 $0x7000;
	[sflag:s5] =	ssyncadd.s32 @!p1 $0xFFFFF800;
	s5 =	sadd.s32 @!p1 $0x2680, s30  }
0x18c: {  	[spmem:s1] =	stream.indirect.scatter.add.f32 @!p1 [tilespmem:s13], [sflag:$0x9], $0x10, s5, s0, $0xb8;
	[tilespmem:$0xB000] =	vst v63  }
0x18d: {  	_ =	swait.ge @!p1 [sflag:s14], $0x800  }
0x18e: {  	[sflag:s14] =	ssyncset.done @!p1 $0x0  }
0x18f: {  	s5 =	sadd.s32 @!p1 $0x680, s30;
	[sflag:s14] =	ssyncadd.s32 @!p1 $0xFFFFF800  }
0x190: {  	[tilespmem:s13], [sflag:$0x6] =	stream.indirect.gather @!p1 [hbm4b:s4+s0], $0x10, s5, s0, $0xb8;
	[tilespmem:$0xB000] =	vst v63  }
0x191: {  	_ =	swait.ge [sflag:s2], $0x800  }
0x192: {  	[sflag:s2] =	ssyncset.done $0x0  }
.Ltmp6:
0x193: {  	s30 =	sadd.s32 $0x2700, s28;
	[sflag:s2] =	ssyncadd.s32 $0xFFFFF800;
	(pc) =	sbr.rel @p1 .LBB2_9-.Ltmp6, $4  }
0x194: {  	[spmem:s1] =	stream.indirect.scatter.add.f32 [tilespmem:s31], [sflag:$0x9], $0x10, s30, s18, $0xb8;
	[tilespmem:$0xB000] =	vst v63  }
0x195: {  	_ =	swait.ge [sflag:s16], $0x800  }
0x196: {  	[sflag:s16] =	ssyncset.done $0x0  }
0x197: {  	s0 =	sadd.s32 $0x2780, s28;
	[sflag:s16] =	ssyncadd.s32 $0xFFFFF800  }
0x198: {  	s5 =	sadd.s32 $0x700, s28  }
0x199: {  	[tilespmem:s31], [sflag:$0x7] =	stream.indirect.gather [hbm4b:s4+s18], $0x10, s5, s18, $0xb8;
	[tilespmem:$0xB000] =	vst v63  }
0x19a: {  	_ =	swait.ge [sflag:s21], $0x800  }
0x19b: {  	[sflag:s21] =	ssyncset.done $0x0  }
0x19c: {  	[sflag:s21] =	ssyncadd.s32 $0xFFFFF800  }
0x19d: {  	[spmem:s1] =	stream.indirect.scatter.add.f32 [tilespmem:s3], [sflag:$0x9], $0x10, s0, s18, $0xb8;
	[tilespmem:$0xB000] =	vst v63  }
.Ltmp7:
0x19e: {  	_ = 	snop;
	(pc) =	sbr.rel .LBB2_6-.Ltmp7, $4  }
0x19f: {  	_ =	swait.ge [sflag:s16], $0x800  }
0x1a0: {  	[sflag:s16] =	ssyncset.done $0x0  }
0x1a1: {  	s30 =	sadd.s32 $0x780, s28;
	s25 =	sadd.s32 $0x1000, s25;
	[sflag:s16] =	ssyncadd.s32 $0xFFFFF800  }
0x1a2: {  	[tilespmem:s3], [sflag:$0x8] =	stream.indirect.gather [hbm4b:s4+s18], $0x10, s30, s18, $0xb8;
	[tilespmem:$0xB000] =	vst v63  }
.LBB2_11:
0x1a3: {  	_ =	sfence.sel $0x180000  }
0x1a4: {  	[bflag:$0x0] =	sbarrier.arrive $0xFFFF  }
0x1a5: {  	_ =	strace $0x90000047  }
0x1a6: {  	s0 =	stileid.u32;
	[bflag:$0x2] =	sbarrier.arrive $0xFFFF  }
0x1a7: {  	p0 =	sne.s32 s0, $0x0;
	s0 =	rddreg [dreg:$0x5]  }
0x1a8: {  	s0 =	sadd.s32 @!p0 $0x100000, s0  }
0x1a9: {  	[sflag:s0] =	ssyncadd.tile.s32 @!p0 $0x1;
	_ =	shalt  }
.Lfunc_end2:
_tile_overlayer_lowered:
.L_overlay_start_2:
0x1aa: {  	(tag) =	ssettag $0x2  }
0x1ab: {  	s0 =	rddreg [dreg:$0x0];
	s2 =	stileid.u32  }
0x1ac: {  	s1 =	rddreg [dreg:$0x1];
	p0 =	sne.s32 s2, $0x0  }
0x1ad: {  	s3 =	rddreg [dreg:$0x2];
	[bflag:$0x3] =	sbarrier.arrive $0xFFFF;
	s2 =	simm.s32 @!p0 $0x1C09  }
0x1ae: {  	[timem:s3], [sflag:s2] =	dma.local @!p0 [hbm:s0], s1  }
0x1af: {  	s0 =	simm.s32 @!p0 $0x9  }
0x1b0: {  	_ =	swait.ge @!p0 [sflag:s0], s1  }
0x1b1: {  	s1 =	ssub.s32 @!p0 $0x0, s1;
	[sflag:s0] =	ssyncset.done @!p0 $0x0  }
0x1b2: {  	[sflag:s0] =	ssyncadd.s32 @!p0 s1  }
0x1b3: {  	[bflag:$0x3] =	sbarrier.arrive $0xFFFF  }
0x1b4: {  	_ =	shalt  }

</sc_bundles>
